<compile_context>
chip_gen: v7x
topology: tpu7x:2x2x1
jax: 0.10.2.dev20260603
libtpu: 0.0.44.dev20260713+nightly
codegen_flags: <defaults>
</compile_context>

<pallas_src>
import functools

import jax
import jax.numpy as jnp
from jax import lax
from jax.experimental import pallas as pl
from jax.experimental.pallas import tpu as pltpu
from jax.experimental.pallas import tpu_sc as plsc

B = 16384
D = 32
N = 1000000
EPS = 1e-5
L = 16
NC = 2
NS = 16
DH = D // NC
ROWS = B // NS
TW = 128
NBUF = 8


def _rsqrt(v):
    i = lax.bitcast_convert_type(v, jnp.int32)
    i = jnp.int32(0x5F3759DF) - lax.shift_right_logical(i, 1)
    y = lax.bitcast_convert_type(i, jnp.float32)
    for _ in range(3):
        y = y * (1.5 - 0.5 * v * y * y)
    return y


def kernel(x, table, gamma, beta):
    mesh = plsc.VectorSubcoreMesh(
        core_axis_name="c", subcore_axis_name="s",
        num_cores=NC, num_subcores=NS)

    @functools.partial(
        pl.kernel,
        out_type=jax.ShapeDtypeStruct((D, B), jnp.float32),
        mesh=mesh,
        compiler_params=pltpu.CompilerParams(
            use_tc_tiling_on_sc=True, needs_layout_passes=False),
        scratch_types=[
            pltpu.VMEM((ROWS + L,), jnp.int32),
            pltpu.VMEM((NBUF, DH, TW), jnp.float32),
            pltpu.VMEM((DH, ROWS), jnp.float32),
            pltpu.VMEM((8, 128), jnp.float32),
            pltpu.VMEM((NS, 8, 128), jnp.float32),
            pltpu.VMEM((D,), jnp.float32),
            pltpu.VMEM((D,), jnp.float32),
            pltpu.VMEM_SHARED((NS, 8, 128), jnp.float32),
        ] + [pltpu.SemaphoreType.DMA] * NBUF,
        )
    def sc_kernel(x_hbm, tableT_hbm, gamma_hbm, beta_hbm, outT_hbm,
                  idx_v, ring, buf, part_v, all_v, g_v, b_v, shared,
                  *sems):
        cid = lax.axis_index("c")
        sid = lax.axis_index("s")
        base = pl.multiple_of(sid * ROWS, ROWS)
        dbase = pl.multiple_of(cid * DH, DH)

        pltpu.sync_copy(x_hbm.at[pl.ds(base, ROWS)], idx_v.at[pl.ds(0, ROWS)])
        pltpu.sync_copy(gamma_hbm, g_v)
        pltpu.sync_copy(beta_hbm, b_v)

        lanes = lax.iota(jnp.int32, L)

        def issue(r_scalar, u):
            tc = pl.multiple_of((r_scalar >> 7) * TW, TW)
            return pltpu.async_copy(
                tableT_hbm.at[pl.ds(dbase, DH), pl.ds(tc, TW)],
                ring.at[u], sems[u])

        first = idx_v[pl.ds(0, L)]
        for u in range(NBUF):
            issue(first[u], u)

        GRP = ROWS // L
        zero = jnp.zeros((L,), jnp.float32)

        def body(g, carry):
            s, q = carry
            va = idx_v[pl.ds(g * L, L)]
            vb = idx_v[pl.ds(g * L + L, L)]
            for u in range(L):
                j = g * L + u
                slot = u % NBUF
                pltpu.make_async_copy(
                    tableT_hbm.at[pl.ds(dbase, DH), pl.ds(0, TW)],
                    ring.at[slot], sems[slot]).wait()
                lane = va[u] & 127
                v = plsc.load_gather(
                    ring, [jnp.full((L,), slot, jnp.int32), lanes,
                           jnp.full((L,), lane, jnp.int32)])
                s = s + v
                q = q + v * v
                plsc.store_scatter(
                    buf, [lanes, jnp.full((L,), j, jnp.int32)], v)
                if NBUF == L:
                    @pl.when(g < GRP - 1)
                    def _():
                        issue(vb[u], slot)
                elif u < NBUF:
                    issue(va[u + NBUF], slot)
                else:
                    @pl.when(g < GRP - 1)
                    def _():
                        issue(vb[u - NBUF], slot)
            return s, q

        s, q = lax.fori_loop(0, GRP, body, (zero, zero))

        zi = jnp.zeros((L,), jnp.int32)
        plsc.store_scatter(part_v, [zi, lanes], s)
        plsc.store_scatter(part_v, [zi + 1, lanes], q)
        pltpu.sync_copy(part_v, shared.at[sid])
        plsc.subcore_barrier()
        pltpu.sync_copy(shared, all_v)

        s = zero
        q = zero
        for w in range(NS):
            wv = jnp.full((L,), w, jnp.int32)
            s = s + plsc.load_gather(all_v, [wv, zi, lanes])
            q = q + plsc.load_gather(all_v, [wv, zi + 1, lanes])

        rb = jnp.float32(1.0 / B)
        m = s * rb
        inv = _rsqrt(q * rb - m * m + jnp.float32(EPS))
        dsel = lanes + cid * DH
        a = plsc.load_gather(g_v, [dsel]) * inv
        cc = plsc.load_gather(b_v, [dsel]) - m * a

        def norm_body(t, carry):
            for u in range(8):
                j = t * 8 + u
                jv = jnp.full((L,), j, jnp.int32)
                v = plsc.load_gather(buf, [lanes, jv])
                plsc.store_scatter(
                    buf, [lanes, jv], jnp.maximum(v * a + cc, 0.0))
            return carry

        lax.fori_loop(0, ROWS // 8, norm_body, 0)
        pltpu.sync_copy(buf, outT_hbm.at[pl.ds(dbase, DH), pl.ds(base, ROWS)])

    tT = table.T
    outT = sc_kernel(x.astype(jnp.int32), tT, gamma, beta)
    return outT.T

# --- scband reference (transcript-rebuilt; emitter-appended) ---
"""Pipeline reference for scband-embedding-layer-12524124635907 (READ-ONLY COPY).

The authoritative reference and input builder live on the scoring server;
editing this copy changes nothing except your own understanding.
"""

import jax, jax.numpy as jnp
import numpy as np

NODE_NUM = 1000000
DIM = 32
BATCH = 16384
EPS = 1e-5

def setup_inputs(seed: int = 0) -> dict:
    key = jax.random.key(seed)
    k1, k2 = jax.random.split(key)
    x = jax.random.randint(k1, (BATCH,), 0, NODE_NUM)
    # xavier_uniform init for embedding weight: bound = sqrt(6 / (fan_in + fan_out))
    bound = float(np.sqrt(6.0 / (NODE_NUM + DIM)))
    table = jax.random.uniform(k2, (NODE_NUM, DIM), minval=-bound, maxval=bound, dtype=jnp.float32)
    gamma = jnp.ones((DIM,), dtype=jnp.float32)
    beta = jnp.zeros((DIM,), dtype=jnp.float32)
    return {"x": x, "table": table, "gamma": gamma, "beta": beta}

def reference(x, table, gamma, beta):
    # embedding lookup (gather)
    out = jnp.take(table, x, axis=0)  # [B, DIM]
    # BatchNorm1d in training mode: normalize over batch dim with biased variance
    mean = jnp.mean(out, axis=0)
    var = jnp.var(out, axis=0)
    out = (out - mean) / jnp.sqrt(var + EPS)
    out = out * gamma + beta
    # ReLU
    out = jax.nn.relu(out)
    return out

if __name__ == "__main__":
    import jax
    _d = setup_inputs()
    print(jax.jit(kernel)(*tuple(_d.values())))

</pallas_src>

<mosaic_0001>
#map = affine_map<(d0, d1) -> (0)>
#map1 = affine_map<(d0, d1) -> (0, 0)>
module attributes {stable_mosaic.version = 14 : i64} {
  func.func @sc_kernel(%arg0: i32, %arg1: i32, %arg2: memref<16384xi32, #tpu.memory_space<hbm>>, %arg3: memref<32x1000000xf32, #tpu.memory_space<hbm>>, %arg4: memref<32xf32, #tpu.memory_space<hbm>>, %arg5: memref<32xf32, #tpu.memory_space<hbm>>, %arg6: memref<32x16384xf32, #tpu.memory_space<hbm>>, %arg7: memref<1040xi32, #tpu.memory_space<vmem>>, %arg8: memref<8x16x128xf32, #tpu.memory_space<vmem>>, %arg9: memref<16x1024xf32, #tpu.memory_space<vmem>>, %arg10: memref<8x128xf32, #tpu.memory_space<vmem>>, %arg11: memref<16x8x128xf32, #tpu.memory_space<vmem>>, %arg12: memref<32xf32, #tpu.memory_space<vmem>>, %arg13: memref<32xf32, #tpu.memory_space<vmem>>, %arg14: memref<16x8x128xf32, #tpu.memory_space<vmem_shared>>, %arg15: memref<!tpu.dma_semaphore, #tpu.memory_space<semaphore_mem>>, %arg16: memref<!tpu.dma_semaphore, #tpu.memory_space<semaphore_mem>>, %arg17: memref<!tpu.dma_semaphore, #tpu.memory_space<semaphore_mem>>, %arg18: memref<!tpu.dma_semaphore, #tpu.memory_space<semaphore_mem>>, %arg19: memref<!tpu.dma_semaphore, #tpu.memory_space<semaphore_mem>>, %arg20: memref<!tpu.dma_semaphore, #tpu.memory_space<semaphore_mem>>, %arg21: memref<!tpu.dma_semaphore, #tpu.memory_space<semaphore_mem>>, %arg22: memref<!tpu.dma_semaphore, #tpu.memory_space<semaphore_mem>>) attributes {dimension_semantics = [#tpu.dimension_semantics<core_parallel>, #tpu.dimension_semantics<subcore_parallel>], iteration_bounds = array<i64: 2, 16>, scalar_prefetch = 0 : i64, scratch_operands = 16 : i64, tpu.core_type = #tpu.core_type<sc_vector_subcore>, window_params = [{transform_indices = #map}, {transform_indices = #map1}, {transform_indices = #map}, {transform_indices = #map}, {transform_indices = #map1}]} {
    %mul3A = arith.constant 1024 : i32
    %mul3A_0 = arith.muli %arg1, %mul3A : i32
    %multiple_of3A = tpu.assume_multiple %mul3A_0, 1024 : i32
    %mul3A_1 = arith.constant 16 : i32
    %mul3A_2 = arith.muli %arg0, %mul3A_1 : i32
    %multiple_of3A_3 = tpu.assume_multiple %mul3A_2, 16 : i32
    "tpu.region"() ({
      %run_scoped3A = tpu.sem_alloc : memref<!tpu.dma_semaphore, #tpu.memory_space<semaphore_mem>>
      %dma_start3A_356 = arith.constant 0 : i32
      %dma_start3A_357 = tpu.memref_slice %arg7[%dma_start3A_356] : memref<1040xi32, #tpu.memory_space<vmem>> -> memref<1024xi32, #tpu.memory_space<vmem>>
      %dma_start3A_358 = tpu.memref_slice %arg2[%multiple_of3A] : memref<16384xi32, #tpu.memory_space<hbm>> -> memref<1024xi32, #tpu.memory_space<hbm>>
      %dma_start3A_359 = arith.constant 0 : i32
      %dma_start3A_360 = tpu.memref_slice %arg7[%dma_start3A_359] : memref<1040xi32, #tpu.memory_space<vmem>> -> memref<1024xi32, #tpu.memory_space<vmem>>
      %dma_start3A_361 = tpu.memref_slice %arg2[%multiple_of3A] : memref<16384xi32, #tpu.memory_space<hbm>> -> memref<1024xi32, #tpu.memory_space<hbm>>
      tpu.enqueue_dma source(%dma_start3A_361 : memref<1024xi32, #tpu.memory_space<hbm>>) target(%dma_start3A_360 : memref<1024xi32, #tpu.memory_space<vmem>>) target_semaphore(%run_scoped3A : memref<!tpu.dma_semaphore, #tpu.memory_space<semaphore_mem>>)
      %dma_wait3A = arith.constant 0 : i32
      %dma_wait3A_362 = tpu.memref_slice %arg7[%dma_wait3A] : memref<1040xi32, #tpu.memory_space<vmem>> -> memref<1024xi32, #tpu.memory_space<vmem>>
      %dma_wait3A_363 = tpu.memref_slice %arg2[%multiple_of3A] : memref<16384xi32, #tpu.memory_space<hbm>> -> memref<1024xi32, #tpu.memory_space<hbm>>
      %dma_wait3A_364 = arith.constant 0 : i32
      %dma_wait3A_365 = tpu.memref_slice %arg7[%dma_wait3A_364] : memref<1040xi32, #tpu.memory_space<vmem>> -> memref<1024xi32, #tpu.memory_space<vmem>>
      %dma_wait3A_366 = tpu.memref_slice %arg2[%multiple_of3A] : memref<16384xi32, #tpu.memory_space<hbm>> -> memref<1024xi32, #tpu.memory_space<hbm>>
      tpu.wait_dma2 semaphore(%run_scoped3A : memref<!tpu.dma_semaphore, #tpu.memory_space<semaphore_mem>>) src(%dma_wait3A_366 : memref<1024xi32, #tpu.memory_space<hbm>>) dst(%dma_wait3A_365 : memref<1024xi32, #tpu.memory_space<vmem>>)
      tpu.yield
    }) : () -> ()
    "tpu.region"() ({
      %run_scoped3A = tpu.sem_alloc : memref<!tpu.dma_semaphore, #tpu.memory_space<semaphore_mem>>
      tpu.enqueue_dma source(%arg4 : memref<32xf32, #tpu.memory_space<hbm>>) target(%arg12 : memref<32xf32, #tpu.memory_space<vmem>>) target_semaphore(%run_scoped3A : memref<!tpu.dma_semaphore, #tpu.memory_space<semaphore_mem>>)
      tpu.wait_dma2 semaphore(%run_scoped3A : memref<!tpu.dma_semaphore, #tpu.memory_space<semaphore_mem>>) src(%arg4 : memref<32xf32, #tpu.memory_space<hbm>>) dst(%arg12 : memref<32xf32, #tpu.memory_space<vmem>>)
      tpu.yield
    }) : () -> ()
    "tpu.region"() ({
      %run_scoped3A = tpu.sem_alloc : memref<!tpu.dma_semaphore, #tpu.memory_space<semaphore_mem>>
      tpu.enqueue_dma source(%arg5 : memref<32xf32, #tpu.memory_space<hbm>>) target(%arg13 : memref<32xf32, #tpu.memory_space<vmem>>) target_semaphore(%run_scoped3A : memref<!tpu.dma_semaphore, #tpu.memory_space<semaphore_mem>>)
      tpu.wait_dma2 semaphore(%run_scoped3A : memref<!tpu.dma_semaphore, #tpu.memory_space<semaphore_mem>>) src(%arg5 : memref<32xf32, #tpu.memory_space<hbm>>) dst(%arg13 : memref<32xf32, #tpu.memory_space<vmem>>)
      tpu.yield
    }) : () -> ()
    %iota3A = tpu.iota {dimensions = array<i32: 0>} : vector<16xi32>
    %get3A = arith.constant 0 : index
    %get3A_4 = tpu.vector_load %arg7[%get3A] {strides = array<i32>} : memref<1040xi32, #tpu.memory_space<vmem>>, vector<16xi32>,
    %slice3A = vector.extract_strided_slice %get3A_4 {offsets = [0], sizes = [1], strides = [1]} : vector<16xi32> to vector<1xi32>
    %squeeze3A = vector.extract %slice3A[0] : i32 from vector<1xi32>
    %shift_right_arithmetic3A = arith.constant 7 : i32
    %shift_right_arithmetic3A_5 = arith.shrsi %squeeze3A, %shift_right_arithmetic3A : i32
    %mul3A_6 = arith.constant 128 : i32
    %mul3A_7 = arith.muli %shift_right_arithmetic3A_5, %mul3A_6 : i32
    %multiple_of3A_8 = tpu.assume_multiple %mul3A_7, 128 : i32
    %dma_start3A = arith.constant 0 : i32
    %dma_start3A_9 = arith.constant 0 : i32
    %dma_start3A_10 = arith.constant 0 : i32
    %dma_start3A_11 = tpu.memref_slice %arg8[%dma_start3A, %dma_start3A_9, %dma_start3A_10] : memref<8x16x128xf32, #tpu.memory_space<vmem>> -> memref<1x16x128xf32, #tpu.memory_space<vmem>>
    %dma_start3A_12 = tpu.memref_squeeze %dma_start3A_11 : memref<1x16x128xf32, #tpu.memory_space<vmem>> -> memref<16x128xf32, #tpu.memory_space<vmem>>
    %dma_start3A_13 = tpu.memref_slice %arg3[%multiple_of3A_3, %multiple_of3A_8] : memref<32x1000000xf32, #tpu.memory_space<hbm>> -> memref<16x128xf32, #tpu.memory_space<hbm>>
    %dma_start3A_14 = arith.constant 0 : i32
    %dma_start3A_15 = arith.constant 0 : i32
    %dma_start3A_16 = tpu.memref_slice %arg8[%dma_start3A, %dma_start3A_14, %dma_start3A_15] : memref<8x16x128xf32, #tpu.memory_space<vmem>> -> memref<1x16x128xf32, #tpu.memory_space<vmem>>
    %dma_start3A_17 = tpu.memref_squeeze %dma_start3A_16 : memref<1x16x128xf32, #tpu.memory_space<vmem>> -> memref<16x128xf32, #tpu.memory_space<vmem>>
    %dma_start3A_18 = tpu.memref_slice %arg3[%multiple_of3A_3, %multiple_of3A_8] : memref<32x1000000xf32, #tpu.memory_space<hbm>> -> memref<16x128xf32, #tpu.memory_space<hbm>>
    tpu.enqueue_dma source(%dma_start3A_18 : memref<16x128xf32, #tpu.memory_space<hbm>>) target(%dma_start3A_17 : memref<16x128xf32, #tpu.memory_space<vmem>>) target_semaphore(%arg15 : memref<!tpu.dma_semaphore, #tpu.memory_space<semaphore_mem>>)
    %slice3A_19 = vector.extract_strided_slice %get3A_4 {offsets = [1], sizes = [1], strides = [1]} : vector<16xi32> to vector<1xi32>
    %squeeze3A_20 = vector.extract %slice3A_19[0] : i32 from vector<1xi32>
    %shift_right_arithmetic3A_21 = arith.constant 7 : i32
    %shift_right_arithmetic3A_22 = arith.shrsi %squeeze3A_20, %shift_right_arithmetic3A_21 : i32
    %mul3A_23 = arith.constant 128 : i32
    %mul3A_24 = arith.muli %shift_right_arithmetic3A_22, %mul3A_23 : i32
    %multiple_of3A_25 = tpu.assume_multiple %mul3A_24, 128 : i32
    %dma_start3A_26 = arith.constant 1 : i32
    %dma_start3A_27 = arith.constant 0 : i32
    %dma_start3A_28 = arith.constant 0 : i32
    %dma_start3A_29 = tpu.memref_slice %arg8[%dma_start3A_26, %dma_start3A_27, %dma_start3A_28] : memref<8x16x128xf32, #tpu.memory_space<vmem>> -> memref<1x16x128xf32, #tpu.memory_space<vmem>>
    %dma_start3A_30 = tpu.memref_squeeze %dma_start3A_29 : memref<1x16x128xf32, #tpu.memory_space<vmem>> -> memref<16x128xf32, #tpu.memory_space<vmem>>
    %dma_start3A_31 = tpu.memref_slice %arg3[%multiple_of3A_3, %multiple_of3A_25] : memref<32x1000000xf32, #tpu.memory_space<hbm>> -> memref<16x128xf32, #tpu.memory_space<hbm>>
    %dma_start3A_32 = arith.constant 0 : i32
    %dma_start3A_33 = arith.constant 0 : i32
    %dma_start3A_34 = tpu.memref_slice %arg8[%dma_start3A_26, %dma_start3A_32, %dma_start3A_33] : memref<8x16x128xf32, #tpu.memory_space<vmem>> -> memref<1x16x128xf32, #tpu.memory_space<vmem>>
    %dma_start3A_35 = tpu.memref_squeeze %dma_start3A_34 : memref<1x16x128xf32, #tpu.memory_space<vmem>> -> memref<16x128xf32, #tpu.memory_space<vmem>>
    %dma_start3A_36 = tpu.memref_slice %arg3[%multiple_of3A_3, %multiple_of3A_25] : memref<32x1000000xf32, #tpu.memory_space<hbm>> -> memref<16x128xf32, #tpu.memory_space<hbm>>
    tpu.enqueue_dma source(%dma_start3A_36 : memref<16x128xf32, #tpu.memory_space<hbm>>) target(%dma_start3A_35 : memref<16x128xf32, #tpu.memory_space<vmem>>) target_semaphore(%arg16 : memref<!tpu.dma_semaphore, #tpu.memory_space<semaphore_mem>>)
    %slice3A_37 = vector.extract_strided_slice %get3A_4 {offsets = [2], sizes = [1], strides = [1]} : vector<16xi32> to vector<1xi32>
    %squeeze3A_38 = vector.extract %slice3A_37[0] : i32 from vector<1xi32>
    %shift_right_arithmetic3A_39 = arith.constant 7 : i32
    %shift_right_arithmetic3A_40 = arith.shrsi %squeeze3A_38, %shift_right_arithmetic3A_39 : i32
    %mul3A_41 = arith.constant 128 : i32
    %mul3A_42 = arith.muli %shift_right_arithmetic3A_40, %mul3A_41 : i32
    %multiple_of3A_43 = tpu.assume_multiple %mul3A_42, 128 : i32
    %dma_start3A_44 = arith.constant 2 : i32
    %dma_start3A_45 = arith.constant 0 : i32
    %dma_start3A_46 = arith.constant 0 : i32
    %dma_start3A_47 = tpu.memref_slice %arg8[%dma_start3A_44, %dma_start3A_45, %dma_start3A_46] : memref<8x16x128xf32, #tpu.memory_space<vmem>> -> memref<1x16x128xf32, #tpu.memory_space<vmem>>
    %dma_start3A_48 = tpu.memref_squeeze %dma_start3A_47 : memref<1x16x128xf32, #tpu.memory_space<vmem>> -> memref<16x128xf32, #tpu.memory_space<vmem>>
    %dma_start3A_49 = tpu.memref_slice %arg3[%multiple_of3A_3, %multiple_of3A_43] : memref<32x1000000xf32, #tpu.memory_space<hbm>> -> memref<16x128xf32, #tpu.memory_space<hbm>>
    %dma_start3A_50 = arith.constant 0 : i32
    %dma_start3A_51 = arith.constant 0 : i32
    %dma_start3A_52 = tpu.memref_slice %arg8[%dma_start3A_44, %dma_start3A_50, %dma_start3A_51] : memref<8x16x128xf32, #tpu.memory_space<vmem>> -> memref<1x16x128xf32, #tpu.memory_space<vmem>>
    %dma_start3A_53 = tpu.memref_squeeze %dma_start3A_52 : memref<1x16x128xf32, #tpu.memory_space<vmem>> -> memref<16x128xf32, #tpu.memory_space<vmem>>
    %dma_start3A_54 = tpu.memref_slice %arg3[%multiple_of3A_3, %multiple_of3A_43] : memref<32x1000000xf32, #tpu.memory_space<hbm>> -> memref<16x128xf32, #tpu.memory_space<hbm>>
    tpu.enqueue_dma source(%dma_start3A_54 : memref<16x128xf32, #tpu.memory_space<hbm>>) target(%dma_start3A_53 : memref<16x128xf32, #tpu.memory_space<vmem>>) target_semaphore(%arg17 : memref<!tpu.dma_semaphore, #tpu.memory_space<semaphore_mem>>)
    %slice3A_55 = vector.extract_strided_slice %get3A_4 {offsets = [3], sizes = [1], strides = [1]} : vector<16xi32> to vector<1xi32>
    %squeeze3A_56 = vector.extract %slice3A_55[0] : i32 from vector<1xi32>
    %shift_right_arithmetic3A_57 = arith.constant 7 : i32
    %shift_right_arithmetic3A_58 = arith.shrsi %squeeze3A_56, %shift_right_arithmetic3A_57 : i32
    %mul3A_59 = arith.constant 128 : i32
    %mul3A_60 = arith.muli %shift_right_arithmetic3A_58, %mul3A_59 : i32
    %multiple_of3A_61 = tpu.assume_multiple %mul3A_60, 128 : i32
    %dma_start3A_62 = arith.constant 3 : i32
    %dma_start3A_63 = arith.constant 0 : i32
    %dma_start3A_64 = arith.constant 0 : i32
    %dma_start3A_65 = tpu.memref_slice %arg8[%dma_start3A_62, %dma_start3A_63, %dma_start3A_64] : memref<8x16x128xf32, #tpu.memory_space<vmem>> -> memref<1x16x128xf32, #tpu.memory_space<vmem>>
    %dma_start3A_66 = tpu.memref_squeeze %dma_start3A_65 : memref<1x16x128xf32, #tpu.memory_space<vmem>> -> memref<16x128xf32, #tpu.memory_space<vmem>>
    %dma_start3A_67 = tpu.memref_slice %arg3[%multiple_of3A_3, %multiple_of3A_61] : memref<32x1000000xf32, #tpu.memory_space<hbm>> -> memref<16x128xf32, #tpu.memory_space<hbm>>
    %dma_start3A_68 = arith.constant 0 : i32
    %dma_start3A_69 = arith.constant 0 : i32
    %dma_start3A_70 = tpu.memref_slice %arg8[%dma_start3A_62, %dma_start3A_68, %dma_start3A_69] : memref<8x16x128xf32, #tpu.memory_space<vmem>> -> memref<1x16x128xf32, #tpu.memory_space<vmem>>
    %dma_start3A_71 = tpu.memref_squeeze %dma_start3A_70 : memref<1x16x128xf32, #tpu.memory_space<vmem>> -> memref<16x128xf32, #tpu.memory_space<vmem>>
    %dma_start3A_72 = tpu.memref_slice %arg3[%multiple_of3A_3, %multiple_of3A_61] : memref<32x1000000xf32, #tpu.memory_space<hbm>> -> memref<16x128xf32, #tpu.memory_space<hbm>>
    tpu.enqueue_dma source(%dma_start3A_72 : memref<16x128xf32, #tpu.memory_space<hbm>>) target(%dma_start3A_71 : memref<16x128xf32, #tpu.memory_space<vmem>>) target_semaphore(%arg18 : memref<!tpu.dma_semaphore, #tpu.memory_space<semaphore_mem>>)
    %slice3A_73 = vector.extract_strided_slice %get3A_4 {offsets = [4], sizes = [1], strides = [1]} : vector<16xi32> to vector<1xi32>
    %squeeze3A_74 = vector.extract %slice3A_73[0] : i32 from vector<1xi32>
    %shift_right_arithmetic3A_75 = arith.constant 7 : i32
    %shift_right_arithmetic3A_76 = arith.shrsi %squeeze3A_74, %shift_right_arithmetic3A_75 : i32
    %mul3A_77 = arith.constant 128 : i32
    %mul3A_78 = arith.muli %shift_right_arithmetic3A_76, %mul3A_77 : i32
    %multiple_of3A_79 = tpu.assume_multiple %mul3A_78, 128 : i32
    %dma_start3A_80 = arith.constant 4 : i32
    %dma_start3A_81 = arith.constant 0 : i32
    %dma_start3A_82 = arith.constant 0 : i32
    %dma_start3A_83 = tpu.memref_slice %arg8[%dma_start3A_80, %dma_start3A_81, %dma_start3A_82] : memref<8x16x128xf32, #tpu.memory_space<vmem>> -> memref<1x16x128xf32, #tpu.memory_space<vmem>>
    %dma_start3A_84 = tpu.memref_squeeze %dma_start3A_83 : memref<1x16x128xf32, #tpu.memory_space<vmem>> -> memref<16x128xf32, #tpu.memory_space<vmem>>
    %dma_start3A_85 = tpu.memref_slice %arg3[%multiple_of3A_3, %multiple_of3A_79] : memref<32x1000000xf32, #tpu.memory_space<hbm>> -> memref<16x128xf32, #tpu.memory_space<hbm>>
    %dma_start3A_86 = arith.constant 0 : i32
    %dma_start3A_87 = arith.constant 0 : i32
    %dma_start3A_88 = tpu.memref_slice %arg8[%dma_start3A_80, %dma_start3A_86, %dma_start3A_87] : memref<8x16x128xf32, #tpu.memory_space<vmem>> -> memref<1x16x128xf32, #tpu.memory_space<vmem>>
    %dma_start3A_89 = tpu.memref_squeeze %dma_start3A_88 : memref<1x16x128xf32, #tpu.memory_space<vmem>> -> memref<16x128xf32, #tpu.memory_space<vmem>>
    %dma_start3A_90 = tpu.memref_slice %arg3[%multiple_of3A_3, %multiple_of3A_79] : memref<32x1000000xf32, #tpu.memory_space<hbm>> -> memref<16x128xf32, #tpu.memory_space<hbm>>
    tpu.enqueue_dma source(%dma_start3A_90 : memref<16x128xf32, #tpu.memory_space<hbm>>) target(%dma_start3A_89 : memref<16x128xf32, #tpu.memory_space<vmem>>) target_semaphore(%arg19 : memref<!tpu.dma_semaphore, #tpu.memory_space<semaphore_mem>>)
    %slice3A_91 = vector.extract_strided_slice %get3A_4 {offsets = [5], sizes = [1], strides = [1]} : vector<16xi32> to vector<1xi32>
    %squeeze3A_92 = vector.extract %slice3A_91[0] : i32 from vector<1xi32>
    %shift_right_arithmetic3A_93 = arith.constant 7 : i32
    %shift_right_arithmetic3A_94 = arith.shrsi %squeeze3A_92, %shift_right_arithmetic3A_93 : i32
    %mul3A_95 = arith.constant 128 : i32
    %mul3A_96 = arith.muli %shift_right_arithmetic3A_94, %mul3A_95 : i32
    %multiple_of3A_97 = tpu.assume_multiple %mul3A_96, 128 : i32
    %dma_start3A_98 = arith.constant 5 : i32
    %dma_start3A_99 = arith.constant 0 : i32
    %dma_start3A_100 = arith.constant 0 : i32
    %dma_start3A_101 = tpu.memref_slice %arg8[%dma_start3A_98, %dma_start3A_99, %dma_start3A_100] : memref<8x16x128xf32, #tpu.memory_space<vmem>> -> memref<1x16x128xf32, #tpu.memory_space<vmem>>
    %dma_start3A_102 = tpu.memref_squeeze %dma_start3A_101 : memref<1x16x128xf32, #tpu.memory_space<vmem>> -> memref<16x128xf32, #tpu.memory_space<vmem>>
    %dma_start3A_103 = tpu.memref_slice %arg3[%multiple_of3A_3, %multiple_of3A_97] : memref<32x1000000xf32, #tpu.memory_space<hbm>> -> memref<16x128xf32, #tpu.memory_space<hbm>>
    %dma_start3A_104 = arith.constant 0 : i32
    %dma_start3A_105 = arith.constant 0 : i32
    %dma_start3A_106 = tpu.memref_slice %arg8[%dma_start3A_98, %dma_start3A_104, %dma_start3A_105] : memref<8x16x128xf32, #tpu.memory_space<vmem>> -> memref<1x16x128xf32, #tpu.memory_space<vmem>>
    %dma_start3A_107 = tpu.memref_squeeze %dma_start3A_106 : memref<1x16x128xf32, #tpu.memory_space<vmem>> -> memref<16x128xf32, #tpu.memory_space<vmem>>
    %dma_start3A_108 = tpu.memref_slice %arg3[%multiple_of3A_3, %multiple_of3A_97] : memref<32x1000000xf32, #tpu.memory_space<hbm>> -> memref<16x128xf32, #tpu.memory_space<hbm>>
    tpu.enqueue_dma source(%dma_start3A_108 : memref<16x128xf32, #tpu.memory_space<hbm>>) target(%dma_start3A_107 : memref<16x128xf32, #tpu.memory_space<vmem>>) target_semaphore(%arg20 : memref<!tpu.dma_semaphore, #tpu.memory_space<semaphore_mem>>)
    %slice3A_109 = vector.extract_strided_slice %get3A_4 {offsets = [6], sizes = [1], strides = [1]} : vector<16xi32> to vector<1xi32>
    %squeeze3A_110 = vector.extract %slice3A_109[0] : i32 from vector<1xi32>
    %shift_right_arithmetic3A_111 = arith.constant 7 : i32
    %shift_right_arithmetic3A_112 = arith.shrsi %squeeze3A_110, %shift_right_arithmetic3A_111 : i32
    %mul3A_113 = arith.constant 128 : i32
    %mul3A_114 = arith.muli %shift_right_arithmetic3A_112, %mul3A_113 : i32
    %multiple_of3A_115 = tpu.assume_multiple %mul3A_114, 128 : i32
    %dma_start3A_116 = arith.constant 6 : i32
    %dma_start3A_117 = arith.constant 0 : i32
    %dma_start3A_118 = arith.constant 0 : i32
    %dma_start3A_119 = tpu.memref_slice %arg8[%dma_start3A_116, %dma_start3A_117, %dma_start3A_118] : memref<8x16x128xf32, #tpu.memory_space<vmem>> -> memref<1x16x128xf32, #tpu.memory_space<vmem>>
    %dma_start3A_120 = tpu.memref_squeeze %dma_start3A_119 : memref<1x16x128xf32, #tpu.memory_space<vmem>> -> memref<16x128xf32, #tpu.memory_space<vmem>>
    %dma_start3A_121 = tpu.memref_slice %arg3[%multiple_of3A_3, %multiple_of3A_115] : memref<32x1000000xf32, #tpu.memory_space<hbm>> -> memref<16x128xf32, #tpu.memory_space<hbm>>
    %dma_start3A_122 = arith.constant 0 : i32
    %dma_start3A_123 = arith.constant 0 : i32
    %dma_start3A_124 = tpu.memref_slice %arg8[%dma_start3A_116, %dma_start3A_122, %dma_start3A_123] : memref<8x16x128xf32, #tpu.memory_space<vmem>> -> memref<1x16x128xf32, #tpu.memory_space<vmem>>
    %dma_start3A_125 = tpu.memref_squeeze %dma_start3A_124 : memref<1x16x128xf32, #tpu.memory_space<vmem>> -> memref<16x128xf32, #tpu.memory_space<vmem>>
    %dma_start3A_126 = tpu.memref_slice %arg3[%multiple_of3A_3, %multiple_of3A_115] : memref<32x1000000xf32, #tpu.memory_space<hbm>> -> memref<16x128xf32, #tpu.memory_space<hbm>>
    tpu.enqueue_dma source(%dma_start3A_126 : memref<16x128xf32, #tpu.memory_space<hbm>>) target(%dma_start3A_125 : memref<16x128xf32, #tpu.memory_space<vmem>>) target_semaphore(%arg21 : memref<!tpu.dma_semaphore, #tpu.memory_space<semaphore_mem>>)
    %slice3A_127 = vector.extract_strided_slice %get3A_4 {offsets = [7], sizes = [1], strides = [1]} : vector<16xi32> to vector<1xi32>
    %squeeze3A_128 = vector.extract %slice3A_127[0] : i32 from vector<1xi32>
    %shift_right_arithmetic3A_129 = arith.constant 7 : i32
    %shift_right_arithmetic3A_130 = arith.shrsi %squeeze3A_128, %shift_right_arithmetic3A_129 : i32
    %mul3A_131 = arith.constant 128 : i32
    %mul3A_132 = arith.muli %shift_right_arithmetic3A_130, %mul3A_131 : i32
    %multiple_of3A_133 = tpu.assume_multiple %mul3A_132, 128 : i32
    %dma_start3A_134 = arith.constant 7 : i32
    %dma_start3A_135 = arith.constant 0 : i32
    %dma_start3A_136 = arith.constant 0 : i32
    %dma_start3A_137 = tpu.memref_slice %arg8[%dma_start3A_134, %dma_start3A_135, %dma_start3A_136] : memref<8x16x128xf32, #tpu.memory_space<vmem>> -> memref<1x16x128xf32, #tpu.memory_space<vmem>>
    %dma_start3A_138 = tpu.memref_squeeze %dma_start3A_137 : memref<1x16x128xf32, #tpu.memory_space<vmem>> -> memref<16x128xf32, #tpu.memory_space<vmem>>
    %dma_start3A_139 = tpu.memref_slice %arg3[%multiple_of3A_3, %multiple_of3A_133] : memref<32x1000000xf32, #tpu.memory_space<hbm>> -> memref<16x128xf32, #tpu.memory_space<hbm>>
    %dma_start3A_140 = arith.constant 0 : i32
    %dma_start3A_141 = arith.constant 0 : i32
    %dma_start3A_142 = tpu.memref_slice %arg8[%dma_start3A_134, %dma_start3A_140, %dma_start3A_141] : memref<8x16x128xf32, #tpu.memory_space<vmem>> -> memref<1x16x128xf32, #tpu.memory_space<vmem>>
    %dma_start3A_143 = tpu.memref_squeeze %dma_start3A_142 : memref<1x16x128xf32, #tpu.memory_space<vmem>> -> memref<16x128xf32, #tpu.memory_space<vmem>>
    %dma_start3A_144 = tpu.memref_slice %arg3[%multiple_of3A_3, %multiple_of3A_133] : memref<32x1000000xf32, #tpu.memory_space<hbm>> -> memref<16x128xf32, #tpu.memory_space<hbm>>
    tpu.enqueue_dma source(%dma_start3A_144 : memref<16x128xf32, #tpu.memory_space<hbm>>) target(%dma_start3A_143 : memref<16x128xf32, #tpu.memory_space<vmem>>) target_semaphore(%arg22 : memref<!tpu.dma_semaphore, #tpu.memory_space<semaphore_mem>>)
    %broadcast_in_dim3A = arith.constant 0.000000e+00 : f32
    %broadcast_in_dim3A_145 = vector.broadcast %broadcast_in_dim3A : f32 to vector<16xf32>
    %scan3A = arith.constant 0 : i32
    %scan3A_146 = arith.constant 64 : i32
    %scan3A_147 = arith.addi %scan3A, %scan3A_146 : i32
    %scan3A_148 = arith.constant 1 : i32
    %scan3A_149:2 = scf.for %scan3A_356 = %scan3A to %scan3A_147 step %scan3A_148 iter_args(%scan3A_357 = %broadcast_in_dim3A_145, %scan3A_358 = %broadcast_in_dim3A_145) -> (vector<16xf32>, vector<16xf32>)  : i32 {
      %mul3A_359 = arith.constant 16 : i32
      %mul3A_360 = arith.muli %scan3A_356, %mul3A_359 : i32
      %get3A_361 = arith.index_cast %mul3A_360 : i32 to index
      %get3A_362 = tpu.vector_load %arg7[%get3A_361] {strides = array<i32>} : memref<1040xi32, #tpu.memory_space<vmem>>, vector<16xi32>,
      %mul3A_363 = arith.constant 16 : i32
      %mul3A_364 = arith.muli %scan3A_356, %mul3A_363 : i32
      %add3A_365 = arith.constant 16 : i32
      %add3A_366 = arith.addi %mul3A_364, %add3A_365 : i32
      %get3A_367 = arith.index_cast %add3A_366 : i32 to index
      %get3A_368 = tpu.vector_load %arg7[%get3A_367] {strides = array<i32>} : memref<1040xi32, #tpu.memory_space<vmem>>, vector<16xi32>,
      %mul3A_369 = arith.constant 16 : i32
      %mul3A_370 = arith.muli %scan3A_356, %mul3A_369 : i32
      %add3A_371 = arith.constant 0 : i32
      %add3A_372 = arith.addi %mul3A_370, %add3A_371 : i32
      %dma_wait3A = arith.constant 0 : i32
      %dma_wait3A_373 = arith.constant 0 : i32
      %dma_wait3A_374 = arith.constant 0 : i32
      %dma_wait3A_375 = tpu.memref_slice %arg8[%dma_wait3A, %dma_wait3A_373, %dma_wait3A_374] : memref<8x16x128xf32, #tpu.memory_space<vmem>> -> memref<1x16x128xf32, #tpu.memory_space<vmem>>
      %dma_wait3A_376 = tpu.memref_squeeze %dma_wait3A_375 : memref<1x16x128xf32, #tpu.memory_space<vmem>> -> memref<16x128xf32, #tpu.memory_space<vmem>>
      %dma_wait3A_377 = arith.constant 0 : i32
      %dma_wait3A_378 = tpu.memref_slice %arg3[%multiple_of3A_3, %dma_wait3A_377] : memref<32x1000000xf32, #tpu.memory_space<hbm>> -> memref<16x128xf32, #tpu.memory_space<hbm>>
      %dma_wait3A_379 = arith.constant 0 : i32
      %dma_wait3A_380 = arith.constant 0 : i32
      %dma_wait3A_381 = tpu.memref_slice %arg8[%dma_wait3A, %dma_wait3A_379, %dma_wait3A_380] : memref<8x16x128xf32, #tpu.memory_space<vmem>> -> memref<1x16x128xf32, #tpu.memory_space<vmem>>
      %dma_wait3A_382 = tpu.memref_squeeze %dma_wait3A_381 : memref<1x16x128xf32, #tpu.memory_space<vmem>> -> memref<16x128xf32, #tpu.memory_space<vmem>>
      %dma_wait3A_383 = arith.constant 0 : i32
      %dma_wait3A_384 = tpu.memref_slice %arg3[%multiple_of3A_3, %dma_wait3A_383] : memref<32x1000000xf32, #tpu.memory_space<hbm>> -> memref<16x128xf32, #tpu.memory_space<hbm>>
      tpu.wait_dma2 semaphore(%arg15 : memref<!tpu.dma_semaphore, #tpu.memory_space<semaphore_mem>>) src(%dma_wait3A_384 : memref<16x128xf32, #tpu.memory_space<hbm>>) dst(%dma_wait3A_382 : memref<16x128xf32, #tpu.memory_space<vmem>>)
      %slice3A_385 = vector.extract_strided_slice %get3A_362 {offsets = [0], sizes = [1], strides = [1]} : vector<16xi32> to vector<1xi32>
      %squeeze3A_386 = vector.extract %slice3A_385[0] : i32 from vector<1xi32>
      %and3A = arith.constant 127 : i32
      %and3A_387 = arith.andi %squeeze3A_386, %and3A : i32
      %broadcast_in_dim3A_388 = arith.constant 0 : i32
      %broadcast_in_dim3A_389 = vector.broadcast %broadcast_in_dim3A_388 : i32 to vector<16xi32>
      %broadcast_in_dim3A_390 = vector.broadcast %and3A_387 : i32 to vector<16xi32>
      %gather3A_391 = tpu.vector_load_idx %arg8[%broadcast_in_dim3A_389, %iota3A, %broadcast_in_dim3A_390] : memref<8x16x128xf32, #tpu.memory_space<vmem>>[vector<16xi32>, vector<16xi32>, vector<16xi32>], vector<16xf32>,
      %add3A_392 = arith.addf %scan3A_357, %gather3A_391 : vector<16xf32>
      %mul3A_393 = arith.mulf %gather3A_391, %gather3A_391 : vector<16xf32>
      %add3A_394 = arith.addf %scan3A_358, %mul3A_393 : vector<16xf32>
      %broadcast_in_dim3A_395 = vector.broadcast %add3A_372 : i32 to vector<16xi32>
      tpu.vector_store_idx %arg9[%iota3A, %broadcast_in_dim3A_395], %gather3A_391 : memref<16x1024xf32, #tpu.memory_space<vmem>>[vector<16xi32>, vector<16xi32>], vector<16xf32>,
      %slice3A_396 = vector.extract_strided_slice %get3A_362 {offsets = [8], sizes = [1], strides = [1]} : vector<16xi32> to vector<1xi32>
      %squeeze3A_397 = vector.extract %slice3A_396[0] : i32 from vector<1xi32>
      %shift_right_arithmetic3A_398 = arith.constant 7 : i32
      %shift_right_arithmetic3A_399 = arith.shrsi %squeeze3A_397, %shift_right_arithmetic3A_398 : i32
      %mul3A_400 = arith.constant 128 : i32
      %mul3A_401 = arith.muli %shift_right_arithmetic3A_399, %mul3A_400 : i32
      %multiple_of3A_402 = tpu.assume_multiple %mul3A_401, 128 : i32
      %dma_start3A_403 = arith.constant 0 : i32
      %dma_start3A_404 = arith.constant 0 : i32
      %dma_start3A_405 = arith.constant 0 : i32
      %dma_start3A_406 = tpu.memref_slice %arg8[%dma_start3A_403, %dma_start3A_404, %dma_start3A_405] : memref<8x16x128xf32, #tpu.memory_space<vmem>> -> memref<1x16x128xf32, #tpu.memory_space<vmem>>
      %dma_start3A_407 = tpu.memref_squeeze %dma_start3A_406 : memref<1x16x128xf32, #tpu.memory_space<vmem>> -> memref<16x128xf32, #tpu.memory_space<vmem>>
      %dma_start3A_408 = tpu.memref_slice %arg3[%multiple_of3A_3, %multiple_of3A_402] : memref<32x1000000xf32, #tpu.memory_space<hbm>> -> memref<16x128xf32, #tpu.memory_space<hbm>>
      %dma_start3A_409 = arith.constant 0 : i32
      %dma_start3A_410 = arith.constant 0 : i32
      %dma_start3A_411 = tpu.memref_slice %arg8[%dma_start3A_403, %dma_start3A_409, %dma_start3A_410] : memref<8x16x128xf32, #tpu.memory_space<vmem>> -> memref<1x16x128xf32, #tpu.memory_space<vmem>>
      %dma_start3A_412 = tpu.memref_squeeze %dma_start3A_411 : memref<1x16x128xf32, #tpu.memory_space<vmem>> -> memref<16x128xf32, #tpu.memory_space<vmem>>
      %dma_start3A_413 = tpu.memref_slice %arg3[%multiple_of3A_3, %multiple_of3A_402] : memref<32x1000000xf32, #tpu.memory_space<hbm>> -> memref<16x128xf32, #tpu.memory_space<hbm>>
      tpu.enqueue_dma source(%dma_start3A_413 : memref<16x128xf32, #tpu.memory_space<hbm>>) target(%dma_start3A_412 : memref<16x128xf32, #tpu.memory_space<vmem>>) target_semaphore(%arg15 : memref<!tpu.dma_semaphore, #tpu.memory_space<semaphore_mem>>)
      %mul3A_414 = arith.constant 16 : i32
      %mul3A_415 = arith.muli %scan3A_356, %mul3A_414 : i32
      %add3A_416 = arith.constant 1 : i32
      %add3A_417 = arith.addi %mul3A_415, %add3A_416 : i32
      %dma_wait3A_418 = arith.constant 1 : i32
      %dma_wait3A_419 = arith.constant 0 : i32
      %dma_wait3A_420 = arith.constant 0 : i32
      %dma_wait3A_421 = tpu.memref_slice %arg8[%dma_wait3A_418, %dma_wait3A_419, %dma_wait3A_420] : memref<8x16x128xf32, #tpu.memory_space<vmem>> -> memref<1x16x128xf32, #tpu.memory_space<vmem>>
      %dma_wait3A_422 = tpu.memref_squeeze %dma_wait3A_421 : memref<1x16x128xf32, #tpu.memory_space<vmem>> -> memref<16x128xf32, #tpu.memory_space<vmem>>
      %dma_wait3A_423 = arith.constant 0 : i32
      %dma_wait3A_424 = tpu.memref_slice %arg3[%multiple_of3A_3, %dma_wait3A_423] : memref<32x1000000xf32, #tpu.memory_space<hbm>> -> memref<16x128xf32, #tpu.memory_space<hbm>>
      %dma_wait3A_425 = arith.constant 0 : i32
      %dma_wait3A_426 = arith.constant 0 : i32
      %dma_wait3A_427 = tpu.memref_slice %arg8[%dma_wait3A_418, %dma_wait3A_425, %dma_wait3A_426] : memref<8x16x128xf32, #tpu.memory_space<vmem>> -> memref<1x16x128xf32, #tpu.memory_space<vmem>>
      %dma_wait3A_428 = tpu.memref_squeeze %dma_wait3A_427 : memref<1x16x128xf32, #tpu.memory_space<vmem>> -> memref<16x128xf32, #tpu.memory_space<vmem>>
      %dma_wait3A_429 = arith.constant 0 : i32
      %dma_wait3A_430 = tpu.memref_slice %arg3[%multiple_of3A_3, %dma_wait3A_429] : memref<32x1000000xf32, #tpu.memory_space<hbm>> -> memref<16x128xf32, #tpu.memory_space<hbm>>
      tpu.wait_dma2 semaphore(%arg16 : memref<!tpu.dma_semaphore, #tpu.memory_space<semaphore_mem>>) src(%dma_wait3A_430 : memref<16x128xf32, #tpu.memory_space<hbm>>) dst(%dma_wait3A_428 : memref<16x128xf32, #tpu.memory_space<vmem>>)
      %slice3A_431 = vector.extract_strided_slice %get3A_362 {offsets = [1], sizes = [1], strides = [1]} : vector<16xi32> to vector<1xi32>
      %squeeze3A_432 = vector.extract %slice3A_431[0] : i32 from vector<1xi32>
      %and3A_433 = arith.constant 127 : i32
      %and3A_434 = arith.andi %squeeze3A_432, %and3A_433 : i32
      %broadcast_in_dim3A_435 = arith.constant 1 : i32
      %broadcast_in_dim3A_436 = vector.broadcast %broadcast_in_dim3A_435 : i32 to vector<16xi32>
      %broadcast_in_dim3A_437 = vector.broadcast %and3A_434 : i32 to vector<16xi32>
      %gather3A_438 = tpu.vector_load_idx %arg8[%broadcast_in_dim3A_436, %iota3A, %broadcast_in_dim3A_437] : memref<8x16x128xf32, #tpu.memory_space<vmem>>[vector<16xi32>, vector<16xi32>, vector<16xi32>], vector<16xf32>,
      %add3A_439 = arith.addf %add3A_392, %gather3A_438 : vector<16xf32>
      %mul3A_440 = arith.mulf %gather3A_438, %gather3A_438 : vector<16xf32>
      %add3A_441 = arith.addf %add3A_394, %mul3A_440 : vector<16xf32>
      %broadcast_in_dim3A_442 = vector.broadcast %add3A_417 : i32 to vector<16xi32>
      tpu.vector_store_idx %arg9[%iota3A, %broadcast_in_dim3A_442], %gather3A_438 : memref<16x1024xf32, #tpu.memory_space<vmem>>[vector<16xi32>, vector<16xi32>], vector<16xf32>,
      %slice3A_443 = vector.extract_strided_slice %get3A_362 {offsets = [9], sizes = [1], strides = [1]} : vector<16xi32> to vector<1xi32>
      %squeeze3A_444 = vector.extract %slice3A_443[0] : i32 from vector<1xi32>
      %shift_right_arithmetic3A_445 = arith.constant 7 : i32
      %shift_right_arithmetic3A_446 = arith.shrsi %squeeze3A_444, %shift_right_arithmetic3A_445 : i32
      %mul3A_447 = arith.constant 128 : i32
      %mul3A_448 = arith.muli %shift_right_arithmetic3A_446, %mul3A_447 : i32
      %multiple_of3A_449 = tpu.assume_multiple %mul3A_448, 128 : i32
      %dma_start3A_450 = arith.constant 1 : i32
      %dma_start3A_451 = arith.constant 0 : i32
      %dma_start3A_452 = arith.constant 0 : i32
      %dma_start3A_453 = tpu.memref_slice %arg8[%dma_start3A_450, %dma_start3A_451, %dma_start3A_452] : memref<8x16x128xf32, #tpu.memory_space<vmem>> -> memref<1x16x128xf32, #tpu.memory_space<vmem>>
      %dma_start3A_454 = tpu.memref_squeeze %dma_start3A_453 : memref<1x16x128xf32, #tpu.memory_space<vmem>> -> memref<16x128xf32, #tpu.memory_space<vmem>>
      %dma_start3A_455 = tpu.memref_slice %arg3[%multiple_of3A_3, %multiple_of3A_449] : memref<32x1000000xf32, #tpu.memory_space<hbm>> -> memref<16x128xf32, #tpu.memory_space<hbm>>
      %dma_start3A_456 = arith.constant 0 : i32
      %dma_start3A_457 = arith.constant 0 : i32
      %dma_start3A_458 = tpu.memref_slice %arg8[%dma_start3A_450, %dma_start3A_456, %dma_start3A_457] : memref<8x16x128xf32, #tpu.memory_space<vmem>> -> memref<1x16x128xf32, #tpu.memory_space<vmem>>
      %dma_start3A_459 = tpu.memref_squeeze %dma_start3A_458 : memref<1x16x128xf32, #tpu.memory_space<vmem>> -> memref<16x128xf32, #tpu.memory_space<vmem>>
      %dma_start3A_460 = tpu.memref_slice %arg3[%multiple_of3A_3, %multiple_of3A_449] : memref<32x1000000xf32, #tpu.memory_space<hbm>> -> memref<16x128xf32, #tpu.memory_space<hbm>>
      tpu.enqueue_dma source(%dma_start3A_460 : memref<16x128xf32, #tpu.memory_space<hbm>>) target(%dma_start3A_459 : memref<16x128xf32, #tpu.memory_space<vmem>>) target_semaphore(%arg16 : memref<!tpu.dma_semaphore, #tpu.memory_space<semaphore_mem>>)
      %mul3A_461 = arith.constant 16 : i32
      %mul3A_462 = arith.muli %scan3A_356, %mul3A_461 : i32
      %add3A_463 = arith.constant 2 : i32
      %add3A_464 = arith.addi %mul3A_462, %add3A_463 : i32
      %dma_wait3A_465 = arith.constant 2 : i32
      %dma_wait3A_466 = arith.constant 0 : i32
      %dma_wait3A_467 = arith.constant 0 : i32
      %dma_wait3A_468 = tpu.memref_slice %arg8[%dma_wait3A_465, %dma_wait3A_466, %dma_wait3A_467] : memref<8x16x128xf32, #tpu.memory_space<vmem>> -> memref<1x16x128xf32, #tpu.memory_space<vmem>>
      %dma_wait3A_469 = tpu.memref_squeeze %dma_wait3A_468 : memref<1x16x128xf32, #tpu.memory_space<vmem>> -> memref<16x128xf32, #tpu.memory_space<vmem>>
      %dma_wait3A_470 = arith.constant 0 : i32
      %dma_wait3A_471 = tpu.memref_slice %arg3[%multiple_of3A_3, %dma_wait3A_470] : memref<32x1000000xf32, #tpu.memory_space<hbm>> -> memref<16x128xf32, #tpu.memory_space<hbm>>
      %dma_wait3A_472 = arith.constant 0 : i32
      %dma_wait3A_473 = arith.constant 0 : i32
      %dma_wait3A_474 = tpu.memref_slice %arg8[%dma_wait3A_465, %dma_wait3A_472, %dma_wait3A_473] : memref<8x16x128xf32, #tpu.memory_space<vmem>> -> memref<1x16x128xf32, #tpu.memory_space<vmem>>
      %dma_wait3A_475 = tpu.memref_squeeze %dma_wait3A_474 : memref<1x16x128xf32, #tpu.memory_space<vmem>> -> memref<16x128xf32, #tpu.memory_space<vmem>>
      %dma_wait3A_476 = arith.constant 0 : i32
      %dma_wait3A_477 = tpu.memref_slice %arg3[%multiple_of3A_3, %dma_wait3A_476] : memref<32x1000000xf32, #tpu.memory_space<hbm>> -> memref<16x128xf32, #tpu.memory_space<hbm>>
      tpu.wait_dma2 semaphore(%arg17 : memref<!tpu.dma_semaphore, #tpu.memory_space<semaphore_mem>>) src(%dma_wait3A_477 : memref<16x128xf32, #tpu.memory_space<hbm>>) dst(%dma_wait3A_475 : memref<16x128xf32, #tpu.memory_space<vmem>>)
      %slice3A_478 = vector.extract_strided_slice %get3A_362 {offsets = [2], sizes = [1], strides = [1]} : vector<16xi32> to vector<1xi32>
      %squeeze3A_479 = vector.extract %slice3A_478[0] : i32 from vector<1xi32>
      %and3A_480 = arith.constant 127 : i32
      %and3A_481 = arith.andi %squeeze3A_479, %and3A_480 : i32
      %broadcast_in_dim3A_482 = arith.constant 2 : i32
      %broadcast_in_dim3A_483 = vector.broadcast %broadcast_in_dim3A_482 : i32 to vector<16xi32>
      %broadcast_in_dim3A_484 = vector.broadcast %and3A_481 : i32 to vector<16xi32>
      %gather3A_485 = tpu.vector_load_idx %arg8[%broadcast_in_dim3A_483, %iota3A, %broadcast_in_dim3A_484] : memref<8x16x128xf32, #tpu.memory_space<vmem>>[vector<16xi32>, vector<16xi32>, vector<16xi32>], vector<16xf32>,
      %add3A_486 = arith.addf %add3A_439, %gather3A_485 : vector<16xf32>
      %mul3A_487 = arith.mulf %gather3A_485, %gather3A_485 : vector<16xf32>
      %add3A_488 = arith.addf %add3A_441, %mul3A_487 : vector<16xf32>
      %broadcast_in_dim3A_489 = vector.broadcast %add3A_464 : i32 to vector<16xi32>
      tpu.vector_store_idx %arg9[%iota3A, %broadcast_in_dim3A_489], %gather3A_485 : memref<16x1024xf32, #tpu.memory_space<vmem>>[vector<16xi32>, vector<16xi32>], vector<16xf32>,
      %slice3A_490 = vector.extract_strided_slice %get3A_362 {offsets = [10], sizes = [1], strides = [1]} : vector<16xi32> to vector<1xi32>
      %squeeze3A_491 = vector.extract %slice3A_490[0] : i32 from vector<1xi32>
      %shift_right_arithmetic3A_492 = arith.constant 7 : i32
      %shift_right_arithmetic3A_493 = arith.shrsi %squeeze3A_491, %shift_right_arithmetic3A_492 : i32
      %mul3A_494 = arith.constant 128 : i32
      %mul3A_495 = arith.muli %shift_right_arithmetic3A_493, %mul3A_494 : i32
      %multiple_of3A_496 = tpu.assume_multiple %mul3A_495, 128 : i32
      %dma_start3A_497 = arith.constant 2 : i32
      %dma_start3A_498 = arith.constant 0 : i32
      %dma_start3A_499 = arith.constant 0 : i32
      %dma_start3A_500 = tpu.memref_slice %arg8[%dma_start3A_497, %dma_start3A_498, %dma_start3A_499] : memref<8x16x128xf32, #tpu.memory_space<vmem>> -> memref<1x16x128xf32, #tpu.memory_space<vmem>>
      %dma_start3A_501 = tpu.memref_squeeze %dma_start3A_500 : memref<1x16x128xf32, #tpu.memory_space<vmem>> -> memref<16x128xf32, #tpu.memory_space<vmem>>
      %dma_start3A_502 = tpu.memref_slice %arg3[%multiple_of3A_3, %multiple_of3A_496] : memref<32x1000000xf32, #tpu.memory_space<hbm>> -> memref<16x128xf32, #tpu.memory_space<hbm>>
      %dma_start3A_503 = arith.constant 0 : i32
      %dma_start3A_504 = arith.constant 0 : i32
      %dma_start3A_505 = tpu.memref_slice %arg8[%dma_start3A_497, %dma_start3A_503, %dma_start3A_504] : memref<8x16x128xf32, #tpu.memory_space<vmem>> -> memref<1x16x128xf32, #tpu.memory_space<vmem>>
      %dma_start3A_506 = tpu.memref_squeeze %dma_start3A_505 : memref<1x16x128xf32, #tpu.memory_space<vmem>> -> memref<16x128xf32, #tpu.memory_space<vmem>>
      %dma_start3A_507 = tpu.memref_slice %arg3[%multiple_of3A_3, %multiple_of3A_496] : memref<32x1000000xf32, #tpu.memory_space<hbm>> -> memref<16x128xf32, #tpu.memory_space<hbm>>
      tpu.enqueue_dma source(%dma_start3A_507 : memref<16x128xf32, #tpu.memory_space<hbm>>) target(%dma_start3A_506 : memref<16x128xf32, #tpu.memory_space<vmem>>) target_semaphore(%arg17 : memref<!tpu.dma_semaphore, #tpu.memory_space<semaphore_mem>>)
      %mul3A_508 = arith.constant 16 : i32
      %mul3A_509 = arith.muli %scan3A_356, %mul3A_508 : i32
      %add3A_510 = arith.constant 3 : i32
      %add3A_511 = arith.addi %mul3A_509, %add3A_510 : i32
      %dma_wait3A_512 = arith.constant 3 : i32
      %dma_wait3A_513 = arith.constant 0 : i32
      %dma_wait3A_514 = arith.constant 0 : i32
      %dma_wait3A_515 = tpu.memref_slice %arg8[%dma_wait3A_512, %dma_wait3A_513, %dma_wait3A_514] : memref<8x16x128xf32, #tpu.memory_space<vmem>> -> memref<1x16x128xf32, #tpu.memory_space<vmem>>
      %dma_wait3A_516 = tpu.memref_squeeze %dma_wait3A_515 : memref<1x16x128xf32, #tpu.memory_space<vmem>> -> memref<16x128xf32, #tpu.memory_space<vmem>>
      %dma_wait3A_517 = arith.constant 0 : i32
      %dma_wait3A_518 = tpu.memref_slice %arg3[%multiple_of3A_3, %dma_wait3A_517] : memref<32x1000000xf32, #tpu.memory_space<hbm>> -> memref<16x128xf32, #tpu.memory_space<hbm>>
      %dma_wait3A_519 = arith.constant 0 : i32
      %dma_wait3A_520 = arith.constant 0 : i32
      %dma_wait3A_521 = tpu.memref_slice %arg8[%dma_wait3A_512, %dma_wait3A_519, %dma_wait3A_520] : memref<8x16x128xf32, #tpu.memory_space<vmem>> -> memref<1x16x128xf32, #tpu.memory_space<vmem>>
      %dma_wait3A_522 = tpu.memref_squeeze %dma_wait3A_521 : memref<1x16x128xf32, #tpu.memory_space<vmem>> -> memref<16x128xf32, #tpu.memory_space<vmem>>
      %dma_wait3A_523 = arith.constant 0 : i32
      %dma_wait3A_524 = tpu.memref_slice %arg3[%multiple_of3A_3, %dma_wait3A_523] : memref<32x1000000xf32, #tpu.memory_space<hbm>> -> memref<16x128xf32, #tpu.memory_space<hbm>>
      tpu.wait_dma2 semaphore(%arg18 : memref<!tpu.dma_semaphore, #tpu.memory_space<semaphore_mem>>) src(%dma_wait3A_524 : memref<16x128xf32, #tpu.memory_space<hbm>>) dst(%dma_wait3A_522 : memref<16x128xf32, #tpu.memory_space<vmem>>)
      %slice3A_525 = vector.extract_strided_slice %get3A_362 {offsets = [3], sizes = [1], strides = [1]} : vector<16xi32> to vector<1xi32>
      %squeeze3A_526 = vector.extract %slice3A_525[0] : i32 from vector<1xi32>
      %and3A_527 = arith.constant 127 : i32
      %and3A_528 = arith.andi %squeeze3A_526, %and3A_527 : i32
      %broadcast_in_dim3A_529 = arith.constant 3 : i32
      %broadcast_in_dim3A_530 = vector.broadcast %broadcast_in_dim3A_529 : i32 to vector<16xi32>
      %broadcast_in_dim3A_531 = vector.broadcast %and3A_528 : i32 to vector<16xi32>
      %gather3A_532 = tpu.vector_load_idx %arg8[%broadcast_in_dim3A_530, %iota3A, %broadcast_in_dim3A_531] : memref<8x16x128xf32, #tpu.memory_space<vmem>>[vector<16xi32>, vector<16xi32>, vector<16xi32>], vector<16xf32>,
      %add3A_533 = arith.addf %add3A_486, %gather3A_532 : vector<16xf32>
      %mul3A_534 = arith.mulf %gather3A_532, %gather3A_532 : vector<16xf32>
      %add3A_535 = arith.addf %add3A_488, %mul3A_534 : vector<16xf32>
      %broadcast_in_dim3A_536 = vector.broadcast %add3A_511 : i32 to vector<16xi32>
      tpu.vector_store_idx %arg9[%iota3A, %broadcast_in_dim3A_536], %gather3A_532 : memref<16x1024xf32, #tpu.memory_space<vmem>>[vector<16xi32>, vector<16xi32>], vector<16xf32>,
      %slice3A_537 = vector.extract_strided_slice %get3A_362 {offsets = [11], sizes = [1], strides = [1]} : vector<16xi32> to vector<1xi32>
      %squeeze3A_538 = vector.extract %slice3A_537[0] : i32 from vector<1xi32>
      %shift_right_arithmetic3A_539 = arith.constant 7 : i32
      %shift_right_arithmetic3A_540 = arith.shrsi %squeeze3A_538, %shift_right_arithmetic3A_539 : i32
      %mul3A_541 = arith.constant 128 : i32
      %mul3A_542 = arith.muli %shift_right_arithmetic3A_540, %mul3A_541 : i32
      %multiple_of3A_543 = tpu.assume_multiple %mul3A_542, 128 : i32
      %dma_start3A_544 = arith.constant 3 : i32
      %dma_start3A_545 = arith.constant 0 : i32
      %dma_start3A_546 = arith.constant 0 : i32
      %dma_start3A_547 = tpu.memref_slice %arg8[%dma_start3A_544, %dma_start3A_545, %dma_start3A_546] : memref<8x16x128xf32, #tpu.memory_space<vmem>> -> memref<1x16x128xf32, #tpu.memory_space<vmem>>
      %dma_start3A_548 = tpu.memref_squeeze %dma_start3A_547 : memref<1x16x128xf32, #tpu.memory_space<vmem>> -> memref<16x128xf32, #tpu.memory_space<vmem>>
      %dma_start3A_549 = tpu.memref_slice %arg3[%multiple_of3A_3, %multiple_of3A_543] : memref<32x1000000xf32, #tpu.memory_space<hbm>> -> memref<16x128xf32, #tpu.memory_space<hbm>>
      %dma_start3A_550 = arith.constant 0 : i32
      %dma_start3A_551 = arith.constant 0 : i32
      %dma_start3A_552 = tpu.memref_slice %arg8[%dma_start3A_544, %dma_start3A_550, %dma_start3A_551] : memref<8x16x128xf32, #tpu.memory_space<vmem>> -> memref<1x16x128xf32, #tpu.memory_space<vmem>>
      %dma_start3A_553 = tpu.memref_squeeze %dma_start3A_552 : memref<1x16x128xf32, #tpu.memory_space<vmem>> -> memref<16x128xf32, #tpu.memory_space<vmem>>
      %dma_start3A_554 = tpu.memref_slice %arg3[%multiple_of3A_3, %multiple_of3A_543] : memref<32x1000000xf32, #tpu.memory_space<hbm>> -> memref<16x128xf32, #tpu.memory_space<hbm>>
      tpu.enqueue_dma source(%dma_start3A_554 : memref<16x128xf32, #tpu.memory_space<hbm>>) target(%dma_start3A_553 : memref<16x128xf32, #tpu.memory_space<vmem>>) target_semaphore(%arg18 : memref<!tpu.dma_semaphore, #tpu.memory_space<semaphore_mem>>)
      %mul3A_555 = arith.constant 16 : i32
      %mul3A_556 = arith.muli %scan3A_356, %mul3A_555 : i32
      %add3A_557 = arith.constant 4 : i32
      %add3A_558 = arith.addi %mul3A_556, %add3A_557 : i32
      %dma_wait3A_559 = arith.constant 4 : i32
      %dma_wait3A_560 = arith.constant 0 : i32
      %dma_wait3A_561 = arith.constant 0 : i32
      %dma_wait3A_562 = tpu.memref_slice %arg8[%dma_wait3A_559, %dma_wait3A_560, %dma_wait3A_561] : memref<8x16x128xf32, #tpu.memory_space<vmem>> -> memref<1x16x128xf32, #tpu.memory_space<vmem>>
      %dma_wait3A_563 = tpu.memref_squeeze %dma_wait3A_562 : memref<1x16x128xf32, #tpu.memory_space<vmem>> -> memref<16x128xf32, #tpu.memory_space<vmem>>
      %dma_wait3A_564 = arith.constant 0 : i32
      %dma_wait3A_565 = tpu.memref_slice %arg3[%multiple_of3A_3, %dma_wait3A_564] : memref<32x1000000xf32, #tpu.memory_space<hbm>> -> memref<16x128xf32, #tpu.memory_space<hbm>>
      %dma_wait3A_566 = arith.constant 0 : i32
      %dma_wait3A_567 = arith.constant 0 : i32
      %dma_wait3A_568 = tpu.memref_slice %arg8[%dma_wait3A_559, %dma_wait3A_566, %dma_wait3A_567] : memref<8x16x128xf32, #tpu.memory_space<vmem>> -> memref<1x16x128xf32, #tpu.memory_space<vmem>>
      %dma_wait3A_569 = tpu.memref_squeeze %dma_wait3A_568 : memref<1x16x128xf32, #tpu.memory_space<vmem>> -> memref<16x128xf32, #tpu.memory_space<vmem>>
      %dma_wait3A_570 = arith.constant 0 : i32
      %dma_wait3A_571 = tpu.memref_slice %arg3[%multiple_of3A_3, %dma_wait3A_570] : memref<32x1000000xf32, #tpu.memory_space<hbm>> -> memref<16x128xf32, #tpu.memory_space<hbm>>
      tpu.wait_dma2 semaphore(%arg19 : memref<!tpu.dma_semaphore, #tpu.memory_space<semaphore_mem>>) src(%dma_wait3A_571 : memref<16x128xf32, #tpu.memory_space<hbm>>) dst(%dma_wait3A_569 : memref<16x128xf32, #tpu.memory_space<vmem>>)
      %slice3A_572 = vector.extract_strided_slice %get3A_362 {offsets = [4], sizes = [1], strides = [1]} : vector<16xi32> to vector<1xi32>
      %squeeze3A_573 = vector.extract %slice3A_572[0] : i32 from vector<1xi32>
      %and3A_574 = arith.constant 127 : i32
      %and3A_575 = arith.andi %squeeze3A_573, %and3A_574 : i32
      %broadcast_in_dim3A_576 = arith.constant 4 : i32
      %broadcast_in_dim3A_577 = vector.broadcast %broadcast_in_dim3A_576 : i32 to vector<16xi32>
      %broadcast_in_dim3A_578 = vector.broadcast %and3A_575 : i32 to vector<16xi32>
      %gather3A_579 = tpu.vector_load_idx %arg8[%broadcast_in_dim3A_577, %iota3A, %broadcast_in_dim3A_578] : memref<8x16x128xf32, #tpu.memory_space<vmem>>[vector<16xi32>, vector<16xi32>, vector<16xi32>], vector<16xf32>,
      %add3A_580 = arith.addf %add3A_533, %gather3A_579 : vector<16xf32>
      %mul3A_581 = arith.mulf %gather3A_579, %gather3A_579 : vector<16xf32>
      %add3A_582 = arith.addf %add3A_535, %mul3A_581 : vector<16xf32>
      %broadcast_in_dim3A_583 = vector.broadcast %add3A_558 : i32 to vector<16xi32>
      tpu.vector_store_idx %arg9[%iota3A, %broadcast_in_dim3A_583], %gather3A_579 : memref<16x1024xf32, #tpu.memory_space<vmem>>[vector<16xi32>, vector<16xi32>], vector<16xf32>,
      %slice3A_584 = vector.extract_strided_slice %get3A_362 {offsets = [12], sizes = [1], strides = [1]} : vector<16xi32> to vector<1xi32>
      %squeeze3A_585 = vector.extract %slice3A_584[0] : i32 from vector<1xi32>
      %shift_right_arithmetic3A_586 = arith.constant 7 : i32
      %shift_right_arithmetic3A_587 = arith.shrsi %squeeze3A_585, %shift_right_arithmetic3A_586 : i32
      %mul3A_588 = arith.constant 128 : i32
      %mul3A_589 = arith.muli %shift_right_arithmetic3A_587, %mul3A_588 : i32
      %multiple_of3A_590 = tpu.assume_multiple %mul3A_589, 128 : i32
      %dma_start3A_591 = arith.constant 4 : i32
      %dma_start3A_592 = arith.constant 0 : i32
      %dma_start3A_593 = arith.constant 0 : i32
      %dma_start3A_594 = tpu.memref_slice %arg8[%dma_start3A_591, %dma_start3A_592, %dma_start3A_593] : memref<8x16x128xf32, #tpu.memory_space<vmem>> -> memref<1x16x128xf32, #tpu.memory_space<vmem>>
      %dma_start3A_595 = tpu.memref_squeeze %dma_start3A_594 : memref<1x16x128xf32, #tpu.memory_space<vmem>> -> memref<16x128xf32, #tpu.memory_space<vmem>>
      %dma_start3A_596 = tpu.memref_slice %arg3[%multiple_of3A_3, %multiple_of3A_590] : memref<32x1000000xf32, #tpu.memory_space<hbm>> -> memref<16x128xf32, #tpu.memory_space<hbm>>
      %dma_start3A_597 = arith.constant 0 : i32
      %dma_start3A_598 = arith.constant 0 : i32
      %dma_start3A_599 = tpu.memref_slice %arg8[%dma_start3A_591, %dma_start3A_597, %dma_start3A_598] : memref<8x16x128xf32, #tpu.memory_space<vmem>> -> memref<1x16x128xf32, #tpu.memory_space<vmem>>
      %dma_start3A_600 = tpu.memref_squeeze %dma_start3A_599 : memref<1x16x128xf32, #tpu.memory_space<vmem>> -> memref<16x128xf32, #tpu.memory_space<vmem>>
      %dma_start3A_601 = tpu.memref_slice %arg3[%multiple_of3A_3, %multiple_of3A_590] : memref<32x1000000xf32, #tpu.memory_space<hbm>> -> memref<16x128xf32, #tpu.memory_space<hbm>>
      tpu.enqueue_dma source(%dma_start3A_601 : memref<16x128xf32, #tpu.memory_space<hbm>>) target(%dma_start3A_600 : memref<16x128xf32, #tpu.memory_space<vmem>>) target_semaphore(%arg19 : memref<!tpu.dma_semaphore, #tpu.memory_space<semaphore_mem>>)
      %mul3A_602 = arith.constant 16 : i32
      %mul3A_603 = arith.muli %scan3A_356, %mul3A_602 : i32
      %add3A_604 = arith.constant 5 : i32
      %add3A_605 = arith.addi %mul3A_603, %add3A_604 : i32
      %dma_wait3A_606 = arith.constant 5 : i32
      %dma_wait3A_607 = arith.constant 0 : i32
      %dma_wait3A_608 = arith.constant 0 : i32
      %dma_wait3A_609 = tpu.memref_slice %arg8[%dma_wait3A_606, %dma_wait3A_607, %dma_wait3A_608] : memref<8x16x128xf32, #tpu.memory_space<vmem>> -> memref<1x16x128xf32, #tpu.memory_space<vmem>>
      %dma_wait3A_610 = tpu.memref_squeeze %dma_wait3A_609 : memref<1x16x128xf32, #tpu.memory_space<vmem>> -> memref<16x128xf32, #tpu.memory_space<vmem>>
      %dma_wait3A_611 = arith.constant 0 : i32
      %dma_wait3A_612 = tpu.memref_slice %arg3[%multiple_of3A_3, %dma_wait3A_611] : memref<32x1000000xf32, #tpu.memory_space<hbm>> -> memref<16x128xf32, #tpu.memory_space<hbm>>
      %dma_wait3A_613 = arith.constant 0 : i32
      %dma_wait3A_614 = arith.constant 0 : i32
      %dma_wait3A_615 = tpu.memref_slice %arg8[%dma_wait3A_606, %dma_wait3A_613, %dma_wait3A_614] : memref<8x16x128xf32, #tpu.memory_space<vmem>> -> memref<1x16x128xf32, #tpu.memory_space<vmem>>
      %dma_wait3A_616 = tpu.memref_squeeze %dma_wait3A_615 : memref<1x16x128xf32, #tpu.memory_space<vmem>> -> memref<16x128xf32, #tpu.memory_space<vmem>>
      %dma_wait3A_617 = arith.constant 0 : i32
      %dma_wait3A_618 = tpu.memref_slice %arg3[%multiple_of3A_3, %dma_wait3A_617] : memref<32x1000000xf32, #tpu.memory_space<hbm>> -> memref<16x128xf32, #tpu.memory_space<hbm>>
      tpu.wait_dma2 semaphore(%arg20 : memref<!tpu.dma_semaphore, #tpu.memory_space<semaphore_mem>>) src(%dma_wait3A_618 : memref<16x128xf32, #tpu.memory_space<hbm>>) dst(%dma_wait3A_616 : memref<16x128xf32, #tpu.memory_space<vmem>>)
      %slice3A_619 = vector.extract_strided_slice %get3A_362 {offsets = [5], sizes = [1], strides = [1]} : vector<16xi32> to vector<1xi32>
      %squeeze3A_620 = vector.extract %slice3A_619[0] : i32 from vector<1xi32>
      %and3A_621 = arith.constant 127 : i32
      %and3A_622 = arith.andi %squeeze3A_620, %and3A_621 : i32
      %broadcast_in_dim3A_623 = arith.constant 5 : i32
      %broadcast_in_dim3A_624 = vector.broadcast %broadcast_in_dim3A_623 : i32 to vector<16xi32>
      %broadcast_in_dim3A_625 = vector.broadcast %and3A_622 : i32 to vector<16xi32>
      %gather3A_626 = tpu.vector_load_idx %arg8[%broadcast_in_dim3A_624, %iota3A, %broadcast_in_dim3A_625] : memref<8x16x128xf32, #tpu.memory_space<vmem>>[vector<16xi32>, vector<16xi32>, vector<16xi32>], vector<16xf32>,
      %add3A_627 = arith.addf %add3A_580, %gather3A_626 : vector<16xf32>
      %mul3A_628 = arith.mulf %gather3A_626, %gather3A_626 : vector<16xf32>
      %add3A_629 = arith.addf %add3A_582, %mul3A_628 : vector<16xf32>
      %broadcast_in_dim3A_630 = vector.broadcast %add3A_605 : i32 to vector<16xi32>
      tpu.vector_store_idx %arg9[%iota3A, %broadcast_in_dim3A_630], %gather3A_626 : memref<16x1024xf32, #tpu.memory_space<vmem>>[vector<16xi32>, vector<16xi32>], vector<16xf32>,
      %slice3A_631 = vector.extract_strided_slice %get3A_362 {offsets = [13], sizes = [1], strides = [1]} : vector<16xi32> to vector<1xi32>
      %squeeze3A_632 = vector.extract %slice3A_631[0] : i32 from vector<1xi32>
      %shift_right_arithmetic3A_633 = arith.constant 7 : i32
      %shift_right_arithmetic3A_634 = arith.shrsi %squeeze3A_632, %shift_right_arithmetic3A_633 : i32
      %mul3A_635 = arith.constant 128 : i32
      %mul3A_636 = arith.muli %shift_right_arithmetic3A_634, %mul3A_635 : i32
      %multiple_of3A_637 = tpu.assume_multiple %mul3A_636, 128 : i32
      %dma_start3A_638 = arith.constant 5 : i32
      %dma_start3A_639 = arith.constant 0 : i32
      %dma_start3A_640 = arith.constant 0 : i32
      %dma_start3A_641 = tpu.memref_slice %arg8[%dma_start3A_638, %dma_start3A_639, %dma_start3A_640] : memref<8x16x128xf32, #tpu.memory_space<vmem>> -> memref<1x16x128xf32, #tpu.memory_space<vmem>>
      %dma_start3A_642 = tpu.memref_squeeze %dma_start3A_641 : memref<1x16x128xf32, #tpu.memory_space<vmem>> -> memref<16x128xf32, #tpu.memory_space<vmem>>
      %dma_start3A_643 = tpu.memref_slice %arg3[%multiple_of3A_3, %multiple_of3A_637] : memref<32x1000000xf32, #tpu.memory_space<hbm>> -> memref<16x128xf32, #tpu.memory_space<hbm>>
      %dma_start3A_644 = arith.constant 0 : i32
      %dma_start3A_645 = arith.constant 0 : i32
      %dma_start3A_646 = tpu.memref_slice %arg8[%dma_start3A_638, %dma_start3A_644, %dma_start3A_645] : memref<8x16x128xf32, #tpu.memory_space<vmem>> -> memref<1x16x128xf32, #tpu.memory_space<vmem>>
      %dma_start3A_647 = tpu.memref_squeeze %dma_start3A_646 : memref<1x16x128xf32, #tpu.memory_space<vmem>> -> memref<16x128xf32, #tpu.memory_space<vmem>>
      %dma_start3A_648 = tpu.memref_slice %arg3[%multiple_of3A_3, %multiple_of3A_637] : memref<32x1000000xf32, #tpu.memory_space<hbm>> -> memref<16x128xf32, #tpu.memory_space<hbm>>
      tpu.enqueue_dma source(%dma_start3A_648 : memref<16x128xf32, #tpu.memory_space<hbm>>) target(%dma_start3A_647 : memref<16x128xf32, #tpu.memory_space<vmem>>) target_semaphore(%arg20 : memref<!tpu.dma_semaphore, #tpu.memory_space<semaphore_mem>>)
      %mul3A_649 = arith.constant 16 : i32
      %mul3A_650 = arith.muli %scan3A_356, %mul3A_649 : i32
      %add3A_651 = arith.constant 6 : i32
      %add3A_652 = arith.addi %mul3A_650, %add3A_651 : i32
      %dma_wait3A_653 = arith.constant 6 : i32
      %dma_wait3A_654 = arith.constant 0 : i32
      %dma_wait3A_655 = arith.constant 0 : i32
      %dma_wait3A_656 = tpu.memref_slice %arg8[%dma_wait3A_653, %dma_wait3A_654, %dma_wait3A_655] : memref<8x16x128xf32, #tpu.memory_space<vmem>> -> memref<1x16x128xf32, #tpu.memory_space<vmem>>
      %dma_wait3A_657 = tpu.memref_squeeze %dma_wait3A_656 : memref<1x16x128xf32, #tpu.memory_space<vmem>> -> memref<16x128xf32, #tpu.memory_space<vmem>>
      %dma_wait3A_658 = arith.constant 0 : i32
      %dma_wait3A_659 = tpu.memref_slice %arg3[%multiple_of3A_3, %dma_wait3A_658] : memref<32x1000000xf32, #tpu.memory_space<hbm>> -> memref<16x128xf32, #tpu.memory_space<hbm>>
      %dma_wait3A_660 = arith.constant 0 : i32
      %dma_wait3A_661 = arith.constant 0 : i32
      %dma_wait3A_662 = tpu.memref_slice %arg8[%dma_wait3A_653, %dma_wait3A_660, %dma_wait3A_661] : memref<8x16x128xf32, #tpu.memory_space<vmem>> -> memref<1x16x128xf32, #tpu.memory_space<vmem>>
      %dma_wait3A_663 = tpu.memref_squeeze %dma_wait3A_662 : memref<1x16x128xf32, #tpu.memory_space<vmem>> -> memref<16x128xf32, #tpu.memory_space<vmem>>
      %dma_wait3A_664 = arith.constant 0 : i32
      %dma_wait3A_665 = tpu.memref_slice %arg3[%multiple_of3A_3, %dma_wait3A_664] : memref<32x1000000xf32, #tpu.memory_space<hbm>> -> memref<16x128xf32, #tpu.memory_space<hbm>>
      tpu.wait_dma2 semaphore(%arg21 : memref<!tpu.dma_semaphore, #tpu.memory_space<semaphore_mem>>) src(%dma_wait3A_665 : memref<16x128xf32, #tpu.memory_space<hbm>>) dst(%dma_wait3A_663 : memref<16x128xf32, #tpu.memory_space<vmem>>)
      %slice3A_666 = vector.extract_strided_slice %get3A_362 {offsets = [6], sizes = [1], strides = [1]} : vector<16xi32> to vector<1xi32>
      %squeeze3A_667 = vector.extract %slice3A_666[0] : i32 from vector<1xi32>
      %and3A_668 = arith.constant 127 : i32
      %and3A_669 = arith.andi %squeeze3A_667, %and3A_668 : i32
      %broadcast_in_dim3A_670 = arith.constant 6 : i32
      %broadcast_in_dim3A_671 = vector.broadcast %broadcast_in_dim3A_670 : i32 to vector<16xi32>
      %broadcast_in_dim3A_672 = vector.broadcast %and3A_669 : i32 to vector<16xi32>
      %gather3A_673 = tpu.vector_load_idx %arg8[%broadcast_in_dim3A_671, %iota3A, %broadcast_in_dim3A_672] : memref<8x16x128xf32, #tpu.memory_space<vmem>>[vector<16xi32>, vector<16xi32>, vector<16xi32>], vector<16xf32>,
      %add3A_674 = arith.addf %add3A_627, %gather3A_673 : vector<16xf32>
      %mul3A_675 = arith.mulf %gather3A_673, %gather3A_673 : vector<16xf32>
      %add3A_676 = arith.addf %add3A_629, %mul3A_675 : vector<16xf32>
      %broadcast_in_dim3A_677 = vector.broadcast %add3A_652 : i32 to vector<16xi32>
      tpu.vector_store_idx %arg9[%iota3A, %broadcast_in_dim3A_677], %gather3A_673 : memref<16x1024xf32, #tpu.memory_space<vmem>>[vector<16xi32>, vector<16xi32>], vector<16xf32>,
      %slice3A_678 = vector.extract_strided_slice %get3A_362 {offsets = [14], sizes = [1], strides = [1]} : vector<16xi32> to vector<1xi32>
      %squeeze3A_679 = vector.extract %slice3A_678[0] : i32 from vector<1xi32>
      %shift_right_arithmetic3A_680 = arith.constant 7 : i32
      %shift_right_arithmetic3A_681 = arith.shrsi %squeeze3A_679, %shift_right_arithmetic3A_680 : i32
      %mul3A_682 = arith.constant 128 : i32
      %mul3A_683 = arith.muli %shift_right_arithmetic3A_681, %mul3A_682 : i32
      %multiple_of3A_684 = tpu.assume_multiple %mul3A_683, 128 : i32
      %dma_start3A_685 = arith.constant 6 : i32
      %dma_start3A_686 = arith.constant 0 : i32
      %dma_start3A_687 = arith.constant 0 : i32
      %dma_start3A_688 = tpu.memref_slice %arg8[%dma_start3A_685, %dma_start3A_686, %dma_start3A_687] : memref<8x16x128xf32, #tpu.memory_space<vmem>> -> memref<1x16x128xf32, #tpu.memory_space<vmem>>
      %dma_start3A_689 = tpu.memref_squeeze %dma_start3A_688 : memref<1x16x128xf32, #tpu.memory_space<vmem>> -> memref<16x128xf32, #tpu.memory_space<vmem>>
      %dma_start3A_690 = tpu.memref_slice %arg3[%multiple_of3A_3, %multiple_of3A_684] : memref<32x1000000xf32, #tpu.memory_space<hbm>> -> memref<16x128xf32, #tpu.memory_space<hbm>>
      %dma_start3A_691 = arith.constant 0 : i32
      %dma_start3A_692 = arith.constant 0 : i32
      %dma_start3A_693 = tpu.memref_slice %arg8[%dma_start3A_685, %dma_start3A_691, %dma_start3A_692] : memref<8x16x128xf32, #tpu.memory_space<vmem>> -> memref<1x16x128xf32, #tpu.memory_space<vmem>>
      %dma_start3A_694 = tpu.memref_squeeze %dma_start3A_693 : memref<1x16x128xf32, #tpu.memory_space<vmem>> -> memref<16x128xf32, #tpu.memory_space<vmem>>
      %dma_start3A_695 = tpu.memref_slice %arg3[%multiple_of3A_3, %multiple_of3A_684] : memref<32x1000000xf32, #tpu.memory_space<hbm>> -> memref<16x128xf32, #tpu.memory_space<hbm>>
      tpu.enqueue_dma source(%dma_start3A_695 : memref<16x128xf32, #tpu.memory_space<hbm>>) target(%dma_start3A_694 : memref<16x128xf32, #tpu.memory_space<vmem>>) target_semaphore(%arg21 : memref<!tpu.dma_semaphore, #tpu.memory_space<semaphore_mem>>)
      %mul3A_696 = arith.constant 16 : i32
      %mul3A_697 = arith.muli %scan3A_356, %mul3A_696 : i32
      %add3A_698 = arith.constant 7 : i32
      %add3A_699 = arith.addi %mul3A_697, %add3A_698 : i32
      %dma_wait3A_700 = arith.constant 7 : i32
      %dma_wait3A_701 = arith.constant 0 : i32
      %dma_wait3A_702 = arith.constant 0 : i32
      %dma_wait3A_703 = tpu.memref_slice %arg8[%dma_wait3A_700, %dma_wait3A_701, %dma_wait3A_702] : memref<8x16x128xf32, #tpu.memory_space<vmem>> -> memref<1x16x128xf32, #tpu.memory_space<vmem>>
      %dma_wait3A_704 = tpu.memref_squeeze %dma_wait3A_703 : memref<1x16x128xf32, #tpu.memory_space<vmem>> -> memref<16x128xf32, #tpu.memory_space<vmem>>
      %dma_wait3A_705 = arith.constant 0 : i32
      %dma_wait3A_706 = tpu.memref_slice %arg3[%multiple_of3A_3, %dma_wait3A_705] : memref<32x1000000xf32, #tpu.memory_space<hbm>> -> memref<16x128xf32, #tpu.memory_space<hbm>>
      %dma_wait3A_707 = arith.constant 0 : i32
      %dma_wait3A_708 = arith.constant 0 : i32
      %dma_wait3A_709 = tpu.memref_slice %arg8[%dma_wait3A_700, %dma_wait3A_707, %dma_wait3A_708] : memref<8x16x128xf32, #tpu.memory_space<vmem>> -> memref<1x16x128xf32, #tpu.memory_space<vmem>>
      %dma_wait3A_710 = tpu.memref_squeeze %dma_wait3A_709 : memref<1x16x128xf32, #tpu.memory_space<vmem>> -> memref<16x128xf32, #tpu.memory_space<vmem>>
      %dma_wait3A_711 = arith.constant 0 : i32
      %dma_wait3A_712 = tpu.memref_slice %arg3[%multiple_of3A_3, %dma_wait3A_711] : memref<32x1000000xf32, #tpu.memory_space<hbm>> -> memref<16x128xf32, #tpu.memory_space<hbm>>
      tpu.wait_dma2 semaphore(%arg22 : memref<!tpu.dma_semaphore, #tpu.memory_space<semaphore_mem>>) src(%dma_wait3A_712 : memref<16x128xf32, #tpu.memory_space<hbm>>) dst(%dma_wait3A_710 : memref<16x128xf32, #tpu.memory_space<vmem>>)
      %slice3A_713 = vector.extract_strided_slice %get3A_362 {offsets = [7], sizes = [1], strides = [1]} : vector<16xi32> to vector<1xi32>
      %squeeze3A_714 = vector.extract %slice3A_713[0] : i32 from vector<1xi32>
      %and3A_715 = arith.constant 127 : i32
      %and3A_716 = arith.andi %squeeze3A_714, %and3A_715 : i32
      %broadcast_in_dim3A_717 = arith.constant 7 : i32
      %broadcast_in_dim3A_718 = vector.broadcast %broadcast_in_dim3A_717 : i32 to vector<16xi32>
      %broadcast_in_dim3A_719 = vector.broadcast %and3A_716 : i32 to vector<16xi32>
      %gather3A_720 = tpu.vector_load_idx %arg8[%broadcast_in_dim3A_718, %iota3A, %broadcast_in_dim3A_719] : memref<8x16x128xf32, #tpu.memory_space<vmem>>[vector<16xi32>, vector<16xi32>, vector<16xi32>], vector<16xf32>,
      %add3A_721 = arith.addf %add3A_674, %gather3A_720 : vector<16xf32>
      %mul3A_722 = arith.mulf %gather3A_720, %gather3A_720 : vector<16xf32>
      %add3A_723 = arith.addf %add3A_676, %mul3A_722 : vector<16xf32>
      %broadcast_in_dim3A_724 = vector.broadcast %add3A_699 : i32 to vector<16xi32>
      tpu.vector_store_idx %arg9[%iota3A, %broadcast_in_dim3A_724], %gather3A_720 : memref<16x1024xf32, #tpu.memory_space<vmem>>[vector<16xi32>, vector<16xi32>], vector<16xf32>,
      %slice3A_725 = vector.extract_strided_slice %get3A_362 {offsets = [15], sizes = [1], strides = [1]} : vector<16xi32> to vector<1xi32>
      %squeeze3A_726 = vector.extract %slice3A_725[0] : i32 from vector<1xi32>
      %shift_right_arithmetic3A_727 = arith.constant 7 : i32
      %shift_right_arithmetic3A_728 = arith.shrsi %squeeze3A_726, %shift_right_arithmetic3A_727 : i32
      %mul3A_729 = arith.constant 128 : i32
      %mul3A_730 = arith.muli %shift_right_arithmetic3A_728, %mul3A_729 : i32
      %multiple_of3A_731 = tpu.assume_multiple %mul3A_730, 128 : i32
      %dma_start3A_732 = arith.constant 7 : i32
      %dma_start3A_733 = arith.constant 0 : i32
      %dma_start3A_734 = arith.constant 0 : i32
      %dma_start3A_735 = tpu.memref_slice %arg8[%dma_start3A_732, %dma_start3A_733, %dma_start3A_734] : memref<8x16x128xf32, #tpu.memory_space<vmem>> -> memref<1x16x128xf32, #tpu.memory_space<vmem>>
      %dma_start3A_736 = tpu.memref_squeeze %dma_start3A_735 : memref<1x16x128xf32, #tpu.memory_space<vmem>> -> memref<16x128xf32, #tpu.memory_space<vmem>>
      %dma_start3A_737 = tpu.memref_slice %arg3[%multiple_of3A_3, %multiple_of3A_731] : memref<32x1000000xf32, #tpu.memory_space<hbm>> -> memref<16x128xf32, #tpu.memory_space<hbm>>
      %dma_start3A_738 = arith.constant 0 : i32
      %dma_start3A_739 = arith.constant 0 : i32
      %dma_start3A_740 = tpu.memref_slice %arg8[%dma_start3A_732, %dma_start3A_738, %dma_start3A_739] : memref<8x16x128xf32, #tpu.memory_space<vmem>> -> memref<1x16x128xf32, #tpu.memory_space<vmem>>
      %dma_start3A_741 = tpu.memref_squeeze %dma_start3A_740 : memref<1x16x128xf32, #tpu.memory_space<vmem>> -> memref<16x128xf32, #tpu.memory_space<vmem>>
      %dma_start3A_742 = tpu.memref_slice %arg3[%multiple_of3A_3, %multiple_of3A_731] : memref<32x1000000xf32, #tpu.memory_space<hbm>> -> memref<16x128xf32, #tpu.memory_space<hbm>>
      tpu.enqueue_dma source(%dma_start3A_742 : memref<16x128xf32, #tpu.memory_space<hbm>>) target(%dma_start3A_741 : memref<16x128xf32, #tpu.memory_space<vmem>>) target_semaphore(%arg22 : memref<!tpu.dma_semaphore, #tpu.memory_space<semaphore_mem>>)
      %mul3A_743 = arith.constant 16 : i32
      %mul3A_744 = arith.muli %scan3A_356, %mul3A_743 : i32
      %add3A_745 = arith.constant 8 : i32
      %add3A_746 = arith.addi %mul3A_744, %add3A_745 : i32
      %dma_wait3A_747 = arith.constant 0 : i32
      %dma_wait3A_748 = arith.constant 0 : i32
      %dma_wait3A_749 = arith.constant 0 : i32
      %dma_wait3A_750 = tpu.memref_slice %arg8[%dma_wait3A_747, %dma_wait3A_748, %dma_wait3A_749] : memref<8x16x128xf32, #tpu.memory_space<vmem>> -> memref<1x16x128xf32, #tpu.memory_space<vmem>>
      %dma_wait3A_751 = tpu.memref_squeeze %dma_wait3A_750 : memref<1x16x128xf32, #tpu.memory_space<vmem>> -> memref<16x128xf32, #tpu.memory_space<vmem>>
      %dma_wait3A_752 = arith.constant 0 : i32
      %dma_wait3A_753 = tpu.memref_slice %arg3[%multiple_of3A_3, %dma_wait3A_752] : memref<32x1000000xf32, #tpu.memory_space<hbm>> -> memref<16x128xf32, #tpu.memory_space<hbm>>
      %dma_wait3A_754 = arith.constant 0 : i32
      %dma_wait3A_755 = arith.constant 0 : i32
      %dma_wait3A_756 = tpu.memref_slice %arg8[%dma_wait3A_747, %dma_wait3A_754, %dma_wait3A_755] : memref<8x16x128xf32, #tpu.memory_space<vmem>> -> memref<1x16x128xf32, #tpu.memory_space<vmem>>
      %dma_wait3A_757 = tpu.memref_squeeze %dma_wait3A_756 : memref<1x16x128xf32, #tpu.memory_space<vmem>> -> memref<16x128xf32, #tpu.memory_space<vmem>>
      %dma_wait3A_758 = arith.constant 0 : i32
      %dma_wait3A_759 = tpu.memref_slice %arg3[%multiple_of3A_3, %dma_wait3A_758] : memref<32x1000000xf32, #tpu.memory_space<hbm>> -> memref<16x128xf32, #tpu.memory_space<hbm>>
      tpu.wait_dma2 semaphore(%arg15 : memref<!tpu.dma_semaphore, #tpu.memory_space<semaphore_mem>>) src(%dma_wait3A_759 : memref<16x128xf32, #tpu.memory_space<hbm>>) dst(%dma_wait3A_757 : memref<16x128xf32, #tpu.memory_space<vmem>>)
      %slice3A_760 = vector.extract_strided_slice %get3A_362 {offsets = [8], sizes = [1], strides = [1]} : vector<16xi32> to vector<1xi32>
      %squeeze3A_761 = vector.extract %slice3A_760[0] : i32 from vector<1xi32>
      %and3A_762 = arith.constant 127 : i32
      %and3A_763 = arith.andi %squeeze3A_761, %and3A_762 : i32
      %broadcast_in_dim3A_764 = arith.constant 0 : i32
      %broadcast_in_dim3A_765 = vector.broadcast %broadcast_in_dim3A_764 : i32 to vector<16xi32>
      %broadcast_in_dim3A_766 = vector.broadcast %and3A_763 : i32 to vector<16xi32>
      %gather3A_767 = tpu.vector_load_idx %arg8[%broadcast_in_dim3A_765, %iota3A, %broadcast_in_dim3A_766] : memref<8x16x128xf32, #tpu.memory_space<vmem>>[vector<16xi32>, vector<16xi32>, vector<16xi32>], vector<16xf32>,
      %add3A_768 = arith.addf %add3A_721, %gather3A_767 : vector<16xf32>
      %mul3A_769 = arith.mulf %gather3A_767, %gather3A_767 : vector<16xf32>
      %add3A_770 = arith.addf %add3A_723, %mul3A_769 : vector<16xf32>
      %broadcast_in_dim3A_771 = vector.broadcast %add3A_746 : i32 to vector<16xi32>
      tpu.vector_store_idx %arg9[%iota3A, %broadcast_in_dim3A_771], %gather3A_767 : memref<16x1024xf32, #tpu.memory_space<vmem>>[vector<16xi32>, vector<16xi32>], vector<16xf32>,
      %lt3A = arith.constant 63 : i32
      %lt3A_772 = arith.cmpi slt, %scan3A_356, %lt3A : i32
      %convert_element_type3A = arith.extui %lt3A_772 : i1 to i32
      %cond3A = arith.constant 0 : i32
      %cond3A_773 = arith.cmpi ne, %convert_element_type3A, %cond3A : i32
      scf.if %cond3A_773 {
        %slice3A_1012 = vector.extract_strided_slice %get3A_368 {offsets = [0], sizes = [1], strides = [1]} : vector<16xi32> to vector<1xi32>
        %squeeze3A_1013 = vector.extract %slice3A_1012[0] : i32 from vector<1xi32>
        %shift_right_arithmetic3A_1014 = arith.constant 7 : i32
        %shift_right_arithmetic3A_1015 = arith.shrsi %squeeze3A_1013, %shift_right_arithmetic3A_1014 : i32
        %mul3A_1016 = arith.constant 128 : i32
        %mul3A_1017 = arith.muli %shift_right_arithmetic3A_1015, %mul3A_1016 : i32
        %multiple_of3A_1018 = tpu.assume_multiple %mul3A_1017, 128 : i32
        %dma_start3A_1019 = arith.constant 0 : i32
        %dma_start3A_1020 = arith.constant 0 : i32
        %dma_start3A_1021 = arith.constant 0 : i32
        %dma_start3A_1022 = tpu.memref_slice %arg8[%dma_start3A_1019, %dma_start3A_1020, %dma_start3A_1021] : memref<8x16x128xf32, #tpu.memory_space<vmem>> -> memref<1x16x128xf32, #tpu.memory_space<vmem>>
        %dma_start3A_1023 = tpu.memref_squeeze %dma_start3A_1022 : memref<1x16x128xf32, #tpu.memory_space<vmem>> -> memref<16x128xf32, #tpu.memory_space<vmem>>
        %dma_start3A_1024 = tpu.memref_slice %arg3[%multiple_of3A_3, %multiple_of3A_1018] : memref<32x1000000xf32, #tpu.memory_space<hbm>> -> memref<16x128xf32, #tpu.memory_space<hbm>>
        %dma_start3A_1025 = arith.constant 0 : i32
        %dma_start3A_1026 = arith.constant 0 : i32
        %dma_start3A_1027 = tpu.memref_slice %arg8[%dma_start3A_1019, %dma_start3A_1025, %dma_start3A_1026] : memref<8x16x128xf32, #tpu.memory_space<vmem>> -> memref<1x16x128xf32, #tpu.memory_space<vmem>>
        %dma_start3A_1028 = tpu.memref_squeeze %dma_start3A_1027 : memref<1x16x128xf32, #tpu.memory_space<vmem>> -> memref<16x128xf32, #tpu.memory_space<vmem>>
        %dma_start3A_1029 = tpu.memref_slice %arg3[%multiple_of3A_3, %multiple_of3A_1018] : memref<32x1000000xf32, #tpu.memory_space<hbm>> -> memref<16x128xf32, #tpu.memory_space<hbm>>
        tpu.enqueue_dma source(%dma_start3A_1029 : memref<16x128xf32, #tpu.memory_space<hbm>>) target(%dma_start3A_1028 : memref<16x128xf32, #tpu.memory_space<vmem>>) target_semaphore(%arg15 : memref<!tpu.dma_semaphore, #tpu.memory_space<semaphore_mem>>)
      } else {
      }
      %mul3A_774 = arith.constant 16 : i32
      %mul3A_775 = arith.muli %scan3A_356, %mul3A_774 : i32
      %add3A_776 = arith.constant 9 : i32
      %add3A_777 = arith.addi %mul3A_775, %add3A_776 : i32
      %dma_wait3A_778 = arith.constant 1 : i32
      %dma_wait3A_779 = arith.constant 0 : i32
      %dma_wait3A_780 = arith.constant 0 : i32
      %dma_wait3A_781 = tpu.memref_slice %arg8[%dma_wait3A_778, %dma_wait3A_779, %dma_wait3A_780] : memref<8x16x128xf32, #tpu.memory_space<vmem>> -> memref<1x16x128xf32, #tpu.memory_space<vmem>>
      %dma_wait3A_782 = tpu.memref_squeeze %dma_wait3A_781 : memref<1x16x128xf32, #tpu.memory_space<vmem>> -> memref<16x128xf32, #tpu.memory_space<vmem>>
      %dma_wait3A_783 = arith.constant 0 : i32
      %dma_wait3A_784 = tpu.memref_slice %arg3[%multiple_of3A_3, %dma_wait3A_783] : memref<32x1000000xf32, #tpu.memory_space<hbm>> -> memref<16x128xf32, #tpu.memory_space<hbm>>
      %dma_wait3A_785 = arith.constant 0 : i32
      %dma_wait3A_786 = arith.constant 0 : i32
      %dma_wait3A_787 = tpu.memref_slice %arg8[%dma_wait3A_778, %dma_wait3A_785, %dma_wait3A_786] : memref<8x16x128xf32, #tpu.memory_space<vmem>> -> memref<1x16x128xf32, #tpu.memory_space<vmem>>
      %dma_wait3A_788 = tpu.memref_squeeze %dma_wait3A_787 : memref<1x16x128xf32, #tpu.memory_space<vmem>> -> memref<16x128xf32, #tpu.memory_space<vmem>>
      %dma_wait3A_789 = arith.constant 0 : i32
      %dma_wait3A_790 = tpu.memref_slice %arg3[%multiple_of3A_3, %dma_wait3A_789] : memref<32x1000000xf32, #tpu.memory_space<hbm>> -> memref<16x128xf32, #tpu.memory_space<hbm>>
      tpu.wait_dma2 semaphore(%arg16 : memref<!tpu.dma_semaphore, #tpu.memory_space<semaphore_mem>>) src(%dma_wait3A_790 : memref<16x128xf32, #tpu.memory_space<hbm>>) dst(%dma_wait3A_788 : memref<16x128xf32, #tpu.memory_space<vmem>>)
      %slice3A_791 = vector.extract_strided_slice %get3A_362 {offsets = [9], sizes = [1], strides = [1]} : vector<16xi32> to vector<1xi32>
      %squeeze3A_792 = vector.extract %slice3A_791[0] : i32 from vector<1xi32>
      %and3A_793 = arith.constant 127 : i32
      %and3A_794 = arith.andi %squeeze3A_792, %and3A_793 : i32
      %broadcast_in_dim3A_795 = arith.constant 1 : i32
      %broadcast_in_dim3A_796 = vector.broadcast %broadcast_in_dim3A_795 : i32 to vector<16xi32>
      %broadcast_in_dim3A_797 = vector.broadcast %and3A_794 : i32 to vector<16xi32>
      %gather3A_798 = tpu.vector_load_idx %arg8[%broadcast_in_dim3A_796, %iota3A, %broadcast_in_dim3A_797] : memref<8x16x128xf32, #tpu.memory_space<vmem>>[vector<16xi32>, vector<16xi32>, vector<16xi32>], vector<16xf32>,
      %add3A_799 = arith.addf %add3A_768, %gather3A_798 : vector<16xf32>
      %mul3A_800 = arith.mulf %gather3A_798, %gather3A_798 : vector<16xf32>
      %add3A_801 = arith.addf %add3A_770, %mul3A_800 : vector<16xf32>
      %broadcast_in_dim3A_802 = vector.broadcast %add3A_777 : i32 to vector<16xi32>
      tpu.vector_store_idx %arg9[%iota3A, %broadcast_in_dim3A_802], %gather3A_798 : memref<16x1024xf32, #tpu.memory_space<vmem>>[vector<16xi32>, vector<16xi32>], vector<16xf32>,
      %lt3A_803 = arith.constant 63 : i32
      %lt3A_804 = arith.cmpi slt, %scan3A_356, %lt3A_803 : i32
      %convert_element_type3A_805 = arith.extui %lt3A_804 : i1 to i32
      %cond3A_806 = arith.constant 0 : i32
      %cond3A_807 = arith.cmpi ne, %convert_element_type3A_805, %cond3A_806 : i32
      scf.if %cond3A_807 {
        %slice3A_1012 = vector.extract_strided_slice %get3A_368 {offsets = [1], sizes = [1], strides = [1]} : vector<16xi32> to vector<1xi32>
        %squeeze3A_1013 = vector.extract %slice3A_1012[0] : i32 from vector<1xi32>
        %shift_right_arithmetic3A_1014 = arith.constant 7 : i32
        %shift_right_arithmetic3A_1015 = arith.shrsi %squeeze3A_1013, %shift_right_arithmetic3A_1014 : i32
        %mul3A_1016 = arith.constant 128 : i32
        %mul3A_1017 = arith.muli %shift_right_arithmetic3A_1015, %mul3A_1016 : i32
        %multiple_of3A_1018 = tpu.assume_multiple %mul3A_1017, 128 : i32
        %dma_start3A_1019 = arith.constant 1 : i32
        %dma_start3A_1020 = arith.constant 0 : i32
        %dma_start3A_1021 = arith.constant 0 : i32
        %dma_start3A_1022 = tpu.memref_slice %arg8[%dma_start3A_1019, %dma_start3A_1020, %dma_start3A_1021] : memref<8x16x128xf32, #tpu.memory_space<vmem>> -> memref<1x16x128xf32, #tpu.memory_space<vmem>>
        %dma_start3A_1023 = tpu.memref_squeeze %dma_start3A_1022 : memref<1x16x128xf32, #tpu.memory_space<vmem>> -> memref<16x128xf32, #tpu.memory_space<vmem>>
        %dma_start3A_1024 = tpu.memref_slice %arg3[%multiple_of3A_3, %multiple_of3A_1018] : memref<32x1000000xf32, #tpu.memory_space<hbm>> -> memref<16x128xf32, #tpu.memory_space<hbm>>
        %dma_start3A_1025 = arith.constant 0 : i32
        %dma_start3A_1026 = arith.constant 0 : i32
        %dma_start3A_1027 = tpu.memref_slice %arg8[%dma_start3A_1019, %dma_start3A_1025, %dma_start3A_1026] : memref<8x16x128xf32, #tpu.memory_space<vmem>> -> memref<1x16x128xf32, #tpu.memory_space<vmem>>
        %dma_start3A_1028 = tpu.memref_squeeze %dma_start3A_1027 : memref<1x16x128xf32, #tpu.memory_space<vmem>> -> memref<16x128xf32, #tpu.memory_space<vmem>>
        %dma_start3A_1029 = tpu.memref_slice %arg3[%multiple_of3A_3, %multiple_of3A_1018] : memref<32x1000000xf32, #tpu.memory_space<hbm>> -> memref<16x128xf32, #tpu.memory_space<hbm>>
        tpu.enqueue_dma source(%dma_start3A_1029 : memref<16x128xf32, #tpu.memory_space<hbm>>) target(%dma_start3A_1028 : memref<16x128xf32, #tpu.memory_space<vmem>>) target_semaphore(%arg16 : memref<!tpu.dma_semaphore, #tpu.memory_space<semaphore_mem>>)
      } else {
      }
      %mul3A_808 = arith.constant 16 : i32
      %mul3A_809 = arith.muli %scan3A_356, %mul3A_808 : i32
      %add3A_810 = arith.constant 10 : i32
      %add3A_811 = arith.addi %mul3A_809, %add3A_810 : i32
      %dma_wait3A_812 = arith.constant 2 : i32
      %dma_wait3A_813 = arith.constant 0 : i32
      %dma_wait3A_814 = arith.constant 0 : i32
      %dma_wait3A_815 = tpu.memref_slice %arg8[%dma_wait3A_812, %dma_wait3A_813, %dma_wait3A_814] : memref<8x16x128xf32, #tpu.memory_space<vmem>> -> memref<1x16x128xf32, #tpu.memory_space<vmem>>
      %dma_wait3A_816 = tpu.memref_squeeze %dma_wait3A_815 : memref<1x16x128xf32, #tpu.memory_space<vmem>> -> memref<16x128xf32, #tpu.memory_space<vmem>>
      %dma_wait3A_817 = arith.constant 0 : i32
      %dma_wait3A_818 = tpu.memref_slice %arg3[%multiple_of3A_3, %dma_wait3A_817] : memref<32x1000000xf32, #tpu.memory_space<hbm>> -> memref<16x128xf32, #tpu.memory_space<hbm>>
      %dma_wait3A_819 = arith.constant 0 : i32
      %dma_wait3A_820 = arith.constant 0 : i32
      %dma_wait3A_821 = tpu.memref_slice %arg8[%dma_wait3A_812, %dma_wait3A_819, %dma_wait3A_820] : memref<8x16x128xf32, #tpu.memory_space<vmem>> -> memref<1x16x128xf32, #tpu.memory_space<vmem>>
      %dma_wait3A_822 = tpu.memref_squeeze %dma_wait3A_821 : memref<1x16x128xf32, #tpu.memory_space<vmem>> -> memref<16x128xf32, #tpu.memory_space<vmem>>
      %dma_wait3A_823 = arith.constant 0 : i32
      %dma_wait3A_824 = tpu.memref_slice %arg3[%multiple_of3A_3, %dma_wait3A_823] : memref<32x1000000xf32, #tpu.memory_space<hbm>> -> memref<16x128xf32, #tpu.memory_space<hbm>>
      tpu.wait_dma2 semaphore(%arg17 : memref<!tpu.dma_semaphore, #tpu.memory_space<semaphore_mem>>) src(%dma_wait3A_824 : memref<16x128xf32, #tpu.memory_space<hbm>>) dst(%dma_wait3A_822 : memref<16x128xf32, #tpu.memory_space<vmem>>)
      %slice3A_825 = vector.extract_strided_slice %get3A_362 {offsets = [10], sizes = [1], strides = [1]} : vector<16xi32> to vector<1xi32>
      %squeeze3A_826 = vector.extract %slice3A_825[0] : i32 from vector<1xi32>
      %and3A_827 = arith.constant 127 : i32
      %and3A_828 = arith.andi %squeeze3A_826, %and3A_827 : i32
      %broadcast_in_dim3A_829 = arith.constant 2 : i32
      %broadcast_in_dim3A_830 = vector.broadcast %broadcast_in_dim3A_829 : i32 to vector<16xi32>
      %broadcast_in_dim3A_831 = vector.broadcast %and3A_828 : i32 to vector<16xi32>
      %gather3A_832 = tpu.vector_load_idx %arg8[%broadcast_in_dim3A_830, %iota3A, %broadcast_in_dim3A_831] : memref<8x16x128xf32, #tpu.memory_space<vmem>>[vector<16xi32>, vector<16xi32>, vector<16xi32>], vector<16xf32>,
      %add3A_833 = arith.addf %add3A_799, %gather3A_832 : vector<16xf32>
      %mul3A_834 = arith.mulf %gather3A_832, %gather3A_832 : vector<16xf32>
      %add3A_835 = arith.addf %add3A_801, %mul3A_834 : vector<16xf32>
      %broadcast_in_dim3A_836 = vector.broadcast %add3A_811 : i32 to vector<16xi32>
      tpu.vector_store_idx %arg9[%iota3A, %broadcast_in_dim3A_836], %gather3A_832 : memref<16x1024xf32, #tpu.memory_space<vmem>>[vector<16xi32>, vector<16xi32>], vector<16xf32>,
      %lt3A_837 = arith.constant 63 : i32
      %lt3A_838 = arith.cmpi slt, %scan3A_356, %lt3A_837 : i32
      %convert_element_type3A_839 = arith.extui %lt3A_838 : i1 to i32
      %cond3A_840 = arith.constant 0 : i32
      %cond3A_841 = arith.cmpi ne, %convert_element_type3A_839, %cond3A_840 : i32
      scf.if %cond3A_841 {
        %slice3A_1012 = vector.extract_strided_slice %get3A_368 {offsets = [2], sizes = [1], strides = [1]} : vector<16xi32> to vector<1xi32>
        %squeeze3A_1013 = vector.extract %slice3A_1012[0] : i32 from vector<1xi32>
        %shift_right_arithmetic3A_1014 = arith.constant 7 : i32
        %shift_right_arithmetic3A_1015 = arith.shrsi %squeeze3A_1013, %shift_right_arithmetic3A_1014 : i32
        %mul3A_1016 = arith.constant 128 : i32
        %mul3A_1017 = arith.muli %shift_right_arithmetic3A_1015, %mul3A_1016 : i32
        %multiple_of3A_1018 = tpu.assume_multiple %mul3A_1017, 128 : i32
        %dma_start3A_1019 = arith.constant 2 : i32
        %dma_start3A_1020 = arith.constant 0 : i32
        %dma_start3A_1021 = arith.constant 0 : i32
        %dma_start3A_1022 = tpu.memref_slice %arg8[%dma_start3A_1019, %dma_start3A_1020, %dma_start3A_1021] : memref<8x16x128xf32, #tpu.memory_space<vmem>> -> memref<1x16x128xf32, #tpu.memory_space<vmem>>
        %dma_start3A_1023 = tpu.memref_squeeze %dma_start3A_1022 : memref<1x16x128xf32, #tpu.memory_space<vmem>> -> memref<16x128xf32, #tpu.memory_space<vmem>>
        %dma_start3A_1024 = tpu.memref_slice %arg3[%multiple_of3A_3, %multiple_of3A_1018] : memref<32x1000000xf32, #tpu.memory_space<hbm>> -> memref<16x128xf32, #tpu.memory_space<hbm>>
        %dma_start3A_1025 = arith.constant 0 : i32
        %dma_start3A_1026 = arith.constant 0 : i32
        %dma_start3A_1027 = tpu.memref_slice %arg8[%dma_start3A_1019, %dma_start3A_1025, %dma_start3A_1026] : memref<8x16x128xf32, #tpu.memory_space<vmem>> -> memref<1x16x128xf32, #tpu.memory_space<vmem>>
        %dma_start3A_1028 = tpu.memref_squeeze %dma_start3A_1027 : memref<1x16x128xf32, #tpu.memory_space<vmem>> -> memref<16x128xf32, #tpu.memory_space<vmem>>
        %dma_start3A_1029 = tpu.memref_slice %arg3[%multiple_of3A_3, %multiple_of3A_1018] : memref<32x1000000xf32, #tpu.memory_space<hbm>> -> memref<16x128xf32, #tpu.memory_space<hbm>>
        tpu.enqueue_dma source(%dma_start3A_1029 : memref<16x128xf32, #tpu.memory_space<hbm>>) target(%dma_start3A_1028 : memref<16x128xf32, #tpu.memory_space<vmem>>) target_semaphore(%arg17 : memref<!tpu.dma_semaphore, #tpu.memory_space<semaphore_mem>>)
      } else {
      }
      %mul3A_842 = arith.constant 16 : i32
      %mul3A_843 = arith.muli %scan3A_356, %mul3A_842 : i32
      %add3A_844 = arith.constant 11 : i32
      %add3A_845 = arith.addi %mul3A_843, %add3A_844 : i32
      %dma_wait3A_846 = arith.constant 3 : i32
      %dma_wait3A_847 = arith.constant 0 : i32
      %dma_wait3A_848 = arith.constant 0 : i32
      %dma_wait3A_849 = tpu.memref_slice %arg8[%dma_wait3A_846, %dma_wait3A_847, %dma_wait3A_848] : memref<8x16x128xf32, #tpu.memory_space<vmem>> -> memref<1x16x128xf32, #tpu.memory_space<vmem>>
      %dma_wait3A_850 = tpu.memref_squeeze %dma_wait3A_849 : memref<1x16x128xf32, #tpu.memory_space<vmem>> -> memref<16x128xf32, #tpu.memory_space<vmem>>
      %dma_wait3A_851 = arith.constant 0 : i32
      %dma_wait3A_852 = tpu.memref_slice %arg3[%multiple_of3A_3, %dma_wait3A_851] : memref<32x1000000xf32, #tpu.memory_space<hbm>> -> memref<16x128xf32, #tpu.memory_space<hbm>>
      %dma_wait3A_853 = arith.constant 0 : i32
      %dma_wait3A_854 = arith.constant 0 : i32
      %dma_wait3A_855 = tpu.memref_slice %arg8[%dma_wait3A_846, %dma_wait3A_853, %dma_wait3A_854] : memref<8x16x128xf32, #tpu.memory_space<vmem>> -> memref<1x16x128xf32, #tpu.memory_space<vmem>>
      %dma_wait3A_856 = tpu.memref_squeeze %dma_wait3A_855 : memref<1x16x128xf32, #tpu.memory_space<vmem>> -> memref<16x128xf32, #tpu.memory_space<vmem>>
      %dma_wait3A_857 = arith.constant 0 : i32
      %dma_wait3A_858 = tpu.memref_slice %arg3[%multiple_of3A_3, %dma_wait3A_857] : memref<32x1000000xf32, #tpu.memory_space<hbm>> -> memref<16x128xf32, #tpu.memory_space<hbm>>
      tpu.wait_dma2 semaphore(%arg18 : memref<!tpu.dma_semaphore, #tpu.memory_space<semaphore_mem>>) src(%dma_wait3A_858 : memref<16x128xf32, #tpu.memory_space<hbm>>) dst(%dma_wait3A_856 : memref<16x128xf32, #tpu.memory_space<vmem>>)
      %slice3A_859 = vector.extract_strided_slice %get3A_362 {offsets = [11], sizes = [1], strides = [1]} : vector<16xi32> to vector<1xi32>
      %squeeze3A_860 = vector.extract %slice3A_859[0] : i32 from vector<1xi32>
      %and3A_861 = arith.constant 127 : i32
      %and3A_862 = arith.andi %squeeze3A_860, %and3A_861 : i32
      %broadcast_in_dim3A_863 = arith.constant 3 : i32
      %broadcast_in_dim3A_864 = vector.broadcast %broadcast_in_dim3A_863 : i32 to vector<16xi32>
      %broadcast_in_dim3A_865 = vector.broadcast %and3A_862 : i32 to vector<16xi32>
      %gather3A_866 = tpu.vector_load_idx %arg8[%broadcast_in_dim3A_864, %iota3A, %broadcast_in_dim3A_865] : memref<8x16x128xf32, #tpu.memory_space<vmem>>[vector<16xi32>, vector<16xi32>, vector<16xi32>], vector<16xf32>,
      %add3A_867 = arith.addf %add3A_833, %gather3A_866 : vector<16xf32>
      %mul3A_868 = arith.mulf %gather3A_866, %gather3A_866 : vector<16xf32>
      %add3A_869 = arith.addf %add3A_835, %mul3A_868 : vector<16xf32>
      %broadcast_in_dim3A_870 = vector.broadcast %add3A_845 : i32 to vector<16xi32>
      tpu.vector_store_idx %arg9[%iota3A, %broadcast_in_dim3A_870], %gather3A_866 : memref<16x1024xf32, #tpu.memory_space<vmem>>[vector<16xi32>, vector<16xi32>], vector<16xf32>,
      %lt3A_871 = arith.constant 63 : i32
      %lt3A_872 = arith.cmpi slt, %scan3A_356, %lt3A_871 : i32
      %convert_element_type3A_873 = arith.extui %lt3A_872 : i1 to i32
      %cond3A_874 = arith.constant 0 : i32
      %cond3A_875 = arith.cmpi ne, %convert_element_type3A_873, %cond3A_874 : i32
      scf.if %cond3A_875 {
        %slice3A_1012 = vector.extract_strided_slice %get3A_368 {offsets = [3], sizes = [1], strides = [1]} : vector<16xi32> to vector<1xi32>
        %squeeze3A_1013 = vector.extract %slice3A_1012[0] : i32 from vector<1xi32>
        %shift_right_arithmetic3A_1014 = arith.constant 7 : i32
        %shift_right_arithmetic3A_1015 = arith.shrsi %squeeze3A_1013, %shift_right_arithmetic3A_1014 : i32
        %mul3A_1016 = arith.constant 128 : i32
        %mul3A_1017 = arith.muli %shift_right_arithmetic3A_1015, %mul3A_1016 : i32
        %multiple_of3A_1018 = tpu.assume_multiple %mul3A_1017, 128 : i32
        %dma_start3A_1019 = arith.constant 3 : i32
        %dma_start3A_1020 = arith.constant 0 : i32
        %dma_start3A_1021 = arith.constant 0 : i32
        %dma_start3A_1022 = tpu.memref_slice %arg8[%dma_start3A_1019, %dma_start3A_1020, %dma_start3A_1021] : memref<8x16x128xf32, #tpu.memory_space<vmem>> -> memref<1x16x128xf32, #tpu.memory_space<vmem>>
        %dma_start3A_1023 = tpu.memref_squeeze %dma_start3A_1022 : memref<1x16x128xf32, #tpu.memory_space<vmem>> -> memref<16x128xf32, #tpu.memory_space<vmem>>
        %dma_start3A_1024 = tpu.memref_slice %arg3[%multiple_of3A_3, %multiple_of3A_1018] : memref<32x1000000xf32, #tpu.memory_space<hbm>> -> memref<16x128xf32, #tpu.memory_space<hbm>>
        %dma_start3A_1025 = arith.constant 0 : i32
        %dma_start3A_1026 = arith.constant 0 : i32
        %dma_start3A_1027 = tpu.memref_slice %arg8[%dma_start3A_1019, %dma_start3A_1025, %dma_start3A_1026] : memref<8x16x128xf32, #tpu.memory_space<vmem>> -> memref<1x16x128xf32, #tpu.memory_space<vmem>>
        %dma_start3A_1028 = tpu.memref_squeeze %dma_start3A_1027 : memref<1x16x128xf32, #tpu.memory_space<vmem>> -> memref<16x128xf32, #tpu.memory_space<vmem>>
        %dma_start3A_1029 = tpu.memref_slice %arg3[%multiple_of3A_3, %multiple_of3A_1018] : memref<32x1000000xf32, #tpu.memory_space<hbm>> -> memref<16x128xf32, #tpu.memory_space<hbm>>
        tpu.enqueue_dma source(%dma_start3A_1029 : memref<16x128xf32, #tpu.memory_space<hbm>>) target(%dma_start3A_1028 : memref<16x128xf32, #tpu.memory_space<vmem>>) target_semaphore(%arg18 : memref<!tpu.dma_semaphore, #tpu.memory_space<semaphore_mem>>)
      } else {
      }
      %mul3A_876 = arith.constant 16 : i32
      %mul3A_877 = arith.muli %scan3A_356, %mul3A_876 : i32
      %add3A_878 = arith.constant 12 : i32
      %add3A_879 = arith.addi %mul3A_877, %add3A_878 : i32
      %dma_wait3A_880 = arith.constant 4 : i32
      %dma_wait3A_881 = arith.constant 0 : i32
      %dma_wait3A_882 = arith.constant 0 : i32
      %dma_wait3A_883 = tpu.memref_slice %arg8[%dma_wait3A_880, %dma_wait3A_881, %dma_wait3A_882] : memref<8x16x128xf32, #tpu.memory_space<vmem>> -> memref<1x16x128xf32, #tpu.memory_space<vmem>>
      %dma_wait3A_884 = tpu.memref_squeeze %dma_wait3A_883 : memref<1x16x128xf32, #tpu.memory_space<vmem>> -> memref<16x128xf32, #tpu.memory_space<vmem>>
      %dma_wait3A_885 = arith.constant 0 : i32
      %dma_wait3A_886 = tpu.memref_slice %arg3[%multiple_of3A_3, %dma_wait3A_885] : memref<32x1000000xf32, #tpu.memory_space<hbm>> -> memref<16x128xf32, #tpu.memory_space<hbm>>
      %dma_wait3A_887 = arith.constant 0 : i32
      %dma_wait3A_888 = arith.constant 0 : i32
      %dma_wait3A_889 = tpu.memref_slice %arg8[%dma_wait3A_880, %dma_wait3A_887, %dma_wait3A_888] : memref<8x16x128xf32, #tpu.memory_space<vmem>> -> memref<1x16x128xf32, #tpu.memory_space<vmem>>
      %dma_wait3A_890 = tpu.memref_squeeze %dma_wait3A_889 : memref<1x16x128xf32, #tpu.memory_space<vmem>> -> memref<16x128xf32, #tpu.memory_space<vmem>>
      %dma_wait3A_891 = arith.constant 0 : i32
      %dma_wait3A_892 = tpu.memref_slice %arg3[%multiple_of3A_3, %dma_wait3A_891] : memref<32x1000000xf32, #tpu.memory_space<hbm>> -> memref<16x128xf32, #tpu.memory_space<hbm>>
      tpu.wait_dma2 semaphore(%arg19 : memref<!tpu.dma_semaphore, #tpu.memory_space<semaphore_mem>>) src(%dma_wait3A_892 : memref<16x128xf32, #tpu.memory_space<hbm>>) dst(%dma_wait3A_890 : memref<16x128xf32, #tpu.memory_space<vmem>>)
      %slice3A_893 = vector.extract_strided_slice %get3A_362 {offsets = [12], sizes = [1], strides = [1]} : vector<16xi32> to vector<1xi32>
      %squeeze3A_894 = vector.extract %slice3A_893[0] : i32 from vector<1xi32>
      %and3A_895 = arith.constant 127 : i32
      %and3A_896 = arith.andi %squeeze3A_894, %and3A_895 : i32
      %broadcast_in_dim3A_897 = arith.constant 4 : i32
      %broadcast_in_dim3A_898 = vector.broadcast %broadcast_in_dim3A_897 : i32 to vector<16xi32>
      %broadcast_in_dim3A_899 = vector.broadcast %and3A_896 : i32 to vector<16xi32>
      %gather3A_900 = tpu.vector_load_idx %arg8[%broadcast_in_dim3A_898, %iota3A, %broadcast_in_dim3A_899] : memref<8x16x128xf32, #tpu.memory_space<vmem>>[vector<16xi32>, vector<16xi32>, vector<16xi32>], vector<16xf32>,
      %add3A_901 = arith.addf %add3A_867, %gather3A_900 : vector<16xf32>
      %mul3A_902 = arith.mulf %gather3A_900, %gather3A_900 : vector<16xf32>
      %add3A_903 = arith.addf %add3A_869, %mul3A_902 : vector<16xf32>
      %broadcast_in_dim3A_904 = vector.broadcast %add3A_879 : i32 to vector<16xi32>
      tpu.vector_store_idx %arg9[%iota3A, %broadcast_in_dim3A_904], %gather3A_900 : memref<16x1024xf32, #tpu.memory_space<vmem>>[vector<16xi32>, vector<16xi32>], vector<16xf32>,
      %lt3A_905 = arith.constant 63 : i32
      %lt3A_906 = arith.cmpi slt, %scan3A_356, %lt3A_905 : i32
      %convert_element_type3A_907 = arith.extui %lt3A_906 : i1 to i32
      %cond3A_908 = arith.constant 0 : i32
      %cond3A_909 = arith.cmpi ne, %convert_element_type3A_907, %cond3A_908 : i32
      scf.if %cond3A_909 {
        %slice3A_1012 = vector.extract_strided_slice %get3A_368 {offsets = [4], sizes = [1], strides = [1]} : vector<16xi32> to vector<1xi32>
        %squeeze3A_1013 = vector.extract %slice3A_1012[0] : i32 from vector<1xi32>
        %shift_right_arithmetic3A_1014 = arith.constant 7 : i32
        %shift_right_arithmetic3A_1015 = arith.shrsi %squeeze3A_1013, %shift_right_arithmetic3A_1014 : i32
        %mul3A_1016 = arith.constant 128 : i32
        %mul3A_1017 = arith.muli %shift_right_arithmetic3A_1015, %mul3A_1016 : i32
        %multiple_of3A_1018 = tpu.assume_multiple %mul3A_1017, 128 : i32
        %dma_start3A_1019 = arith.constant 4 : i32
        %dma_start3A_1020 = arith.constant 0 : i32
        %dma_start3A_1021 = arith.constant 0 : i32
        %dma_start3A_1022 = tpu.memref_slice %arg8[%dma_start3A_1019, %dma_start3A_1020, %dma_start3A_1021] : memref<8x16x128xf32, #tpu.memory_space<vmem>> -> memref<1x16x128xf32, #tpu.memory_space<vmem>>
        %dma_start3A_1023 = tpu.memref_squeeze %dma_start3A_1022 : memref<1x16x128xf32, #tpu.memory_space<vmem>> -> memref<16x128xf32, #tpu.memory_space<vmem>>
        %dma_start3A_1024 = tpu.memref_slice %arg3[%multiple_of3A_3, %multiple_of3A_1018] : memref<32x1000000xf32, #tpu.memory_space<hbm>> -> memref<16x128xf32, #tpu.memory_space<hbm>>
        %dma_start3A_1025 = arith.constant 0 : i32
        %dma_start3A_1026 = arith.constant 0 : i32
        %dma_start3A_1027 = tpu.memref_slice %arg8[%dma_start3A_1019, %dma_start3A_1025, %dma_start3A_1026] : memref<8x16x128xf32, #tpu.memory_space<vmem>> -> memref<1x16x128xf32, #tpu.memory_space<vmem>>
        %dma_start3A_1028 = tpu.memref_squeeze %dma_start3A_1027 : memref<1x16x128xf32, #tpu.memory_space<vmem>> -> memref<16x128xf32, #tpu.memory_space<vmem>>
        %dma_start3A_1029 = tpu.memref_slice %arg3[%multiple_of3A_3, %multiple_of3A_1018] : memref<32x1000000xf32, #tpu.memory_space<hbm>> -> memref<16x128xf32, #tpu.memory_space<hbm>>
        tpu.enqueue_dma source(%dma_start3A_1029 : memref<16x128xf32, #tpu.memory_space<hbm>>) target(%dma_start3A_1028 : memref<16x128xf32, #tpu.memory_space<vmem>>) target_semaphore(%arg19 : memref<!tpu.dma_semaphore, #tpu.memory_space<semaphore_mem>>)
      } else {
      }
      %mul3A_910 = arith.constant 16 : i32
      %mul3A_911 = arith.muli %scan3A_356, %mul3A_910 : i32
      %add3A_912 = arith.constant 13 : i32
      %add3A_913 = arith.addi %mul3A_911, %add3A_912 : i32
      %dma_wait3A_914 = arith.constant 5 : i32
      %dma_wait3A_915 = arith.constant 0 : i32
      %dma_wait3A_916 = arith.constant 0 : i32
      %dma_wait3A_917 = tpu.memref_slice %arg8[%dma_wait3A_914, %dma_wait3A_915, %dma_wait3A_916] : memref<8x16x128xf32, #tpu.memory_space<vmem>> -> memref<1x16x128xf32, #tpu.memory_space<vmem>>
      %dma_wait3A_918 = tpu.memref_squeeze %dma_wait3A_917 : memref<1x16x128xf32, #tpu.memory_space<vmem>> -> memref<16x128xf32, #tpu.memory_space<vmem>>
      %dma_wait3A_919 = arith.constant 0 : i32
      %dma_wait3A_920 = tpu.memref_slice %arg3[%multiple_of3A_3, %dma_wait3A_919] : memref<32x1000000xf32, #tpu.memory_space<hbm>> -> memref<16x128xf32, #tpu.memory_space<hbm>>
      %dma_wait3A_921 = arith.constant 0 : i32
      %dma_wait3A_922 = arith.constant 0 : i32
      %dma_wait3A_923 = tpu.memref_slice %arg8[%dma_wait3A_914, %dma_wait3A_921, %dma_wait3A_922] : memref<8x16x128xf32, #tpu.memory_space<vmem>> -> memref<1x16x128xf32, #tpu.memory_space<vmem>>
      %dma_wait3A_924 = tpu.memref_squeeze %dma_wait3A_923 : memref<1x16x128xf32, #tpu.memory_space<vmem>> -> memref<16x128xf32, #tpu.memory_space<vmem>>
      %dma_wait3A_925 = arith.constant 0 : i32
      %dma_wait3A_926 = tpu.memref_slice %arg3[%multiple_of3A_3, %dma_wait3A_925] : memref<32x1000000xf32, #tpu.memory_space<hbm>> -> memref<16x128xf32, #tpu.memory_space<hbm>>
      tpu.wait_dma2 semaphore(%arg20 : memref<!tpu.dma_semaphore, #tpu.memory_space<semaphore_mem>>) src(%dma_wait3A_926 : memref<16x128xf32, #tpu.memory_space<hbm>>) dst(%dma_wait3A_924 : memref<16x128xf32, #tpu.memory_space<vmem>>)
      %slice3A_927 = vector.extract_strided_slice %get3A_362 {offsets = [13], sizes = [1], strides = [1]} : vector<16xi32> to vector<1xi32>
      %squeeze3A_928 = vector.extract %slice3A_927[0] : i32 from vector<1xi32>
      %and3A_929 = arith.constant 127 : i32
      %and3A_930 = arith.andi %squeeze3A_928, %and3A_929 : i32
      %broadcast_in_dim3A_931 = arith.constant 5 : i32
      %broadcast_in_dim3A_932 = vector.broadcast %broadcast_in_dim3A_931 : i32 to vector<16xi32>
      %broadcast_in_dim3A_933 = vector.broadcast %and3A_930 : i32 to vector<16xi32>
      %gather3A_934 = tpu.vector_load_idx %arg8[%broadcast_in_dim3A_932, %iota3A, %broadcast_in_dim3A_933] : memref<8x16x128xf32, #tpu.memory_space<vmem>>[vector<16xi32>, vector<16xi32>, vector<16xi32>], vector<16xf32>,
      %add3A_935 = arith.addf %add3A_901, %gather3A_934 : vector<16xf32>
      %mul3A_936 = arith.mulf %gather3A_934, %gather3A_934 : vector<16xf32>
      %add3A_937 = arith.addf %add3A_903, %mul3A_936 : vector<16xf32>
      %broadcast_in_dim3A_938 = vector.broadcast %add3A_913 : i32 to vector<16xi32>
      tpu.vector_store_idx %arg9[%iota3A, %broadcast_in_dim3A_938], %gather3A_934 : memref<16x1024xf32, #tpu.memory_space<vmem>>[vector<16xi32>, vector<16xi32>], vector<16xf32>,
      %lt3A_939 = arith.constant 63 : i32
      %lt3A_940 = arith.cmpi slt, %scan3A_356, %lt3A_939 : i32
      %convert_element_type3A_941 = arith.extui %lt3A_940 : i1 to i32
      %cond3A_942 = arith.constant 0 : i32
      %cond3A_943 = arith.cmpi ne, %convert_element_type3A_941, %cond3A_942 : i32
      scf.if %cond3A_943 {
        %slice3A_1012 = vector.extract_strided_slice %get3A_368 {offsets = [5], sizes = [1], strides = [1]} : vector<16xi32> to vector<1xi32>
        %squeeze3A_1013 = vector.extract %slice3A_1012[0] : i32 from vector<1xi32>
        %shift_right_arithmetic3A_1014 = arith.constant 7 : i32
        %shift_right_arithmetic3A_1015 = arith.shrsi %squeeze3A_1013, %shift_right_arithmetic3A_1014 : i32
        %mul3A_1016 = arith.constant 128 : i32
        %mul3A_1017 = arith.muli %shift_right_arithmetic3A_1015, %mul3A_1016 : i32
        %multiple_of3A_1018 = tpu.assume_multiple %mul3A_1017, 128 : i32
        %dma_start3A_1019 = arith.constant 5 : i32
        %dma_start3A_1020 = arith.constant 0 : i32
        %dma_start3A_1021 = arith.constant 0 : i32
        %dma_start3A_1022 = tpu.memref_slice %arg8[%dma_start3A_1019, %dma_start3A_1020, %dma_start3A_1021] : memref<8x16x128xf32, #tpu.memory_space<vmem>> -> memref<1x16x128xf32, #tpu.memory_space<vmem>>
        %dma_start3A_1023 = tpu.memref_squeeze %dma_start3A_1022 : memref<1x16x128xf32, #tpu.memory_space<vmem>> -> memref<16x128xf32, #tpu.memory_space<vmem>>
        %dma_start3A_1024 = tpu.memref_slice %arg3[%multiple_of3A_3, %multiple_of3A_1018] : memref<32x1000000xf32, #tpu.memory_space<hbm>> -> memref<16x128xf32, #tpu.memory_space<hbm>>
        %dma_start3A_1025 = arith.constant 0 : i32
        %dma_start3A_1026 = arith.constant 0 : i32
        %dma_start3A_1027 = tpu.memref_slice %arg8[%dma_start3A_1019, %dma_start3A_1025, %dma_start3A_1026] : memref<8x16x128xf32, #tpu.memory_space<vmem>> -> memref<1x16x128xf32, #tpu.memory_space<vmem>>
        %dma_start3A_1028 = tpu.memref_squeeze %dma_start3A_1027 : memref<1x16x128xf32, #tpu.memory_space<vmem>> -> memref<16x128xf32, #tpu.memory_space<vmem>>
        %dma_start3A_1029 = tpu.memref_slice %arg3[%multiple_of3A_3, %multiple_of3A_1018] : memref<32x1000000xf32, #tpu.memory_space<hbm>> -> memref<16x128xf32, #tpu.memory_space<hbm>>
        tpu.enqueue_dma source(%dma_start3A_1029 : memref<16x128xf32, #tpu.memory_space<hbm>>) target(%dma_start3A_1028 : memref<16x128xf32, #tpu.memory_space<vmem>>) target_semaphore(%arg20 : memref<!tpu.dma_semaphore, #tpu.memory_space<semaphore_mem>>)
      } else {
      }
      %mul3A_944 = arith.constant 16 : i32
      %mul3A_945 = arith.muli %scan3A_356, %mul3A_944 : i32
      %add3A_946 = arith.constant 14 : i32
      %add3A_947 = arith.addi %mul3A_945, %add3A_946 : i32
      %dma_wait3A_948 = arith.constant 6 : i32
      %dma_wait3A_949 = arith.constant 0 : i32
      %dma_wait3A_950 = arith.constant 0 : i32
      %dma_wait3A_951 = tpu.memref_slice %arg8[%dma_wait3A_948, %dma_wait3A_949, %dma_wait3A_950] : memref<8x16x128xf32, #tpu.memory_space<vmem>> -> memref<1x16x128xf32, #tpu.memory_space<vmem>>
      %dma_wait3A_952 = tpu.memref_squeeze %dma_wait3A_951 : memref<1x16x128xf32, #tpu.memory_space<vmem>> -> memref<16x128xf32, #tpu.memory_space<vmem>>
      %dma_wait3A_953 = arith.constant 0 : i32
      %dma_wait3A_954 = tpu.memref_slice %arg3[%multiple_of3A_3, %dma_wait3A_953] : memref<32x1000000xf32, #tpu.memory_space<hbm>> -> memref<16x128xf32, #tpu.memory_space<hbm>>
      %dma_wait3A_955 = arith.constant 0 : i32
      %dma_wait3A_956 = arith.constant 0 : i32
      %dma_wait3A_957 = tpu.memref_slice %arg8[%dma_wait3A_948, %dma_wait3A_955, %dma_wait3A_956] : memref<8x16x128xf32, #tpu.memory_space<vmem>> -> memref<1x16x128xf32, #tpu.memory_space<vmem>>
      %dma_wait3A_958 = tpu.memref_squeeze %dma_wait3A_957 : memref<1x16x128xf32, #tpu.memory_space<vmem>> -> memref<16x128xf32, #tpu.memory_space<vmem>>
      %dma_wait3A_959 = arith.constant 0 : i32
      %dma_wait3A_960 = tpu.memref_slice %arg3[%multiple_of3A_3, %dma_wait3A_959] : memref<32x1000000xf32, #tpu.memory_space<hbm>> -> memref<16x128xf32, #tpu.memory_space<hbm>>
      tpu.wait_dma2 semaphore(%arg21 : memref<!tpu.dma_semaphore, #tpu.memory_space<semaphore_mem>>) src(%dma_wait3A_960 : memref<16x128xf32, #tpu.memory_space<hbm>>) dst(%dma_wait3A_958 : memref<16x128xf32, #tpu.memory_space<vmem>>)
      %slice3A_961 = vector.extract_strided_slice %get3A_362 {offsets = [14], sizes = [1], strides = [1]} : vector<16xi32> to vector<1xi32>
      %squeeze3A_962 = vector.extract %slice3A_961[0] : i32 from vector<1xi32>
      %and3A_963 = arith.constant 127 : i32
      %and3A_964 = arith.andi %squeeze3A_962, %and3A_963 : i32
      %broadcast_in_dim3A_965 = arith.constant 6 : i32
      %broadcast_in_dim3A_966 = vector.broadcast %broadcast_in_dim3A_965 : i32 to vector<16xi32>
      %broadcast_in_dim3A_967 = vector.broadcast %and3A_964 : i32 to vector<16xi32>
      %gather3A_968 = tpu.vector_load_idx %arg8[%broadcast_in_dim3A_966, %iota3A, %broadcast_in_dim3A_967] : memref<8x16x128xf32, #tpu.memory_space<vmem>>[vector<16xi32>, vector<16xi32>, vector<16xi32>], vector<16xf32>,
      %add3A_969 = arith.addf %add3A_935, %gather3A_968 : vector<16xf32>
      %mul3A_970 = arith.mulf %gather3A_968, %gather3A_968 : vector<16xf32>
      %add3A_971 = arith.addf %add3A_937, %mul3A_970 : vector<16xf32>
      %broadcast_in_dim3A_972 = vector.broadcast %add3A_947 : i32 to vector<16xi32>
      tpu.vector_store_idx %arg9[%iota3A, %broadcast_in_dim3A_972], %gather3A_968 : memref<16x1024xf32, #tpu.memory_space<vmem>>[vector<16xi32>, vector<16xi32>], vector<16xf32>,
      %lt3A_973 = arith.constant 63 : i32
      %lt3A_974 = arith.cmpi slt, %scan3A_356, %lt3A_973 : i32
      %convert_element_type3A_975 = arith.extui %lt3A_974 : i1 to i32
      %cond3A_976 = arith.constant 0 : i32
      %cond3A_977 = arith.cmpi ne, %convert_element_type3A_975, %cond3A_976 : i32
      scf.if %cond3A_977 {
        %slice3A_1012 = vector.extract_strided_slice %get3A_368 {offsets = [6], sizes = [1], strides = [1]} : vector<16xi32> to vector<1xi32>
        %squeeze3A_1013 = vector.extract %slice3A_1012[0] : i32 from vector<1xi32>
        %shift_right_arithmetic3A_1014 = arith.constant 7 : i32
        %shift_right_arithmetic3A_1015 = arith.shrsi %squeeze3A_1013, %shift_right_arithmetic3A_1014 : i32
        %mul3A_1016 = arith.constant 128 : i32
        %mul3A_1017 = arith.muli %shift_right_arithmetic3A_1015, %mul3A_1016 : i32
        %multiple_of3A_1018 = tpu.assume_multiple %mul3A_1017, 128 : i32
        %dma_start3A_1019 = arith.constant 6 : i32
        %dma_start3A_1020 = arith.constant 0 : i32
        %dma_start3A_1021 = arith.constant 0 : i32
        %dma_start3A_1022 = tpu.memref_slice %arg8[%dma_start3A_1019, %dma_start3A_1020, %dma_start3A_1021] : memref<8x16x128xf32, #tpu.memory_space<vmem>> -> memref<1x16x128xf32, #tpu.memory_space<vmem>>
        %dma_start3A_1023 = tpu.memref_squeeze %dma_start3A_1022 : memref<1x16x128xf32, #tpu.memory_space<vmem>> -> memref<16x128xf32, #tpu.memory_space<vmem>>
        %dma_start3A_1024 = tpu.memref_slice %arg3[%multiple_of3A_3, %multiple_of3A_1018] : memref<32x1000000xf32, #tpu.memory_space<hbm>> -> memref<16x128xf32, #tpu.memory_space<hbm>>
        %dma_start3A_1025 = arith.constant 0 : i32
        %dma_start3A_1026 = arith.constant 0 : i32
        %dma_start3A_1027 = tpu.memref_slice %arg8[%dma_start3A_1019, %dma_start3A_1025, %dma_start3A_1026] : memref<8x16x128xf32, #tpu.memory_space<vmem>> -> memref<1x16x128xf32, #tpu.memory_space<vmem>>
        %dma_start3A_1028 = tpu.memref_squeeze %dma_start3A_1027 : memref<1x16x128xf32, #tpu.memory_space<vmem>> -> memref<16x128xf32, #tpu.memory_space<vmem>>
        %dma_start3A_1029 = tpu.memref_slice %arg3[%multiple_of3A_3, %multiple_of3A_1018] : memref<32x1000000xf32, #tpu.memory_space<hbm>> -> memref<16x128xf32, #tpu.memory_space<hbm>>
        tpu.enqueue_dma source(%dma_start3A_1029 : memref<16x128xf32, #tpu.memory_space<hbm>>) target(%dma_start3A_1028 : memref<16x128xf32, #tpu.memory_space<vmem>>) target_semaphore(%arg21 : memref<!tpu.dma_semaphore, #tpu.memory_space<semaphore_mem>>)
      } else {
      }
      %mul3A_978 = arith.constant 16 : i32
      %mul3A_979 = arith.muli %scan3A_356, %mul3A_978 : i32
      %add3A_980 = arith.constant 15 : i32
      %add3A_981 = arith.addi %mul3A_979, %add3A_980 : i32
      %dma_wait3A_982 = arith.constant 7 : i32
      %dma_wait3A_983 = arith.constant 0 : i32
      %dma_wait3A_984 = arith.constant 0 : i32
      %dma_wait3A_985 = tpu.memref_slice %arg8[%dma_wait3A_982, %dma_wait3A_983, %dma_wait3A_984] : memref<8x16x128xf32, #tpu.memory_space<vmem>> -> memref<1x16x128xf32, #tpu.memory_space<vmem>>
      %dma_wait3A_986 = tpu.memref_squeeze %dma_wait3A_985 : memref<1x16x128xf32, #tpu.memory_space<vmem>> -> memref<16x128xf32, #tpu.memory_space<vmem>>
      %dma_wait3A_987 = arith.constant 0 : i32
      %dma_wait3A_988 = tpu.memref_slice %arg3[%multiple_of3A_3, %dma_wait3A_987] : memref<32x1000000xf32, #tpu.memory_space<hbm>> -> memref<16x128xf32, #tpu.memory_space<hbm>>
      %dma_wait3A_989 = arith.constant 0 : i32
      %dma_wait3A_990 = arith.constant 0 : i32
      %dma_wait3A_991 = tpu.memref_slice %arg8[%dma_wait3A_982, %dma_wait3A_989, %dma_wait3A_990] : memref<8x16x128xf32, #tpu.memory_space<vmem>> -> memref<1x16x128xf32, #tpu.memory_space<vmem>>
      %dma_wait3A_992 = tpu.memref_squeeze %dma_wait3A_991 : memref<1x16x128xf32, #tpu.memory_space<vmem>> -> memref<16x128xf32, #tpu.memory_space<vmem>>
      %dma_wait3A_993 = arith.constant 0 : i32
      %dma_wait3A_994 = tpu.memref_slice %arg3[%multiple_of3A_3, %dma_wait3A_993] : memref<32x1000000xf32, #tpu.memory_space<hbm>> -> memref<16x128xf32, #tpu.memory_space<hbm>>
      tpu.wait_dma2 semaphore(%arg22 : memref<!tpu.dma_semaphore, #tpu.memory_space<semaphore_mem>>) src(%dma_wait3A_994 : memref<16x128xf32, #tpu.memory_space<hbm>>) dst(%dma_wait3A_992 : memref<16x128xf32, #tpu.memory_space<vmem>>)
      %slice3A_995 = vector.extract_strided_slice %get3A_362 {offsets = [15], sizes = [1], strides = [1]} : vector<16xi32> to vector<1xi32>
      %squeeze3A_996 = vector.extract %slice3A_995[0] : i32 from vector<1xi32>
      %and3A_997 = arith.constant 127 : i32
      %and3A_998 = arith.andi %squeeze3A_996, %and3A_997 : i32
      %broadcast_in_dim3A_999 = arith.constant 7 : i32
      %broadcast_in_dim3A_1000 = vector.broadcast %broadcast_in_dim3A_999 : i32 to vector<16xi32>
      %broadcast_in_dim3A_1001 = vector.broadcast %and3A_998 : i32 to vector<16xi32>
      %gather3A_1002 = tpu.vector_load_idx %arg8[%broadcast_in_dim3A_1000, %iota3A, %broadcast_in_dim3A_1001] : memref<8x16x128xf32, #tpu.memory_space<vmem>>[vector<16xi32>, vector<16xi32>, vector<16xi32>], vector<16xf32>,
      %add3A_1003 = arith.addf %add3A_969, %gather3A_1002 : vector<16xf32>
      %mul3A_1004 = arith.mulf %gather3A_1002, %gather3A_1002 : vector<16xf32>
      %add3A_1005 = arith.addf %add3A_971, %mul3A_1004 : vector<16xf32>
      %broadcast_in_dim3A_1006 = vector.broadcast %add3A_981 : i32 to vector<16xi32>
      tpu.vector_store_idx %arg9[%iota3A, %broadcast_in_dim3A_1006], %gather3A_1002 : memref<16x1024xf32, #tpu.memory_space<vmem>>[vector<16xi32>, vector<16xi32>], vector<16xf32>,
      %lt3A_1007 = arith.constant 63 : i32
      %lt3A_1008 = arith.cmpi slt, %scan3A_356, %lt3A_1007 : i32
      %convert_element_type3A_1009 = arith.extui %lt3A_1008 : i1 to i32
      %cond3A_1010 = arith.constant 0 : i32
      %cond3A_1011 = arith.cmpi ne, %convert_element_type3A_1009, %cond3A_1010 : i32
      scf.if %cond3A_1011 {
        %slice3A_1012 = vector.extract_strided_slice %get3A_368 {offsets = [7], sizes = [1], strides = [1]} : vector<16xi32> to vector<1xi32>
        %squeeze3A_1013 = vector.extract %slice3A_1012[0] : i32 from vector<1xi32>
        %shift_right_arithmetic3A_1014 = arith.constant 7 : i32
        %shift_right_arithmetic3A_1015 = arith.shrsi %squeeze3A_1013, %shift_right_arithmetic3A_1014 : i32
        %mul3A_1016 = arith.constant 128 : i32
        %mul3A_1017 = arith.muli %shift_right_arithmetic3A_1015, %mul3A_1016 : i32
        %multiple_of3A_1018 = tpu.assume_multiple %mul3A_1017, 128 : i32
        %dma_start3A_1019 = arith.constant 7 : i32
        %dma_start3A_1020 = arith.constant 0 : i32
        %dma_start3A_1021 = arith.constant 0 : i32
        %dma_start3A_1022 = tpu.memref_slice %arg8[%dma_start3A_1019, %dma_start3A_1020, %dma_start3A_1021] : memref<8x16x128xf32, #tpu.memory_space<vmem>> -> memref<1x16x128xf32, #tpu.memory_space<vmem>>
        %dma_start3A_1023 = tpu.memref_squeeze %dma_start3A_1022 : memref<1x16x128xf32, #tpu.memory_space<vmem>> -> memref<16x128xf32, #tpu.memory_space<vmem>>
        %dma_start3A_1024 = tpu.memref_slice %arg3[%multiple_of3A_3, %multiple_of3A_1018] : memref<32x1000000xf32, #tpu.memory_space<hbm>> -> memref<16x128xf32, #tpu.memory_space<hbm>>
        %dma_start3A_1025 = arith.constant 0 : i32
        %dma_start3A_1026 = arith.constant 0 : i32
        %dma_start3A_1027 = tpu.memref_slice %arg8[%dma_start3A_1019, %dma_start3A_1025, %dma_start3A_1026] : memref<8x16x128xf32, #tpu.memory_space<vmem>> -> memref<1x16x128xf32, #tpu.memory_space<vmem>>
        %dma_start3A_1028 = tpu.memref_squeeze %dma_start3A_1027 : memref<1x16x128xf32, #tpu.memory_space<vmem>> -> memref<16x128xf32, #tpu.memory_space<vmem>>
        %dma_start3A_1029 = tpu.memref_slice %arg3[%multiple_of3A_3, %multiple_of3A_1018] : memref<32x1000000xf32, #tpu.memory_space<hbm>> -> memref<16x128xf32, #tpu.memory_space<hbm>>
        tpu.enqueue_dma source(%dma_start3A_1029 : memref<16x128xf32, #tpu.memory_space<hbm>>) target(%dma_start3A_1028 : memref<16x128xf32, #tpu.memory_space<vmem>>) target_semaphore(%arg22 : memref<!tpu.dma_semaphore, #tpu.memory_space<semaphore_mem>>)
      } else {
      }
      scf.yield %add3A_1003, %add3A_1005 : vector<16xf32>, vector<16xf32>
    }
    %scan3A_150 = arith.constant 64 : i32
    %broadcast_in_dim3A_151 = arith.constant 0 : i32
    %broadcast_in_dim3A_152 = vector.broadcast %broadcast_in_dim3A_151 : i32 to vector<16xi32>
    tpu.vector_store_idx %arg10[%broadcast_in_dim3A_152, %iota3A], %scan3A_149#0 : memref<8x128xf32, #tpu.memory_space<vmem>>[vector<16xi32>, vector<16xi32>], vector<16xf32>,
    %add3A = arith.constant 1 : i32
    %add3A_153 = vector.broadcast %add3A : i32 to vector<16xi32>
    %add3A_154 = arith.addi %broadcast_in_dim3A_152, %add3A_153 : vector<16xi32>
    tpu.vector_store_idx %arg10[%add3A_154, %iota3A], %scan3A_149#1 : memref<8x128xf32, #tpu.memory_space<vmem>>[vector<16xi32>, vector<16xi32>], vector<16xf32>,
    "tpu.region"() ({
      %run_scoped3A = tpu.sem_alloc : memref<!tpu.dma_semaphore, #tpu.memory_space<semaphore_mem>>
      %dma_start3A_356 = arith.constant 0 : i32
      %dma_start3A_357 = arith.constant 0 : i32
      %dma_start3A_358 = tpu.memref_slice %arg14[%arg1, %dma_start3A_356, %dma_start3A_357] : memref<16x8x128xf32, #tpu.memory_space<vmem_shared>> -> memref<1x8x128xf32, #tpu.memory_space<vmem_shared>>
      %dma_start3A_359 = tpu.memref_squeeze %dma_start3A_358 : memref<1x8x128xf32, #tpu.memory_space<vmem_shared>> -> memref<8x128xf32, #tpu.memory_space<vmem_shared>>
      %dma_start3A_360 = arith.constant 0 : i32
      %dma_start3A_361 = arith.constant 0 : i32
      %dma_start3A_362 = tpu.memref_slice %arg14[%arg1, %dma_start3A_360, %dma_start3A_361] : memref<16x8x128xf32, #tpu.memory_space<vmem_shared>> -> memref<1x8x128xf32, #tpu.memory_space<vmem_shared>>
      %dma_start3A_363 = tpu.memref_squeeze %dma_start3A_362 : memref<1x8x128xf32, #tpu.memory_space<vmem_shared>> -> memref<8x128xf32, #tpu.memory_space<vmem_shared>>
      tpu.enqueue_dma source(%arg10 : memref<8x128xf32, #tpu.memory_space<vmem>>) target(%dma_start3A_363 : memref<8x128xf32, #tpu.memory_space<vmem_shared>>) target_semaphore(%run_scoped3A : memref<!tpu.dma_semaphore, #tpu.memory_space<semaphore_mem>>)
      %dma_wait3A = arith.constant 0 : i32
      %dma_wait3A_364 = arith.constant 0 : i32
      %dma_wait3A_365 = tpu.memref_slice %arg14[%arg1, %dma_wait3A, %dma_wait3A_364] : memref<16x8x128xf32, #tpu.memory_space<vmem_shared>> -> memref<1x8x128xf32, #tpu.memory_space<vmem_shared>>
      %dma_wait3A_366 = tpu.memref_squeeze %dma_wait3A_365 : memref<1x8x128xf32, #tpu.memory_space<vmem_shared>> -> memref<8x128xf32, #tpu.memory_space<vmem_shared>>
      %dma_wait3A_367 = arith.constant 0 : i32
      %dma_wait3A_368 = arith.constant 0 : i32
      %dma_wait3A_369 = tpu.memref_slice %arg14[%arg1, %dma_wait3A_367, %dma_wait3A_368] : memref<16x8x128xf32, #tpu.memory_space<vmem_shared>> -> memref<1x8x128xf32, #tpu.memory_space<vmem_shared>>
      %dma_wait3A_370 = tpu.memref_squeeze %dma_wait3A_369 : memref<1x8x128xf32, #tpu.memory_space<vmem_shared>> -> memref<8x128xf32, #tpu.memory_space<vmem_shared>>
      tpu.wait_dma2 semaphore(%run_scoped3A : memref<!tpu.dma_semaphore, #tpu.memory_space<semaphore_mem>>) src(%arg10 : memref<8x128xf32, #tpu.memory_space<vmem>>) dst(%dma_wait3A_370 : memref<8x128xf32, #tpu.memory_space<vmem_shared>>)
      tpu.yield
    }) : () -> ()
    %barrier3A = arith.constant 0 : index
    tpu.barrier barrier_id(%barrier3A)
    "tpu.region"() ({
      %run_scoped3A = tpu.sem_alloc : memref<!tpu.dma_semaphore, #tpu.memory_space<semaphore_mem>>
      tpu.enqueue_dma source(%arg14 : memref<16x8x128xf32, #tpu.memory_space<vmem_shared>>) target(%arg11 : memref<16x8x128xf32, #tpu.memory_space<vmem>>) target_semaphore(%run_scoped3A : memref<!tpu.dma_semaphore, #tpu.memory_space<semaphore_mem>>)
      tpu.wait_dma2 semaphore(%run_scoped3A : memref<!tpu.dma_semaphore, #tpu.memory_space<semaphore_mem>>) src(%arg14 : memref<16x8x128xf32, #tpu.memory_space<vmem_shared>>) dst(%arg11 : memref<16x8x128xf32, #tpu.memory_space<vmem>>)
      tpu.yield
    }) : () -> ()
    %broadcast_in_dim3A_155 = arith.constant 0 : i32
    %broadcast_in_dim3A_156 = vector.broadcast %broadcast_in_dim3A_155 : i32 to vector<16xi32>
    %gather3A = tpu.vector_load_idx %arg11[%broadcast_in_dim3A_156, %broadcast_in_dim3A_152, %iota3A] : memref<16x8x128xf32, #tpu.memory_space<vmem>>[vector<16xi32>, vector<16xi32>, vector<16xi32>], vector<16xf32>,
    %add3A_157 = arith.addf %broadcast_in_dim3A_145, %gather3A : vector<16xf32>
    %add3A_158 = arith.constant 1 : i32
    %add3A_159 = vector.broadcast %add3A_158 : i32 to vector<16xi32>
    %add3A_160 = arith.addi %broadcast_in_dim3A_152, %add3A_159 : vector<16xi32>
    %gather3A_161 = tpu.vector_load_idx %arg11[%broadcast_in_dim3A_156, %add3A_160, %iota3A] : memref<16x8x128xf32, #tpu.memory_space<vmem>>[vector<16xi32>, vector<16xi32>, vector<16xi32>], vector<16xf32>,
    %add3A_162 = arith.addf %broadcast_in_dim3A_145, %gather3A_161 : vector<16xf32>
    %broadcast_in_dim3A_163 = arith.constant 1 : i32
    %broadcast_in_dim3A_164 = vector.broadcast %broadcast_in_dim3A_163 : i32 to vector<16xi32>
    %gather3A_165 = tpu.vector_load_idx %arg11[%broadcast_in_dim3A_164, %broadcast_in_dim3A_152, %iota3A] : memref<16x8x128xf32, #tpu.memory_space<vmem>>[vector<16xi32>, vector<16xi32>, vector<16xi32>], vector<16xf32>,
    %add3A_166 = arith.addf %add3A_157, %gather3A_165 : vector<16xf32>
    %add3A_167 = arith.constant 1 : i32
    %add3A_168 = vector.broadcast %add3A_167 : i32 to vector<16xi32>
    %add3A_169 = arith.addi %broadcast_in_dim3A_152, %add3A_168 : vector<16xi32>
    %gather3A_170 = tpu.vector_load_idx %arg11[%broadcast_in_dim3A_164, %add3A_169, %iota3A] : memref<16x8x128xf32, #tpu.memory_space<vmem>>[vector<16xi32>, vector<16xi32>, vector<16xi32>], vector<16xf32>,
    %add3A_171 = arith.addf %add3A_162, %gather3A_170 : vector<16xf32>
    %broadcast_in_dim3A_172 = arith.constant 2 : i32
    %broadcast_in_dim3A_173 = vector.broadcast %broadcast_in_dim3A_172 : i32 to vector<16xi32>
    %gather3A_174 = tpu.vector_load_idx %arg11[%broadcast_in_dim3A_173, %broadcast_in_dim3A_152, %iota3A] : memref<16x8x128xf32, #tpu.memory_space<vmem>>[vector<16xi32>, vector<16xi32>, vector<16xi32>], vector<16xf32>,
    %add3A_175 = arith.addf %add3A_166, %gather3A_174 : vector<16xf32>
    %add3A_176 = arith.constant 1 : i32
    %add3A_177 = vector.broadcast %add3A_176 : i32 to vector<16xi32>
    %add3A_178 = arith.addi %broadcast_in_dim3A_152, %add3A_177 : vector<16xi32>
    %gather3A_179 = tpu.vector_load_idx %arg11[%broadcast_in_dim3A_173, %add3A_178, %iota3A] : memref<16x8x128xf32, #tpu.memory_space<vmem>>[vector<16xi32>, vector<16xi32>, vector<16xi32>], vector<16xf32>,
    %add3A_180 = arith.addf %add3A_171, %gather3A_179 : vector<16xf32>
    %broadcast_in_dim3A_181 = arith.constant 3 : i32
    %broadcast_in_dim3A_182 = vector.broadcast %broadcast_in_dim3A_181 : i32 to vector<16xi32>
    %gather3A_183 = tpu.vector_load_idx %arg11[%broadcast_in_dim3A_182, %broadcast_in_dim3A_152, %iota3A] : memref<16x8x128xf32, #tpu.memory_space<vmem>>[vector<16xi32>, vector<16xi32>, vector<16xi32>], vector<16xf32>,
    %add3A_184 = arith.addf %add3A_175, %gather3A_183 : vector<16xf32>
    %add3A_185 = arith.constant 1 : i32
    %add3A_186 = vector.broadcast %add3A_185 : i32 to vector<16xi32>
    %add3A_187 = arith.addi %broadcast_in_dim3A_152, %add3A_186 : vector<16xi32>
    %gather3A_188 = tpu.vector_load_idx %arg11[%broadcast_in_dim3A_182, %add3A_187, %iota3A] : memref<16x8x128xf32, #tpu.memory_space<vmem>>[vector<16xi32>, vector<16xi32>, vector<16xi32>], vector<16xf32>,
    %add3A_189 = arith.addf %add3A_180, %gather3A_188 : vector<16xf32>
    %broadcast_in_dim3A_190 = arith.constant 4 : i32
    %broadcast_in_dim3A_191 = vector.broadcast %broadcast_in_dim3A_190 : i32 to vector<16xi32>
    %gather3A_192 = tpu.vector_load_idx %arg11[%broadcast_in_dim3A_191, %broadcast_in_dim3A_152, %iota3A] : memref<16x8x128xf32, #tpu.memory_space<vmem>>[vector<16xi32>, vector<16xi32>, vector<16xi32>], vector<16xf32>,
    %add3A_193 = arith.addf %add3A_184, %gather3A_192 : vector<16xf32>
    %add3A_194 = arith.constant 1 : i32
    %add3A_195 = vector.broadcast %add3A_194 : i32 to vector<16xi32>
    %add3A_196 = arith.addi %broadcast_in_dim3A_152, %add3A_195 : vector<16xi32>
    %gather3A_197 = tpu.vector_load_idx %arg11[%broadcast_in_dim3A_191, %add3A_196, %iota3A] : memref<16x8x128xf32, #tpu.memory_space<vmem>>[vector<16xi32>, vector<16xi32>, vector<16xi32>], vector<16xf32>,
    %add3A_198 = arith.addf %add3A_189, %gather3A_197 : vector<16xf32>
    %broadcast_in_dim3A_199 = arith.constant 5 : i32
    %broadcast_in_dim3A_200 = vector.broadcast %broadcast_in_dim3A_199 : i32 to vector<16xi32>
    %gather3A_201 = tpu.vector_load_idx %arg11[%broadcast_in_dim3A_200, %broadcast_in_dim3A_152, %iota3A] : memref<16x8x128xf32, #tpu.memory_space<vmem>>[vector<16xi32>, vector<16xi32>, vector<16xi32>], vector<16xf32>,
    %add3A_202 = arith.addf %add3A_193, %gather3A_201 : vector<16xf32>
    %add3A_203 = arith.constant 1 : i32
    %add3A_204 = vector.broadcast %add3A_203 : i32 to vector<16xi32>
    %add3A_205 = arith.addi %broadcast_in_dim3A_152, %add3A_204 : vector<16xi32>
    %gather3A_206 = tpu.vector_load_idx %arg11[%broadcast_in_dim3A_200, %add3A_205, %iota3A] : memref<16x8x128xf32, #tpu.memory_space<vmem>>[vector<16xi32>, vector<16xi32>, vector<16xi32>], vector<16xf32>,
    %add3A_207 = arith.addf %add3A_198, %gather3A_206 : vector<16xf32>
    %broadcast_in_dim3A_208 = arith.constant 6 : i32
    %broadcast_in_dim3A_209 = vector.broadcast %broadcast_in_dim3A_208 : i32 to vector<16xi32>
    %gather3A_210 = tpu.vector_load_idx %arg11[%broadcast_in_dim3A_209, %broadcast_in_dim3A_152, %iota3A] : memref<16x8x128xf32, #tpu.memory_space<vmem>>[vector<16xi32>, vector<16xi32>, vector<16xi32>], vector<16xf32>,
    %add3A_211 = arith.addf %add3A_202, %gather3A_210 : vector<16xf32>
    %add3A_212 = arith.constant 1 : i32
    %add3A_213 = vector.broadcast %add3A_212 : i32 to vector<16xi32>
    %add3A_214 = arith.addi %broadcast_in_dim3A_152, %add3A_213 : vector<16xi32>
    %gather3A_215 = tpu.vector_load_idx %arg11[%broadcast_in_dim3A_209, %add3A_214, %iota3A] : memref<16x8x128xf32, #tpu.memory_space<vmem>>[vector<16xi32>, vector<16xi32>, vector<16xi32>], vector<16xf32>,
    %add3A_216 = arith.addf %add3A_207, %gather3A_215 : vector<16xf32>
    %broadcast_in_dim3A_217 = arith.constant 7 : i32
    %broadcast_in_dim3A_218 = vector.broadcast %broadcast_in_dim3A_217 : i32 to vector<16xi32>
    %gather3A_219 = tpu.vector_load_idx %arg11[%broadcast_in_dim3A_218, %broadcast_in_dim3A_152, %iota3A] : memref<16x8x128xf32, #tpu.memory_space<vmem>>[vector<16xi32>, vector<16xi32>, vector<16xi32>], vector<16xf32>,
    %add3A_220 = arith.addf %add3A_211, %gather3A_219 : vector<16xf32>
    %add3A_221 = arith.constant 1 : i32
    %add3A_222 = vector.broadcast %add3A_221 : i32 to vector<16xi32>
    %add3A_223 = arith.addi %broadcast_in_dim3A_152, %add3A_222 : vector<16xi32>
    %gather3A_224 = tpu.vector_load_idx %arg11[%broadcast_in_dim3A_218, %add3A_223, %iota3A] : memref<16x8x128xf32, #tpu.memory_space<vmem>>[vector<16xi32>, vector<16xi32>, vector<16xi32>], vector<16xf32>,
    %add3A_225 = arith.addf %add3A_216, %gather3A_224 : vector<16xf32>
    %broadcast_in_dim3A_226 = arith.constant 8 : i32
    %broadcast_in_dim3A_227 = vector.broadcast %broadcast_in_dim3A_226 : i32 to vector<16xi32>
    %gather3A_228 = tpu.vector_load_idx %arg11[%broadcast_in_dim3A_227, %broadcast_in_dim3A_152, %iota3A] : memref<16x8x128xf32, #tpu.memory_space<vmem>>[vector<16xi32>, vector<16xi32>, vector<16xi32>], vector<16xf32>,
    %add3A_229 = arith.addf %add3A_220, %gather3A_228 : vector<16xf32>
    %add3A_230 = arith.constant 1 : i32
    %add3A_231 = vector.broadcast %add3A_230 : i32 to vector<16xi32>
    %add3A_232 = arith.addi %broadcast_in_dim3A_152, %add3A_231 : vector<16xi32>
    %gather3A_233 = tpu.vector_load_idx %arg11[%broadcast_in_dim3A_227, %add3A_232, %iota3A] : memref<16x8x128xf32, #tpu.memory_space<vmem>>[vector<16xi32>, vector<16xi32>, vector<16xi32>], vector<16xf32>,
    %add3A_234 = arith.addf %add3A_225, %gather3A_233 : vector<16xf32>
    %broadcast_in_dim3A_235 = arith.constant 9 : i32
    %broadcast_in_dim3A_236 = vector.broadcast %broadcast_in_dim3A_235 : i32 to vector<16xi32>
    %gather3A_237 = tpu.vector_load_idx %arg11[%broadcast_in_dim3A_236, %broadcast_in_dim3A_152, %iota3A] : memref<16x8x128xf32, #tpu.memory_space<vmem>>[vector<16xi32>, vector<16xi32>, vector<16xi32>], vector<16xf32>,
    %add3A_238 = arith.addf %add3A_229, %gather3A_237 : vector<16xf32>
    %add3A_239 = arith.constant 1 : i32
    %add3A_240 = vector.broadcast %add3A_239 : i32 to vector<16xi32>
    %add3A_241 = arith.addi %broadcast_in_dim3A_152, %add3A_240 : vector<16xi32>
    %gather3A_242 = tpu.vector_load_idx %arg11[%broadcast_in_dim3A_236, %add3A_241, %iota3A] : memref<16x8x128xf32, #tpu.memory_space<vmem>>[vector<16xi32>, vector<16xi32>, vector<16xi32>], vector<16xf32>,
    %add3A_243 = arith.addf %add3A_234, %gather3A_242 : vector<16xf32>
    %broadcast_in_dim3A_244 = arith.constant 10 : i32
    %broadcast_in_dim3A_245 = vector.broadcast %broadcast_in_dim3A_244 : i32 to vector<16xi32>
    %gather3A_246 = tpu.vector_load_idx %arg11[%broadcast_in_dim3A_245, %broadcast_in_dim3A_152, %iota3A] : memref<16x8x128xf32, #tpu.memory_space<vmem>>[vector<16xi32>, vector<16xi32>, vector<16xi32>], vector<16xf32>,
    %add3A_247 = arith.addf %add3A_238, %gather3A_246 : vector<16xf32>
    %add3A_248 = arith.constant 1 : i32
    %add3A_249 = vector.broadcast %add3A_248 : i32 to vector<16xi32>
    %add3A_250 = arith.addi %broadcast_in_dim3A_152, %add3A_249 : vector<16xi32>
    %gather3A_251 = tpu.vector_load_idx %arg11[%broadcast_in_dim3A_245, %add3A_250, %iota3A] : memref<16x8x128xf32, #tpu.memory_space<vmem>>[vector<16xi32>, vector<16xi32>, vector<16xi32>], vector<16xf32>,
    %add3A_252 = arith.addf %add3A_243, %gather3A_251 : vector<16xf32>
    %broadcast_in_dim3A_253 = arith.constant 11 : i32
    %broadcast_in_dim3A_254 = vector.broadcast %broadcast_in_dim3A_253 : i32 to vector<16xi32>
    %gather3A_255 = tpu.vector_load_idx %arg11[%broadcast_in_dim3A_254, %broadcast_in_dim3A_152, %iota3A] : memref<16x8x128xf32, #tpu.memory_space<vmem>>[vector<16xi32>, vector<16xi32>, vector<16xi32>], vector<16xf32>,
    %add3A_256 = arith.addf %add3A_247, %gather3A_255 : vector<16xf32>
    %add3A_257 = arith.constant 1 : i32
    %add3A_258 = vector.broadcast %add3A_257 : i32 to vector<16xi32>
    %add3A_259 = arith.addi %broadcast_in_dim3A_152, %add3A_258 : vector<16xi32>
    %gather3A_260 = tpu.vector_load_idx %arg11[%broadcast_in_dim3A_254, %add3A_259, %iota3A] : memref<16x8x128xf32, #tpu.memory_space<vmem>>[vector<16xi32>, vector<16xi32>, vector<16xi32>], vector<16xf32>,
    %add3A_261 = arith.addf %add3A_252, %gather3A_260 : vector<16xf32>
    %broadcast_in_dim3A_262 = arith.constant 12 : i32
    %broadcast_in_dim3A_263 = vector.broadcast %broadcast_in_dim3A_262 : i32 to vector<16xi32>
    %gather3A_264 = tpu.vector_load_idx %arg11[%broadcast_in_dim3A_263, %broadcast_in_dim3A_152, %iota3A] : memref<16x8x128xf32, #tpu.memory_space<vmem>>[vector<16xi32>, vector<16xi32>, vector<16xi32>], vector<16xf32>,
    %add3A_265 = arith.addf %add3A_256, %gather3A_264 : vector<16xf32>
    %add3A_266 = arith.constant 1 : i32
    %add3A_267 = vector.broadcast %add3A_266 : i32 to vector<16xi32>
    %add3A_268 = arith.addi %broadcast_in_dim3A_152, %add3A_267 : vector<16xi32>
    %gather3A_269 = tpu.vector_load_idx %arg11[%broadcast_in_dim3A_263, %add3A_268, %iota3A] : memref<16x8x128xf32, #tpu.memory_space<vmem>>[vector<16xi32>, vector<16xi32>, vector<16xi32>], vector<16xf32>,
    %add3A_270 = arith.addf %add3A_261, %gather3A_269 : vector<16xf32>
    %broadcast_in_dim3A_271 = arith.constant 13 : i32
    %broadcast_in_dim3A_272 = vector.broadcast %broadcast_in_dim3A_271 : i32 to vector<16xi32>
    %gather3A_273 = tpu.vector_load_idx %arg11[%broadcast_in_dim3A_272, %broadcast_in_dim3A_152, %iota3A] : memref<16x8x128xf32, #tpu.memory_space<vmem>>[vector<16xi32>, vector<16xi32>, vector<16xi32>], vector<16xf32>,
    %add3A_274 = arith.addf %add3A_265, %gather3A_273 : vector<16xf32>
    %add3A_275 = arith.constant 1 : i32
    %add3A_276 = vector.broadcast %add3A_275 : i32 to vector<16xi32>
    %add3A_277 = arith.addi %broadcast_in_dim3A_152, %add3A_276 : vector<16xi32>
    %gather3A_278 = tpu.vector_load_idx %arg11[%broadcast_in_dim3A_272, %add3A_277, %iota3A] : memref<16x8x128xf32, #tpu.memory_space<vmem>>[vector<16xi32>, vector<16xi32>, vector<16xi32>], vector<16xf32>,
    %add3A_279 = arith.addf %add3A_270, %gather3A_278 : vector<16xf32>
    %broadcast_in_dim3A_280 = arith.constant 14 : i32
    %broadcast_in_dim3A_281 = vector.broadcast %broadcast_in_dim3A_280 : i32 to vector<16xi32>
    %gather3A_282 = tpu.vector_load_idx %arg11[%broadcast_in_dim3A_281, %broadcast_in_dim3A_152, %iota3A] : memref<16x8x128xf32, #tpu.memory_space<vmem>>[vector<16xi32>, vector<16xi32>, vector<16xi32>], vector<16xf32>,
    %add3A_283 = arith.addf %add3A_274, %gather3A_282 : vector<16xf32>
    %add3A_284 = arith.constant 1 : i32
    %add3A_285 = vector.broadcast %add3A_284 : i32 to vector<16xi32>
    %add3A_286 = arith.addi %broadcast_in_dim3A_152, %add3A_285 : vector<16xi32>
    %gather3A_287 = tpu.vector_load_idx %arg11[%broadcast_in_dim3A_281, %add3A_286, %iota3A] : memref<16x8x128xf32, #tpu.memory_space<vmem>>[vector<16xi32>, vector<16xi32>, vector<16xi32>], vector<16xf32>,
    %add3A_288 = arith.addf %add3A_279, %gather3A_287 : vector<16xf32>
    %broadcast_in_dim3A_289 = arith.constant 15 : i32
    %broadcast_in_dim3A_290 = vector.broadcast %broadcast_in_dim3A_289 : i32 to vector<16xi32>
    %gather3A_291 = tpu.vector_load_idx %arg11[%broadcast_in_dim3A_290, %broadcast_in_dim3A_152, %iota3A] : memref<16x8x128xf32, #tpu.memory_space<vmem>>[vector<16xi32>, vector<16xi32>, vector<16xi32>], vector<16xf32>,
    %add3A_292 = arith.addf %add3A_283, %gather3A_291 : vector<16xf32>
    %add3A_293 = arith.constant 1 : i32
    %add3A_294 = vector.broadcast %add3A_293 : i32 to vector<16xi32>
    %add3A_295 = arith.addi %broadcast_in_dim3A_152, %add3A_294 : vector<16xi32>
    %gather3A_296 = tpu.vector_load_idx %arg11[%broadcast_in_dim3A_290, %add3A_295, %iota3A] : memref<16x8x128xf32, #tpu.memory_space<vmem>>[vector<16xi32>, vector<16xi32>, vector<16xi32>], vector<16xf32>,
    %add3A_297 = arith.addf %add3A_288, %gather3A_296 : vector<16xf32>
    %mul3A_298 = arith.constant 6.10351563E-5 : f32
    %mul3A_299 = vector.broadcast %mul3A_298 : f32 to vector<16xf32>
    %mul3A_300 = arith.mulf %add3A_292, %mul3A_299 : vector<16xf32>
    %mul3A_301 = arith.constant 6.10351563E-5 : f32
    %mul3A_302 = vector.broadcast %mul3A_301 : f32 to vector<16xf32>
    %mul3A_303 = arith.mulf %add3A_297, %mul3A_302 : vector<16xf32>
    %mul3A_304 = arith.mulf %mul3A_300, %mul3A_300 : vector<16xf32>
    %sub3A = arith.subf %mul3A_303, %mul3A_304 : vector<16xf32>
    %add3A_305 = arith.constant 9.99999974E-6 : f32
    %add3A_306 = vector.broadcast %add3A_305 : f32 to vector<16xf32>
    %add3A_307 = arith.addf %sub3A, %add3A_306 : vector<16xf32>
    %bitcast_convert_type3A = tpu.bitcast %add3A_307 : vector<16xf32> -> vector<16xi32>
    %shift_right_logical3A = arith.constant 1 : i32
    %shift_right_logical3A_308 = vector.broadcast %shift_right_logical3A : i32 to vector<16xi32>
    %shift_right_logical3A_309 = arith.shrui %bitcast_convert_type3A, %shift_right_logical3A_308 : vector<16xi32>
    %sub3A_310 = arith.constant 1597463007 : i32
    %sub3A_311 = vector.broadcast %sub3A_310 : i32 to vector<16xi32>
    %sub3A_312 = arith.subi %sub3A_311, %shift_right_logical3A_309 : vector<16xi32>
    %bitcast_convert_type3A_313 = tpu.bitcast %sub3A_312 : vector<16xi32> -> vector<16xf32>
    %mul3A_314 = arith.constant 5.000000e-01 : f32
    %mul3A_315 = vector.broadcast %mul3A_314 : f32 to vector<16xf32>
    %mul3A_316 = arith.mulf %mul3A_315, %add3A_307 : vector<16xf32>
    %mul3A_317 = arith.mulf %mul3A_316, %bitcast_convert_type3A_313 : vector<16xf32>
    %mul3A_318 = arith.mulf %mul3A_317, %bitcast_convert_type3A_313 : vector<16xf32>
    %sub3A_319 = arith.constant 1.500000e+00 : f32
    %sub3A_320 = vector.broadcast %sub3A_319 : f32 to vector<16xf32>
    %sub3A_321 = arith.subf %sub3A_320, %mul3A_318 : vector<16xf32>
    %mul3A_322 = arith.mulf %bitcast_convert_type3A_313, %sub3A_321 : vector<16xf32>
    %mul3A_323 = arith.constant 5.000000e-01 : f32
    %mul3A_324 = vector.broadcast %mul3A_323 : f32 to vector<16xf32>
    %mul3A_325 = arith.mulf %mul3A_324, %add3A_307 : vector<16xf32>
    %mul3A_326 = arith.mulf %mul3A_325, %mul3A_322 : vector<16xf32>
    %mul3A_327 = arith.mulf %mul3A_326, %mul3A_322 : vector<16xf32>
    %sub3A_328 = arith.constant 1.500000e+00 : f32
    %sub3A_329 = vector.broadcast %sub3A_328 : f32 to vector<16xf32>
    %sub3A_330 = arith.subf %sub3A_329, %mul3A_327 : vector<16xf32>
    %mul3A_331 = arith.mulf %mul3A_322, %sub3A_330 : vector<16xf32>
    %mul3A_332 = arith.constant 5.000000e-01 : f32
    %mul3A_333 = vector.broadcast %mul3A_332 : f32 to vector<16xf32>
    %mul3A_334 = arith.mulf %mul3A_333, %add3A_307 : vector<16xf32>
    %mul3A_335 = arith.mulf %mul3A_334, %mul3A_331 : vector<16xf32>
    %mul3A_336 = arith.mulf %mul3A_335, %mul3A_331 : vector<16xf32>
    %sub3A_337 = arith.constant 1.500000e+00 : f32
    %sub3A_338 = vector.broadcast %sub3A_337 : f32 to vector<16xf32>
    %sub3A_339 = arith.subf %sub3A_338, %mul3A_336 : vector<16xf32>
    %mul3A_340 = arith.mulf %mul3A_331, %sub3A_339 : vector<16xf32>
    %mul3A_341 = arith.constant 16 : i32
    %mul3A_342 = arith.muli %arg0, %mul3A_341 : i32
    %add3A_343 = vector.broadcast %mul3A_342 : i32 to vector<16xi32>
    %add3A_344 = arith.addi %iota3A, %add3A_343 : vector<16xi32>
    %gather3A_345 = tpu.vector_load_idx %arg12[%add3A_344] : memref<32xf32, #tpu.memory_space<vmem>>[vector<16xi32>], vector<16xf32>,
    %mul3A_346 = arith.mulf %gather3A_345, %mul3A_340 : vector<16xf32>
    %gather3A_347 = tpu.vector_load_idx %arg13[%add3A_344] : memref<32xf32, #tpu.memory_space<vmem>>[vector<16xi32>], vector<16xf32>,
    %mul3A_348 = arith.mulf %mul3A_300, %mul3A_346 : vector<16xf32>
    %sub3A_349 = arith.subf %gather3A_347, %mul3A_348 : vector<16xf32>
    %scan3A_350 = arith.constant 0 : i32
    %scan3A_351 = arith.constant 0 : i32
    %scan3A_352 = arith.constant 128 : i32
    %scan3A_353 = arith.addi %scan3A_351, %scan3A_352 : i32
    %scan3A_354 = arith.constant 1 : i32
    scf.for %scan3A_356 = %scan3A_351 to %scan3A_353 step %scan3A_354  : i32 {
      %mul3A_357 = arith.constant 8 : i32
      %mul3A_358 = arith.muli %scan3A_356, %mul3A_357 : i32
      %add3A_359 = arith.constant 0 : i32
      %add3A_360 = arith.addi %mul3A_358, %add3A_359 : i32
      %broadcast_in_dim3A_361 = vector.broadcast %add3A_360 : i32 to vector<16xi32>
      %gather3A_362 = tpu.vector_load_idx %arg9[%iota3A, %broadcast_in_dim3A_361] : memref<16x1024xf32, #tpu.memory_space<vmem>>[vector<16xi32>, vector<16xi32>], vector<16xf32>,
      %mul3A_363 = arith.mulf %gather3A_362, %mul3A_346 : vector<16xf32>
      %add3A_364 = arith.addf %mul3A_363, %sub3A_349 : vector<16xf32>
      %max3A = arith.constant 0.000000e+00 : f32
      %max3A_365 = vector.broadcast %max3A : f32 to vector<16xf32>
      %max3A_366 = arith.maximumf %add3A_364, %max3A_365 : vector<16xf32>
      tpu.vector_store_idx %arg9[%iota3A, %broadcast_in_dim3A_361], %max3A_366 : memref<16x1024xf32, #tpu.memory_space<vmem>>[vector<16xi32>, vector<16xi32>], vector<16xf32>,
      %mul3A_367 = arith.constant 8 : i32
      %mul3A_368 = arith.muli %scan3A_356, %mul3A_367 : i32
      %add3A_369 = arith.constant 1 : i32
      %add3A_370 = arith.addi %mul3A_368, %add3A_369 : i32
      %broadcast_in_dim3A_371 = vector.broadcast %add3A_370 : i32 to vector<16xi32>
      %gather3A_372 = tpu.vector_load_idx %arg9[%iota3A, %broadcast_in_dim3A_371] : memref<16x1024xf32, #tpu.memory_space<vmem>>[vector<16xi32>, vector<16xi32>], vector<16xf32>,
      %mul3A_373 = arith.mulf %gather3A_372, %mul3A_346 : vector<16xf32>
      %add3A_374 = arith.addf %mul3A_373, %sub3A_349 : vector<16xf32>
      %max3A_375 = arith.constant 0.000000e+00 : f32
      %max3A_376 = vector.broadcast %max3A_375 : f32 to vector<16xf32>
      %max3A_377 = arith.maximumf %add3A_374, %max3A_376 : vector<16xf32>
      tpu.vector_store_idx %arg9[%iota3A, %broadcast_in_dim3A_371], %max3A_377 : memref<16x1024xf32, #tpu.memory_space<vmem>>[vector<16xi32>, vector<16xi32>], vector<16xf32>,
      %mul3A_378 = arith.constant 8 : i32
      %mul3A_379 = arith.muli %scan3A_356, %mul3A_378 : i32
      %add3A_380 = arith.constant 2 : i32
      %add3A_381 = arith.addi %mul3A_379, %add3A_380 : i32
      %broadcast_in_dim3A_382 = vector.broadcast %add3A_381 : i32 to vector<16xi32>
      %gather3A_383 = tpu.vector_load_idx %arg9[%iota3A, %broadcast_in_dim3A_382] : memref<16x1024xf32, #tpu.memory_space<vmem>>[vector<16xi32>, vector<16xi32>], vector<16xf32>,
      %mul3A_384 = arith.mulf %gather3A_383, %mul3A_346 : vector<16xf32>
      %add3A_385 = arith.addf %mul3A_384, %sub3A_349 : vector<16xf32>
      %max3A_386 = arith.constant 0.000000e+00 : f32
      %max3A_387 = vector.broadcast %max3A_386 : f32 to vector<16xf32>
      %max3A_388 = arith.maximumf %add3A_385, %max3A_387 : vector<16xf32>
      tpu.vector_store_idx %arg9[%iota3A, %broadcast_in_dim3A_382], %max3A_388 : memref<16x1024xf32, #tpu.memory_space<vmem>>[vector<16xi32>, vector<16xi32>], vector<16xf32>,
      %mul3A_389 = arith.constant 8 : i32
      %mul3A_390 = arith.muli %scan3A_356, %mul3A_389 : i32
      %add3A_391 = arith.constant 3 : i32
      %add3A_392 = arith.addi %mul3A_390, %add3A_391 : i32
      %broadcast_in_dim3A_393 = vector.broadcast %add3A_392 : i32 to vector<16xi32>
      %gather3A_394 = tpu.vector_load_idx %arg9[%iota3A, %broadcast_in_dim3A_393] : memref<16x1024xf32, #tpu.memory_space<vmem>>[vector<16xi32>, vector<16xi32>], vector<16xf32>,
      %mul3A_395 = arith.mulf %gather3A_394, %mul3A_346 : vector<16xf32>
      %add3A_396 = arith.addf %mul3A_395, %sub3A_349 : vector<16xf32>
      %max3A_397 = arith.constant 0.000000e+00 : f32
      %max3A_398 = vector.broadcast %max3A_397 : f32 to vector<16xf32>
      %max3A_399 = arith.maximumf %add3A_396, %max3A_398 : vector<16xf32>
      tpu.vector_store_idx %arg9[%iota3A, %broadcast_in_dim3A_393], %max3A_399 : memref<16x1024xf32, #tpu.memory_space<vmem>>[vector<16xi32>, vector<16xi32>], vector<16xf32>,
      %mul3A_400 = arith.constant 8 : i32
      %mul3A_401 = arith.muli %scan3A_356, %mul3A_400 : i32
      %add3A_402 = arith.constant 4 : i32
      %add3A_403 = arith.addi %mul3A_401, %add3A_402 : i32
      %broadcast_in_dim3A_404 = vector.broadcast %add3A_403 : i32 to vector<16xi32>
      %gather3A_405 = tpu.vector_load_idx %arg9[%iota3A, %broadcast_in_dim3A_404] : memref<16x1024xf32, #tpu.memory_space<vmem>>[vector<16xi32>, vector<16xi32>], vector<16xf32>,
      %mul3A_406 = arith.mulf %gather3A_405, %mul3A_346 : vector<16xf32>
      %add3A_407 = arith.addf %mul3A_406, %sub3A_349 : vector<16xf32>
      %max3A_408 = arith.constant 0.000000e+00 : f32
      %max3A_409 = vector.broadcast %max3A_408 : f32 to vector<16xf32>
      %max3A_410 = arith.maximumf %add3A_407, %max3A_409 : vector<16xf32>
      tpu.vector_store_idx %arg9[%iota3A, %broadcast_in_dim3A_404], %max3A_410 : memref<16x1024xf32, #tpu.memory_space<vmem>>[vector<16xi32>, vector<16xi32>], vector<16xf32>,
      %mul3A_411 = arith.constant 8 : i32
      %mul3A_412 = arith.muli %scan3A_356, %mul3A_411 : i32
      %add3A_413 = arith.constant 5 : i32
      %add3A_414 = arith.addi %mul3A_412, %add3A_413 : i32
      %broadcast_in_dim3A_415 = vector.broadcast %add3A_414 : i32 to vector<16xi32>
      %gather3A_416 = tpu.vector_load_idx %arg9[%iota3A, %broadcast_in_dim3A_415] : memref<16x1024xf32, #tpu.memory_space<vmem>>[vector<16xi32>, vector<16xi32>], vector<16xf32>,
      %mul3A_417 = arith.mulf %gather3A_416, %mul3A_346 : vector<16xf32>
      %add3A_418 = arith.addf %mul3A_417, %sub3A_349 : vector<16xf32>
      %max3A_419 = arith.constant 0.000000e+00 : f32
      %max3A_420 = vector.broadcast %max3A_419 : f32 to vector<16xf32>
      %max3A_421 = arith.maximumf %add3A_418, %max3A_420 : vector<16xf32>
      tpu.vector_store_idx %arg9[%iota3A, %broadcast_in_dim3A_415], %max3A_421 : memref<16x1024xf32, #tpu.memory_space<vmem>>[vector<16xi32>, vector<16xi32>], vector<16xf32>,
      %mul3A_422 = arith.constant 8 : i32
      %mul3A_423 = arith.muli %scan3A_356, %mul3A_422 : i32
      %add3A_424 = arith.constant 6 : i32
      %add3A_425 = arith.addi %mul3A_423, %add3A_424 : i32
      %broadcast_in_dim3A_426 = vector.broadcast %add3A_425 : i32 to vector<16xi32>
      %gather3A_427 = tpu.vector_load_idx %arg9[%iota3A, %broadcast_in_dim3A_426] : memref<16x1024xf32, #tpu.memory_space<vmem>>[vector<16xi32>, vector<16xi32>], vector<16xf32>,
      %mul3A_428 = arith.mulf %gather3A_427, %mul3A_346 : vector<16xf32>
      %add3A_429 = arith.addf %mul3A_428, %sub3A_349 : vector<16xf32>
      %max3A_430 = arith.constant 0.000000e+00 : f32
      %max3A_431 = vector.broadcast %max3A_430 : f32 to vector<16xf32>
      %max3A_432 = arith.maximumf %add3A_429, %max3A_431 : vector<16xf32>
      tpu.vector_store_idx %arg9[%iota3A, %broadcast_in_dim3A_426], %max3A_432 : memref<16x1024xf32, #tpu.memory_space<vmem>>[vector<16xi32>, vector<16xi32>], vector<16xf32>,
      %mul3A_433 = arith.constant 8 : i32
      %mul3A_434 = arith.muli %scan3A_356, %mul3A_433 : i32
      %add3A_435 = arith.constant 7 : i32
      %add3A_436 = arith.addi %mul3A_434, %add3A_435 : i32
      %broadcast_in_dim3A_437 = vector.broadcast %add3A_436 : i32 to vector<16xi32>
      %gather3A_438 = tpu.vector_load_idx %arg9[%iota3A, %broadcast_in_dim3A_437] : memref<16x1024xf32, #tpu.memory_space<vmem>>[vector<16xi32>, vector<16xi32>], vector<16xf32>,
      %mul3A_439 = arith.mulf %gather3A_438, %mul3A_346 : vector<16xf32>
      %add3A_440 = arith.addf %mul3A_439, %sub3A_349 : vector<16xf32>
      %max3A_441 = arith.constant 0.000000e+00 : f32
      %max3A_442 = vector.broadcast %max3A_441 : f32 to vector<16xf32>
      %max3A_443 = arith.maximumf %add3A_440, %max3A_442 : vector<16xf32>
      tpu.vector_store_idx %arg9[%iota3A, %broadcast_in_dim3A_437], %max3A_443 : memref<16x1024xf32, #tpu.memory_space<vmem>>[vector<16xi32>, vector<16xi32>], vector<16xf32>,
    }
    %scan3A_355 = arith.constant 128 : i32
    "tpu.region"() ({
      %run_scoped3A = tpu.sem_alloc : memref<!tpu.dma_semaphore, #tpu.memory_space<semaphore_mem>>
      %dma_start3A_356 = tpu.memref_slice %arg6[%multiple_of3A_3, %multiple_of3A] : memref<32x16384xf32, #tpu.memory_space<hbm>> -> memref<16x1024xf32, #tpu.memory_space<hbm>>
      %dma_start3A_357 = tpu.memref_slice %arg6[%multiple_of3A_3, %multiple_of3A] : memref<32x16384xf32, #tpu.memory_space<hbm>> -> memref<16x1024xf32, #tpu.memory_space<hbm>>
      tpu.enqueue_dma source(%arg9 : memref<16x1024xf32, #tpu.memory_space<vmem>>) target(%dma_start3A_357 : memref<16x1024xf32, #tpu.memory_space<hbm>>) target_semaphore(%run_scoped3A : memref<!tpu.dma_semaphore, #tpu.memory_space<semaphore_mem>>)
      %dma_wait3A = tpu.memref_slice %arg6[%multiple_of3A_3, %multiple_of3A] : memref<32x16384xf32, #tpu.memory_space<hbm>> -> memref<16x1024xf32, #tpu.memory_space<hbm>>
      %dma_wait3A_358 = tpu.memref_slice %arg6[%multiple_of3A_3, %multiple_of3A] : memref<32x16384xf32, #tpu.memory_space<hbm>> -> memref<16x1024xf32, #tpu.memory_space<hbm>>
      tpu.wait_dma2 semaphore(%run_scoped3A : memref<!tpu.dma_semaphore, #tpu.memory_space<semaphore_mem>>) src(%arg9 : memref<16x1024xf32, #tpu.memory_space<vmem>>) dst(%dma_wait3A_358 : memref<16x1024xf32, #tpu.memory_space<hbm>>)
      tpu.yield
    }) : () -> ()
    return
  }
}

</mosaic_0001>

<sc_bundles>
// kernel: kernel.3.cloned.1.call-start
scs
__scs_entry_jumppad:
0x0: {  	(pc) =	sbr.rel $0x88, $3  }
0x1: {  	(tag) =	ssettag $0x0;
	lr =	simm.s32 $0x1  }
0x2: {  	[smem:$0x3F9D] =	sst lr;
	_ =	strace $0xD0000000  }
0x3: {  	_ = 	snop  }
0x4: {  	_ = 	snop  }
0x5: {  	_ = 	snop  }
0x6: {  	_ = 	snop  }
0x7: {  	_ = 	snop  }
__scs_overlays_trampoline_lowered:
0x8: {  	[smem:$0x3FAC] =	sst s0  }
0x9: {  	[smem:$0x3FAD] =	sst s1  }
0xa: {  	[smem:$0x3FAE] =	sst s2  }
0xb: {  	[smem:$0x3FAF] =	sst s3  }
0xc: {  	[smem:$0x3FB0] =	sst s4  }
0xd: {  	[smem:$0x3FB1] =	sst s5  }
0xe: {  	[smem:$0x3FB2] =	sst s6  }
0xf: {  	[smem:$0x3FB3] =	sst s7  }
0x10: {  	[smem:$0x3FB4] =	sst s8  }
0x11: {  	[smem:$0x3FB5] =	sst s9;
	s0 =	simm.s32 @!p0 $0x0  }
0x12: {  	s1 =	sld [smem:$0x3F9B];
	s0 =	simm.s32 @p0 $0x1  }
0x13: {  	[smem:$0x3FB6] =	sst s0;
	s0 =	simm.s32 @!p1 $0x0  }
0x14: {  	s2 =	sld [smem:$0x3F9A];
	s0 =	simm.s32 @p1 $0x1  }
0x15: {  	[smem:$0x3FB7] =	sst s0;
	s0 =	simm.s32 @!p2 $0x0  }
0x16: {  	s3 =	sld [smem:$0x3FDB];
	s0 =	simm.s32 @p2 $0x1  }
0x17: {  	s4 =	simm.s32 $0x1BF5;
	[smem:$0x3FB9] =	sst s0  }
0x18: {  	s0 =	sld [smem:$0x3F9C];
	_ =	swait.ge [sflag:s4], $0x0  }
0x19: {  	s7 =	sld [smem:$0x3F9D]  }
0x1a: {  	s8 =	sadd.s32 $0xFFFFE003, lr  }
0x1b: {  	s9 =	sadd.s32 $0xFFFFFEF7, lr;
	s5 =	simm.s32 $0xFFFFFFFF;
	p2 =	slt.u32 s8, $0xFFFFF086  }
0x1c: {  	p1 =	slt.u32 s9, $0xF7A;
	s5 =	simm.s32 @!p2 $0x0  }
0x1d: {  	s5 =	simm.s32 @p1 $0x1;
	p0 =	seq.s32 s7, s2  }
0x1e: {  	s7 =	smul.u32 @!p0 $0xF7A, s2;
	p2 =	seq.s32 @!p0 s5, $0x0  }
0x1f: {  	s9 =	smul.u32 $0xF7A, s1;
	s8 =	simm.s32 @!p0 $0x1BF5;
	p2 =	por !p2, p0  }
0x20: {  	[sflag:s8] =	ssyncset.s32 @!p0 $0xFFFFF086;
	s6 =	sadd.s32 @!p0 s3, s7;
	s7 =	simm.s32 @!p0 $0x108  }
0x21: {  	s3 =	sadd.s32 s3, s9;
	s6 =	sadd.s32 @!p0 $0x88, s6;
	s7 =	simm.s32 @p2 $0x1082  }
0x22: {  	[simem:s7], [sflag:s8] =	dma.local @!p0 [hbm:s6], $0xF7A  }
0x23: {  	s9 =	sor.u32 $0xD0000000, s2;
	s6 =	simm.s32 $0x108;
	_ =	swait.ge @!p0 [sflag:s8], $0x0  }
0x24: {  	s3 =	sadd.s32 $0x88, s3;
	s6 =	simm.s32 @!p1 $0x1082;
	[sflag:s4] =	ssyncset.s32 $0xFFFFF086  }
0x25: {  	[simem:s6], [sflag:s4] =	dma.local [hbm:s3], $0xF7A  }
0x26: {  	[smem:$0x3F9D] =	sst s1;
	(tag) =	ssettag s2;
	_ =	strace s9  }
0x27: {  	s1 =	sld [smem:$0x3FAD]  }
0x28: {  	s2 =	sld [smem:$0x3FAE]  }
0x29: {  	s4 =	sld [smem:$0x3FB0]  }
0x2a: {  	p0 =	seq.s32 s5, $0x0;
	s5 =	sld [smem:$0x3FB1]  }
0x2b: {  	s6 =	sld [smem:$0x3FB2]  }
0x2c: {  	s7 =	sld [smem:$0x3FB3]  }
0x2d: {  	s3 =	simm.s32 $0x108;
	s8 =	sld [smem:$0x3FB4]  }
0x2e: {  	s3 =	simm.s32 @!p0 $0x1082;
	s9 =	sld [smem:$0x3FB5]  }
0x2f: {  	lr =	sadd.s32 s0, s3;
	s0 =	sld [smem:$0x3FAC]  }
0x30: {  	s3 =	sld [smem:$0x3FAF]  }
0x31: {  	[smem:$0x3FB8] =	sst s10  }
0x32: {  	s10 =	sld [smem:$0x3FB6];
	_ =	sdelay $0x3  }
0x33: {  	p0 =	seq.s32 s10, $0x1;
	s10 =	sld [smem:$0x3FB8];
	_ =	sdelay $0x3  }
0x34: {  	[smem:$0x3FB8] =	sst s10  }
0x35: {  	s10 =	sld [smem:$0x3FB7];
	_ =	sdelay $0x3  }
0x36: {  	p1 =	seq.s32 s10, $0x1;
	s10 =	sld [smem:$0x3FB8];
	_ =	sdelay $0x3  }
0x37: {  	[smem:$0x3FB8] =	sst s10  }
0x38: {  	s10 =	sld [smem:$0x3FB9]  }
0x39: {  	_ = 	snop;
	(pc) =	sbr.ind lr, $3  }
0x3a: {  	_ = 	snop  }
0x3b: {  	_ = 	snop  }
0x3c: {  	p2 =	seq.s32 s10, $0x1;
	s10 =	sld [smem:$0x3FB8]  }
0x3d: {  	_ =	shalt  }
0x3e: {  	_ =	shalt  }
0x3f: {  	_ =	shalt  }
0x40: {  	_ =	shalt  }
0x41: {  	_ =	shalt  }
0x42: {  	_ =	shalt  }
0x43: {  	_ =	shalt  }
0x44: {  	_ =	shalt  }
0x45: {  	_ =	shalt  }
0x46: {  	_ =	shalt  }
0x47: {  	_ =	shalt  }
0x48: {  	_ =	shalt  }
0x49: {  	_ =	shalt  }
0x4a: {  	_ =	shalt  }
0x4b: {  	_ =	shalt  }
0x4c: {  	_ =	shalt  }
0x4d: {  	_ =	shalt  }
0x4e: {  	_ =	shalt  }
0x4f: {  	_ =	shalt  }
0x50: {  	_ =	shalt  }
0x51: {  	_ =	shalt  }
0x52: {  	_ =	shalt  }
0x53: {  	_ =	shalt  }
0x54: {  	_ =	shalt  }
0x55: {  	_ =	shalt  }
0x56: {  	_ =	shalt  }
0x57: {  	_ =	shalt  }
0x58: {  	_ =	shalt  }
0x59: {  	_ =	shalt  }
0x5a: {  	_ =	shalt  }
0x5b: {  	_ =	shalt  }
0x5c: {  	_ =	shalt  }
0x5d: {  	_ =	shalt  }
0x5e: {  	_ =	shalt  }
0x5f: {  	_ =	shalt  }
0x60: {  	_ =	shalt  }
0x61: {  	_ =	shalt  }
0x62: {  	_ =	shalt  }
0x63: {  	_ =	shalt  }
0x64: {  	_ =	shalt  }
0x65: {  	_ =	shalt  }
0x66: {  	_ =	shalt  }
0x67: {  	_ =	shalt  }
0x68: {  	_ =	shalt  }
0x69: {  	_ =	shalt  }
0x6a: {  	_ =	shalt  }
0x6b: {  	_ =	shalt  }
0x6c: {  	_ =	shalt  }
0x6d: {  	_ =	shalt  }
0x6e: {  	_ =	shalt  }
0x6f: {  	_ =	shalt  }
0x70: {  	_ =	shalt  }
0x71: {  	_ =	shalt  }
0x72: {  	_ =	shalt  }
0x73: {  	_ =	shalt  }
0x74: {  	_ =	shalt  }
0x75: {  	_ =	shalt  }
0x76: {  	_ =	shalt  }
0x77: {  	_ =	shalt  }
0x78: {  	_ =	shalt  }
0x79: {  	_ =	shalt  }
0x7a: {  	_ =	shalt  }
0x7b: {  	_ =	shalt  }
0x7c: {  	_ =	shalt  }
0x7d: {  	_ =	shalt  }
0x7e: {  	_ =	shalt  }
0x7f: {  	_ =	shalt  }
0x80: {  	_ =	shalt  }
0x81: {  	_ =	shalt  }
0x82: {  	_ =	shalt  }
0x83: {  	_ =	shalt  }
0x84: {  	_ =	shalt  }
0x85: {  	_ =	shalt  }
0x86: {  	_ =	shalt  }
0x87: {  	_ =	shalt  }
.Lfunc_end0:
.L_simem_size_0:
called_computation_lowered:
.L_overlay_start_0:
0x88: {  	s2 =	sld [smem:$0x3FD9]  }
0x89: {  	s3 =	sld [smem:$0x3FFE];
	_ =	sdelay $0x1  }
0x8a: {  	s1 =	srdreg.scid  }
0x8b: {  	s0 =	sand.u32 $0x1, s1  }
0x8c: {  	s18 =	sshll.u32 s0, $0xA;
	s2 =	sadd.s32 s3, s2  }
0x8d: {  	s2 =	sadd.s32 s2, s18  }
0x8e: {  	[smem:$0x3FC4] =	sst s2  }
0x8f: {  	_ = 	snop  }
0x90: {  	s2 =	sld [smem:$0x3FC9]  }
0x91: {  	s19 =	sld [smem:$0x3FC8]  }
0x92: {  	s4 =	sld [smem:$0x3FC7]  }
0x93: {  	s5 =	sld [smem:$0x3FC6]  }
0x94: {  	s6 =	sld [smem:$0x3FD0];
	(tm) =	ssettm $0x1  }
0x95: {  	s7 =	sld [smem:$0x3FFB];
	_ =	sdelay $0x3  }
0x96: {  	_ =	strace s7  }
0x97: {  	s7 =	sld [smem:$0x3FFC];
	_ =	sdelay $0x3  }
0x98: {  	_ =	strace s7  }
0x99: {  	s7 =	sld [smem:$0x3FFD];
	_ =	sdelay $0x3  }
0x9a: {  	_ =	strace s7  }
0x9b: {  	_ =	strace $0x8FFFFFFF  }
0x9c: {  	s20 =	sld [smem:$0x3FDB];
	_ =	sdelay $0x1  }
0x9d: {  	s8 =	simm.s32 $_scs_section_size  }
0x9e: {  	s9 =	simm.s32 $_size__tile_overlayer_lowered;
	s10 =	simm.s32 $_tile_overlayer_lowered  }
0x9f: {  	s23 =	simm.s32 $0x1BFF;
	s22 =	sshll.u32 s10, $0x1;
	s7 =	sadd.s32 s8, s20  }
0xa0: {  	s11 =	simm.s32 $0x0;
	s21 =	sshll.u32 s9, $0x1;
	s9 =	sadd.s32 s22, s7  }
0xa1: {  	[timem:s11], [sflag:s23] =	dma.local [hbm:s9], s21  }
0xa2: {  	_ =	swait.ge [sflag:s23], s21  }
0xa3: {  	s8 =	ssub.s32 $0x0, s21;
	[sflag:s23] =	ssyncset.done $0x0  }
0xa4: {  	[sflag:s23] =	ssyncadd.s32 s8;
	_ =	sdelay $0x1  }
0xa5: {  	s24 =	simm.s32 $0x1B8B  }
0xa6: {  	_ =	swait.ge [sflag:s24], $0x1  }
0xa7: {  	[sflag:s24] =	ssyncset.done $0x0  }
0xa8: {  	s25 =	simm.s32 $0x1B8E;
	[sflag:s24] =	ssyncadd.s32 $0xFFFFFFFF  }
0xa9: {  	s26 =	simm.s32 $execute0_lowered;
	[smem:$0x3FD2] =	sst s25  }
0xaa: {  	s8 =	sshll.u32 s26, $0x1;
	_ =	strace $0x80000046;
	[dreg:$0x1] =	wrdreg $0xFFFFFFFF  }
0xab: {  	s28 =	simm.s32 $_size_execute0_lowered;
	s7 =	sadd.s32 s7, s8;
	[dreg:$0x0] =	wrdreg $0x0  }
0xac: {  	s8 =	sshll.u32 s28, $0x1;
	[dreg:$0x2] =	wrdreg s7  }
0xad: {  	[dreg:$0x3] =	wrdreg s8  }
0xae: {  	[dreg:$0x4] =	wrdreg $0xC0  }
0xaf: {  	_ =	task [dreg:s11], $0x5FFFF  }
0xb0: {  	[dreg:$0x1] =	wrdreg $0xFFFFFFFF  }
0xb1: {  	[dreg:$0x0] =	wrdreg $0x60  }
0xb2: {  	[dreg:$0x2] =	wrdreg s2  }
0xb3: {  	[dreg:$0x3] =	wrdreg s19  }
0xb4: {  	[dreg:$0x4] =	wrdreg s4  }
0xb5: {  	[dreg:$0x5] =	wrdreg s5  }
0xb6: {  	[dreg:$0x6] =	wrdreg s6  }
0xb7: {  	[dreg:$0x7] =	wrdreg $0xC9800  }
0xb8: {  	[dreg:$0x8] =	wrdreg $0x9  }
0xb9: {  	_ =	task.clear_ibuf [dreg:s11], $0x9FFFF;
	_ =	strace $0x90000046  }
0xba: {  	s29 =	simm.s32 $0x9;
	_ =	strace $0x80000048  }
0xbb: {  	_ =	swait.ge [sflag:s29], $0x1  }
0xbc: {  	[sflag:s29] =	ssyncadd.s32 $0xFFFFFFFF  }
0xbd: {  	_ =	strace $0x90000048  }
0xbe: {  	_ =	sfence  }
0xbf: {  	s30 =	sld [smem:$0x0];
	_ =	sdelay $0x2  }
0xc0: {  	s31 =	sshll.u32 s1, $0xD;
	s1 =	sshrl.u32 s1, $0x2  }
0xc1: {  	s3 =	sand.u32 $0x4000, s31;
	s1 =	sadd.s32 s1, s30  }
0xc2: {  	s0 =	sor.u32 s3, s0;
	s1 =	sshll.u32 s1, $0x11  }
0xc3: {  	s0 =	sor.u32 s1, s0  }
0xc4: {  	s0 =	sadd.s32 $0x8F2B, s0  }
0xc5: {  	[sflag:s0] =	ssyncadd.remote.s32 $0x1  }
0xc6: {  	_ =	sfence.sel $0xFFFF  }
0xc7: {  	[dreg:$0x0] =	wrdreg $0xFFFFFFFF;
	(pc) =	sbr.abs _section_cstart, $3  }
0xc8: {  	[dreg:$0x1] =	wrdreg $0xFFFFFFFF  }
0xc9: {  	_ =	task.clear_ibuf [dreg:s11], $0x2FFFF;
	_ =	strace $0x9FFFFFFF  }
0xca: {  	(tm) =	ssettm $0x7FFFFFFF  }
0xcb: {  	_ =	shalt  }
tec
execute0_lowered:
.L_overlay_start_1:
0x0: {  	(tag) =	ssettag $0x1  }
0x1: {  	v0 =	vimm.s32 $0x2380;
	vm0 =	vcmask $0x300  }
0x2: {  	vm14 =	vcmask $0x704;
	v0 =	vsel vm0, $0x0, v0  }
0x3: {  	vm15 =	vcmask $0xB08;
	v0 =	vsel vm14, $0x80, v0  }
0x4: {  	vm4 =	vcmask $0xF0C;
	v0 =	vsel vm15, $0x100, v0  }
0x5: {  	vm5 =	vcmask $0x1310;
	v0 =	vsel vm4, $0x180, v0  }
0x6: {  	vm6 =	vcmask $0x1714;
	v0 =	vsel vm5, $0x200, v0  }
0x7: {  	vm7 =	vcmask $0x1B18;
	v0 =	vsel vm6, $0x280, v0  }
0x8: {  	s1 =	rddreg [dreg:$0x0];
	vm8 =	vcmask $0x1F1C;
	v0 =	vsel vm7, $0x300, v0  }
0x9: {  	s0 =	rddreg [dreg:$0x1];
	vm9 =	vcmask $0x2320;
	v0 =	vsel vm8, $0x380, v0  }
0xa: {  	s2 =	rddreg [dreg:$0x4];
	vm10 =	vcmask $0x2724;
	v0 =	vsel vm9, $0x2000, v0  }
0xb: {  	s3 =	srdreg.scid;
	s7 =	rddreg [dreg:$0x5];
	vm11 =	vcmask $0x2B28;
	v0 =	vsel vm10, $0x2080, v0  }
0xc: {  	s5 =	simm.s32 $0x0;
	vm12 =	vcmask $0x2F2C;
	s8 =	stileid.u32;
	vm13 =	vcmask $0x3330;
	s9 =	simm.s32 $0x9;
	v0 =	vsel vm11, $0x2100, v0  }
0xd: {  	s10 =	simm.s32 $0xC880;
	s11 =	simm.s32 $0xC900;
	s14 =	simm.s32 $0x400;
	vm14 =	vcmask $0x3734;
	v1 =	vsel vm12, $0x2180, v0;
	v0 =	vlaneseq.u32  }
0xe: {  	s16 =	simm.s32 $0x7A1400;
	s17 =	simm.s32 $0x480;
	s28 =	simm.s32 $0x2;
	vm15 =	vcmask $0x3B38;
	v2 =	vsel vm13, $0x2200, v1;
	v1 =	vmul.u32 $0x80, v0  }
0xf: {  	s29 =	simm.s32 $0x3;
	s30 =	simm.s32 $0x4;
	s31 =	simm.s32 $0x5;
	v11 =	vor.u32 $0x80, v0;
	v12 =	vor.u32 $0x400, v0;
	v13 =	vor.u32 $0x480, v0  }
0x10: {  	s3 =	sand.u32 $0x1, s3;
	[smem:$0x7FF] =	sst s5;
	s23 =	sshll.u32 s8, $0x7;
	v14 =	vor.u32 $0x800, v0;
	v15 =	vor.u32 $0x880, v0;
	v16 =	vor.u32 $0xC00, v0  }
0x11: {  	s24 =	sshll.u32 s8, $0xA;
	s5 =	simm.s32 $0x0;
	s4 =	ssub.s32 $0x2, s3;
	v17 =	vor.u32 $0xC80, v0;
	v18 =	vor.u32 $0x1000, v0;
	v19 =	vor.u32 $0x1080, v0  }
0x12: {  	_ =	strace $0x80000047;
	s6 =	sshll.u32 s3, $0x4;
	s1 =	sadd.s32 s1, s23;
	v20 =	vor.u32 $0x1400, v0;
	v21 =	vor.u32 $0x1480, v0;
	v22 =	vor.u32 $0x1800, v0  }
0x13: {  	s8 =	smul.u32 $0xF42800, s3;
	s3 =	sshll.u32 s3, $0xF;
	s2 =	sadd.s32 s2, s24;
	v23 =	vor.u32 $0x1880, v0;
	v24 =	vor.u32 $0x1C00, v0;
	v25 =	vor.u32 $0x1C80, v0  }
0x14: {  	s23 =	simm.s32 $0x3480;
	s22 =	sshrl.u32 s4, $0x1;
	[dreg:$0x7] =	wrdreg s1;
	v26 =	vor.u32 $0x2000, v0;
	v27 =	vor.u32 $0x2080, v0;
	v28 =	vor.u32 $0x2400, v0  }
0x15: {  	s1 =	sadd.s32 s24, s7;
	s25 =	sadd.s32 s3, s2;
	s24 =	simm.s32 $0x3C80;
	v29 =	vor.u32 $0x2480, v0;
	v30 =	vor.u32 $0x2800, v0;
	v31 =	vor.u32 $0x2880, v0  }
0x16: {  	s3 =	simm.s32 $0x6;
	s4 =	ssub.s32 s4, s22;
	[dreg:$0x8] =	wrdreg s1;
	v32 =	vor.u32 $0x2C00, v0;
	v33 =	vor.u32 $0x2C80, v0;
	v3 =	vsel vm14, $0x2280, v2  }
0x17: {  	[dreg:$0x9] =	wrdreg s25;
	s22 =	simm.s32 $0x2C80;
	s25 =	simm.s32 $0x1;
	v2 =	vor.u32 s6, v0;
	v3 =	vsel vm15, $0x2300, v3;
	v4 =	vor.u32 $0x800, v1  }
0x18: {  	s1 =	simm.s32 $0x8;
	s26 =	smax.u32 s4, $0x1;
	s4 =	simm.s32 $0x8880;
	v5 =	vor.u32 $0x1000, v1;
	v6 =	vor.u32 $0x1800, v1;
	v7 =	vor.u32 $0x2000, v1  }
0x19: {  	[dreg:$0xa] =	wrdreg s26;
	s26 =	simm.s32 $0x4480;
	s6 =	simm.s32 $0x7;
	v8 =	vor.u32 $0x2800, v1;
	v9 =	vor.u32 $0x3000, v1;
	v10 =	vor.u32 $0x3800, v1  }
.LBB2_1:
0x1a: {  	[dreg:$0xb] =	wrdreg s5  }
0x1b: {  	s18 =	simm.s32 $0x0;
	s2 =	rddreg [dreg:$0x7]  }
0x1c: {  	[tilespmem:s18], [sflag:$0x9] =	stream.linear.gather [hbm4b:s2+s18], $0x400, $0x38;
	[tilespmem:$0xCD80] =	vst v63  }
0x1d: {  	_ =	swait.ge [sflag:s9], $0x400  }
0x1e: {  	[sflag:s9] =	ssyncset.done $0x0  }
0x1f: {  	[sflag:s9] =	ssyncadd.s32 $0xFFFFFC00  }
0x20: {  	s19 =	rddreg [dreg:$0x2]  }
0x21: {  	[tilespmem:s10], [sflag:$0x9] =	stream.linear.gather [hbm4b:s19+s18], $0x80, $0x38;
	[tilespmem:$0xCD80] =	vst v63  }
0x22: {  	_ =	swait.ge [sflag:s9], $0x80  }
0x23: {  	[sflag:s9] =	ssyncset.done $0x0  }
0x24: {  	[sflag:s9] =	ssyncadd.s32 $0xFFFFFF80  }
0x25: {  	s20 =	rddreg [dreg:$0x3]  }
0x26: {  	[tilespmem:s11], [sflag:$0x9] =	stream.linear.gather [hbm4b:s20+s18], $0x80, $0x38;
	[tilespmem:$0xCD80] =	vst v63  }
0x27: {  	_ =	swait.ge [sflag:s9], $0x80  }
0x28: {  	[sflag:s9] =	ssyncset.done $0x0  }
0x29: {  	[sflag:s9] =	ssyncadd.s32 $0xFFFFFF80  }
0x2a: {  	v34 =	vld [tilespmem:$0x0];
	_ =	sdelay $0x4  }
0x2b: {  	v34 =	vshll.u32 v34, $0x3  }
0x2c: {  	(v2sf) =	vpush v34, $0x0;
	_ =	sdelay $0x3  }
0x2d: {  	(v2sf) =	vpush v34, $0x1;
	_ =	sdelay $0x4  }
0x2e: {  	(v2sf) =	vpush v34, $0x2;
	_ =	sdelay $0x5  }
0x2f: {  	s21 =	spop (v2sf)  }
0x30: {  	(v2sf) =	vpush v34, $0x3;
	s2 =	sand.u32 $0x7FFFFC00, s21  }
0x31: {  	s2 =	sadd.s32 s8, s2  }
0x32: {  	s2 =	sshrl.u32 s2, $0x3  }
0x33: {  	s5 =	spop (v2sf);
	s2 =	sadd.s32 s0, s2  }
0x34: {  	(v2sf) =	vpush v34, $0x4;
	[tilespmem:s17], [sflag:$0x1] =	stream.strided.gather [hbm4b:s2+s14], $0x800, s16, s14, $0x38;
	[tilespmem:$0xCD80] =	vst v63  }
0x35: {  	s2 =	sand.u32 $0x7FFFFC00, s5  }
0x36: {  	s2 =	sadd.s32 s8, s2  }
0x37: {  	s2 =	sshrl.u32 s2, $0x3  }
0x38: {  	s7 =	simm.s32 $0xC80;
	s9 =	spop (v2sf);
	(v2sf) =	vpush v34, $0x5;
	s2 =	sadd.s32 s0, s2  }
0x39: {  	[tilespmem:s7], [sflag:$0x2] =	stream.strided.gather [hbm4b:s2+s14], $0x800, s16, s14, $0x38;
	[tilespmem:$0xCD80] =	vst v63  }
0x3a: {  	s2 =	sand.u32 $0x7FFFFC00, s9  }
0x3b: {  	s2 =	sadd.s32 s8, s2  }
0x3c: {  	s2 =	sshrl.u32 s2, $0x3  }
0x3d: {  	s10 =	simm.s32 $0x1480;
	s2 =	sadd.s32 s0, s2  }
0x3e: {  	[tilespmem:s10], [sflag:$0x3] =	stream.strided.gather [hbm4b:s2+s14], $0x800, s16, s14, $0x38;
	[tilespmem:$0xCD80] =	vst v63  }
0x3f: {  	s11 =	spop (v2sf);
	(v2sf) =	vpush v34, $0x6  }
0x40: {  	s2 =	sand.u32 $0x7FFFFC00, s11  }
0x41: {  	s2 =	sadd.s32 s8, s2  }
0x42: {  	s2 =	sshrl.u32 s2, $0x3  }
0x43: {  	s12 =	simm.s32 $0x1C80;
	s13 =	spop (v2sf);
	(v2sf) =	vpush v34, $0x7;
	s2 =	sadd.s32 s0, s2  }
0x44: {  	[tilespmem:s12], [sflag:$0x4] =	stream.strided.gather [hbm4b:s2+s14], $0x800, s16, s14, $0x38;
	[tilespmem:$0xCD80] =	vst v63  }
0x45: {  	s2 =	sand.u32 $0x7FFFFC00, s13  }
0x46: {  	s2 =	sadd.s32 s8, s2  }
0x47: {  	s15 =	spop (v2sf);
	s2 =	sshrl.u32 s2, $0x3  }
0x48: {  	s7 =	simm.s32 $0x2480;
	s18 =	sand.u32 $0x7FFFFC00, s15;
	s2 =	sadd.s32 s0, s2  }
0x49: {  	[tilespmem:s7], [sflag:$0x5] =	stream.strided.gather [hbm4b:s2+s14], $0x800, s16, s14, $0x38;
	[tilespmem:$0xCD80] =	vst v63  }
0x4a: {  	s2 =	sadd.s32 s8, s18  }
0x4b: {  	s2 =	sshrl.u32 s2, $0x3  }
0x4c: {  	s2 =	sadd.s32 s0, s2  }
0x4d: {  	[tilespmem:s22], [sflag:$0x6] =	stream.strided.gather [hbm4b:s2+s14], $0x800, s16, s14, $0x38;
	[tilespmem:$0xCD80] =	vst v63  }
0x4e: {  	s19 =	spop (v2sf)  }
0x4f: {  	s20 =	sand.u32 $0x7FFFFC00, s19  }
0x50: {  	s2 =	sadd.s32 s8, s20  }
0x51: {  	s2 =	sshrl.u32 s2, $0x3  }
0x52: {  	s21 =	spop (v2sf);
	s2 =	sadd.s32 s0, s2  }
0x53: {  	[tilespmem:s23], [sflag:$0x7] =	stream.strided.gather [hbm4b:s2+s14], $0x800, s16, s14, $0x38;
	[tilespmem:$0xCD80] =	vst v63  }
0x54: {  	s2 =	sand.u32 $0x7FFFFC00, s21  }
0x55: {  	s2 =	sadd.s32 s8, s2  }
0x56: {  	s2 =	sshrl.u32 s2, $0x3  }
0x57: {  	s13 =	simm.s32 $0x10;
	s7 =	simm.s32 $0xF;
	s2 =	sadd.s32 s0, s2  }
0x58: {  	v35 =	vimm.f32 $0.0e+00;
	v36 =	vimm.f32 $0.0e+00;
	[tilespmem:s24], [sflag:$0x8] =	stream.strided.gather [hbm4b:s2+s14], $0x800, s16, s14, $0x38;
	[tilespmem:$0xCD80] =	vst v63  }
.LBB2_2:
0x59: {  	v44 =	vld [tilespmem:s13+$0xFFFFFFF0];
	_ =	sdelay $0x3  }
0x5a: {  	v34 =	vld [tilespmem:s13+$0x0];
	_ =	swait.ge [sflag:s25], $0x800  }
0x5b: {  	(v2sf) =	vpush v44, $0x0;
	_ =	sdelay $0x6  }
0x5c: {  	(v2sf) =	vpush v44, $0x8;
	_ =	sdelay $0x7  }
0x5d: {  	s2 =	spop (v2sf)  }
0x5e: {  	s2 =	sand.u32 $0x7F, s2  }
0x5f: {  	s5 =	sadd.s32 $0xFFFFFFF1, s7;
	v37 =	vor.u32 s2, v1  }
0x60: {  	v38 =	vmov s5  }
0x61: {  	v39 =	vshll.u32 v38, $0x3  }
0x62: {  	[sflag:s25] =	ssyncset.done $0x0;
	v38 =	vand.u32 $0x70, v38;
	v39 =	vand.u32 $0x1C00, v39  }
0x63: {  	[sflag:s25] =	ssyncadd.s32 $0xFFFFF800;
	v38 =	vor.u32 v39, v38  }
0x64: {  	v38 =	vor.u32 v3, v38;
	s2 =	spop (v2sf);
	v37 =	vld.idx.msk [tilespmem:v37+s17+$0x0], $0xffff  }
0x65: {  	s21 =	sshll.u32 s2, $0x3  }
0x66: {  	s5 =	sand.u32 $0x7FFFFC00, s21  }
0x67: {  	s5 =	sadd.s32 s8, s5  }
0x68: {  	s5 =	sshrl.u32 s5, $0x3  }
0x69: {  	s5 =	sadd.s32 s0, s5;
	[tilespmem:v38+s26+$0x0] =	vst.idx.msk $0xffff, v37  }
0x6a: {  	[tilespmem:s17], [sflag:$0x1] =	stream.strided.gather [hbm4b:s5+s14], $0x800, s16, s14, $0x38;
	[tilespmem:$0xCD80] =	vst v63  }
0x6b: {  	_ =	swait.ge [sflag:s28], $0x800  }
0x6c: {  	(v2sf) =	vpush v44, $0x1;
	_ =	sdelay $0x6  }
0x6d: {  	(v2sf) =	vpush v44, $0x9;
	_ =	sdelay $0x7  }
0x6e: {  	s9 =	spop (v2sf)  }
0x6f: {  	s5 =	sand.u32 $0x7F, s9  }
0x70: {  	s9 =	sadd.s32 $0xFFFFFFF2, s7;
	v53 =	vor.u32 s5, v4  }
0x71: {  	v54 =	vmov s9  }
0x72: {  	v40 =	vshll.u32 v54, $0x3  }
0x73: {  	[sflag:s28] =	ssyncset.done $0x0;
	v39 =	vand.u32 $0x71, v54;
	v40 =	vand.u32 $0x1C00, v40  }
0x74: {  	[sflag:s28] =	ssyncadd.s32 $0xFFFFF800;
	v39 =	vor.u32 v40, v39  }
0x75: {  	s15 =	spop (v2sf);
	v39 =	vor.u32 v3, v39;
	v38 =	vld.idx.msk [tilespmem:v53+s17+$0x0], $0xffff  }
0x76: {  	s10 =	sshll.u32 s15, $0x3  }
0x77: {  	s5 =	sand.u32 $0x7FFFFC00, s10  }
0x78: {  	s5 =	sadd.s32 s8, s5  }
0x79: {  	s5 =	sshrl.u32 s5, $0x3  }
0x7a: {  	s11 =	simm.s32 $0xC80;
	s5 =	sadd.s32 s0, s5;
	[tilespmem:v39+s26+$0x0] =	vst.idx.msk $0xffff, v38  }
0x7b: {  	[tilespmem:s11], [sflag:$0x2] =	stream.strided.gather [hbm4b:s5+s14], $0x800, s16, s14, $0x38;
	[tilespmem:$0xCD80] =	vst v63  }
0x7c: {  	_ =	swait.ge [sflag:s29], $0x800  }
0x7d: {  	(v2sf) =	vpush v44, $0x2;
	_ =	sdelay $0x6  }
0x7e: {  	(v2sf) =	vpush v44, $0xA;
	_ =	sdelay $0x7  }
0x7f: {  	s12 =	spop (v2sf)  }
0x80: {  	s5 =	sand.u32 $0x7F, s12  }
0x81: {  	s18 =	sadd.s32 $0xFFFFFFF3, s7;
	v55 =	vor.u32 s5, v5  }
0x82: {  	v56 =	vmov s18  }
0x83: {  	v41 =	vshll.u32 v56, $0x3  }
0x84: {  	v41 =	vand.u32 $0x1C00, v41;
	v40 =	vand.u32 $0x72, v56;
	[sflag:s29] =	ssyncset.done $0x0  }
0x85: {  	v40 =	vor.u32 v41, v40;
	[sflag:s29] =	ssyncadd.s32 $0xFFFFF800  }
0x86: {  	v40 =	vor.u32 v3, v40;
	s5 =	spop (v2sf);
	v39 =	vld.idx.msk [tilespmem:v55+s17+$0x0], $0xffff  }
0x87: {  	s19 =	sshll.u32 s5, $0x3  }
0x88: {  	s9 =	sand.u32 $0x7FFFFC00, s19  }
0x89: {  	s9 =	sadd.s32 s8, s9  }
0x8a: {  	s9 =	sshrl.u32 s9, $0x3  }
0x8b: {  	s10 =	simm.s32 $0x1480;
	s9 =	sadd.s32 s0, s9;
	[tilespmem:v40+s26+$0x0] =	vst.idx.msk $0xffff, v39  }
0x8c: {  	[tilespmem:s10], [sflag:$0x3] =	stream.strided.gather [hbm4b:s9+s14], $0x800, s16, s14, $0x38;
	[tilespmem:$0xCD80] =	vst v63  }
0x8d: {  	_ =	swait.ge [sflag:s30], $0x800  }
0x8e: {  	(v2sf) =	vpush v44, $0x3;
	_ =	sdelay $0x6  }
0x8f: {  	(v2sf) =	vpush v44, $0xB;
	_ =	sdelay $0x7  }
0x90: {  	s20 =	spop (v2sf)  }
0x91: {  	s9 =	sand.u32 $0x7F, s20  }
0x92: {  	s21 =	sadd.s32 $0xFFFFFFF4, s7;
	v57 =	vor.u32 s9, v6  }
0x93: {  	v58 =	vmov s21  }
0x94: {  	v42 =	vshll.u32 v58, $0x3  }
0x95: {  	v42 =	vand.u32 $0x1C00, v42;
	v41 =	vand.u32 $0x73, v58;
	[sflag:s30] =	ssyncset.done $0x0  }
0x96: {  	v41 =	vor.u32 v42, v41;
	[sflag:s30] =	ssyncadd.s32 $0xFFFFF800  }
0x97: {  	v41 =	vor.u32 v3, v41;
	s12 =	spop (v2sf);
	v40 =	vld.idx.msk [tilespmem:v57+s17+$0x0], $0xffff  }
0x98: {  	s10 =	sshll.u32 s12, $0x3  }
0x99: {  	s9 =	sand.u32 $0x7FFFFC00, s10  }
0x9a: {  	s9 =	sadd.s32 s8, s9  }
0x9b: {  	s9 =	sshrl.u32 s9, $0x3  }
0x9c: {  	s11 =	simm.s32 $0x1C80;
	s9 =	sadd.s32 s0, s9;
	[tilespmem:v41+s26+$0x0] =	vst.idx.msk $0xffff, v40  }
0x9d: {  	[tilespmem:s11], [sflag:$0x4] =	stream.strided.gather [hbm4b:s9+s14], $0x800, s16, s14, $0x38;
	[tilespmem:$0xCD80] =	vst v63  }
0x9e: {  	_ =	swait.ge [sflag:s31], $0x800  }
0x9f: {  	(v2sf) =	vpush v44, $0x4;
	_ =	sdelay $0x6  }
0xa0: {  	(v2sf) =	vpush v44, $0xC;
	_ =	sdelay $0x7  }
0xa1: {  	s18 =	spop (v2sf)  }
0xa2: {  	s9 =	sand.u32 $0x7F, s18  }
0xa3: {  	s19 =	sadd.s32 $0xFFFFFFF5, s7;
	v59 =	vor.u32 s9, v7  }
0xa4: {  	v60 =	vmov s19  }
0xa5: {  	v43 =	vshll.u32 v60, $0x3  }
0xa6: {  	v42 =	vand.u32 $0x74, v60;
	v43 =	vand.u32 $0x1C00, v43;
	[sflag:s31] =	ssyncset.done $0x0  }
0xa7: {  	v42 =	vor.u32 v43, v42;
	[sflag:s31] =	ssyncadd.s32 $0xFFFFF800  }
0xa8: {  	v42 =	vor.u32 v3, v42;
	s11 =	spop (v2sf);
	v41 =	vld.idx.msk [tilespmem:v59+s17+$0x0], $0xffff  }
0xa9: {  	s20 =	sshll.u32 s11, $0x3  }
0xaa: {  	s9 =	sand.u32 $0x7FFFFC00, s20  }
0xab: {  	s9 =	sadd.s32 s8, s9  }
0xac: {  	s9 =	sshrl.u32 s9, $0x3  }
0xad: {  	s21 =	simm.s32 $0x2480;
	s9 =	sadd.s32 s0, s9;
	[tilespmem:v42+s26+$0x0] =	vst.idx.msk $0xffff, v41  }
0xae: {  	[tilespmem:s21], [sflag:$0x5] =	stream.strided.gather [hbm4b:s9+s14], $0x800, s16, s14, $0x38;
	[tilespmem:$0xCD80] =	vst v63  }
0xaf: {  	_ =	swait.ge [sflag:s3], $0x800  }
0xb0: {  	(v2sf) =	vpush v44, $0x5;
	_ =	sdelay $0x6  }
0xb1: {  	(v2sf) =	vpush v44, $0xD;
	_ =	sdelay $0x7  }
0xb2: {  	s10 =	spop (v2sf)  }
0xb3: {  	s9 =	sand.u32 $0x7F, s10  }
0xb4: {  	s18 =	sadd.s32 $0xFFFFFFF6, s7;
	v61 =	vor.u32 s9, v8  }
0xb5: {  	v62 =	vmov s18  }
0xb6: {  	v45 =	vshll.u32 v62, $0x3  }
0xb7: {  	v43 =	vand.u32 $0x75, v62;
	v45 =	vand.u32 $0x1C00, v45;
	[sflag:s3] =	ssyncset.done $0x0  }
0xb8: {  	v43 =	vor.u32 v45, v43;
	[sflag:s3] =	ssyncadd.s32 $0xFFFFF800  }
0xb9: {  	v43 =	vor.u32 v3, v43;
	s18 =	spop (v2sf);
	v42 =	vld.idx.msk [tilespmem:v61+s17+$0x0], $0xffff  }
0xba: {  	s19 =	sshll.u32 s18, $0x3  }
0xbb: {  	s9 =	sand.u32 $0x7FFFFC00, s19  }
0xbc: {  	s9 =	sadd.s32 s8, s9  }
0xbd: {  	s9 =	sshrl.u32 s9, $0x3  }
0xbe: {  	s9 =	sadd.s32 s0, s9;
	[tilespmem:v43+s26+$0x0] =	vst.idx.msk $0xffff, v42  }
0xbf: {  	[tilespmem:s22], [sflag:$0x6] =	stream.strided.gather [hbm4b:s9+s14], $0x800, s16, s14, $0x38;
	[tilespmem:$0xCD80] =	vst v63  }
0xc0: {  	_ =	swait.ge [sflag:s6], $0x800  }
0xc1: {  	(v2sf) =	vpush v44, $0x6;
	_ =	sdelay $0x6  }
0xc2: {  	(v2sf) =	vpush v44, $0xE;
	_ =	sdelay $0x7  }
0xc3: {  	s20 =	spop (v2sf)  }
0xc4: {  	s9 =	sand.u32 $0x7F, s20  }
0xc5: {  	s21 =	sadd.s32 $0xFFFFFFF7, s7;
	v63 =	vor.u32 s9, v9  }
0xc6: {  	v48 =	vmov s21  }
0xc7: {  	v46 =	vshll.u32 v48, $0x3  }
0xc8: {  	v45 =	vand.u32 $0x76, v48;
	v46 =	vand.u32 $0x1C00, v46;
	[sflag:s6] =	ssyncset.done $0x0  }
0xc9: {  	v45 =	vor.u32 v46, v45;
	[sflag:s6] =	ssyncadd.s32 $0xFFFFF800  }
0xca: {  	v45 =	vor.u32 v3, v45;
	s10 =	spop (v2sf);
	v43 =	vld.idx.msk [tilespmem:v63+s17+$0x0], $0xffff  }
0xcb: {  	s19 =	sshll.u32 s10, $0x3  }
0xcc: {  	s9 =	sand.u32 $0x7FFFFC00, s19  }
0xcd: {  	s9 =	sadd.s32 s8, s9  }
0xce: {  	s9 =	sshrl.u32 s9, $0x3  }
0xcf: {  	s9 =	sadd.s32 s0, s9;
	[tilespmem:v45+s26+$0x0] =	vst.idx.msk $0xffff, v43  }
0xd0: {  	[tilespmem:s23], [sflag:$0x7] =	stream.strided.gather [hbm4b:s9+s14], $0x800, s16, s14, $0x38;
	[tilespmem:$0xCD80] =	vst v63  }
0xd1: {  	_ =	swait.ge [sflag:s1], $0x800  }
0xd2: {  	(v2sf) =	vpush v44, $0x7;
	_ =	sdelay $0x6  }
0xd3: {  	(v2sf) =	vpush v44, $0xF;
	_ =	sdelay $0x7  }
0xd4: {  	s20 =	spop (v2sf)  }
0xd5: {  	s9 =	sand.u32 $0x7F, s20  }
0xd6: {  	s19 =	sadd.s32 $0xFFFFFFF8, s7;
	v49 =	vor.u32 s9, v10  }
0xd7: {  	v50 =	vmov s19  }
0xd8: {  	v51 =	vshll.u32 v50, $0x3  }
0xd9: {  	v46 =	vand.u32 $0x1C00, v51;
	v45 =	vand.u32 $0x77, v50;
	[sflag:s1] =	ssyncset.done $0x0  }
0xda: {  	v45 =	vor.u32 v46, v45;
	[sflag:s1] =	ssyncadd.s32 $0xFFFFF800  }
0xdb: {  	v45 =	vor.u32 v3, v45;
	s9 =	spop (v2sf);
	v44 =	vld.idx.msk [tilespmem:v49+s17+$0x0], $0xffff  }
0xdc: {  	s21 =	sshll.u32 s9, $0x3  }
0xdd: {  	s19 =	sand.u32 $0x7FFFFC00, s21  }
0xde: {  	s19 =	sadd.s32 s8, s19  }
0xdf: {  	s19 =	sshrl.u32 s19, $0x3  }
0xe0: {  	s19 =	sadd.s32 s0, s19;
	[tilespmem:v45+s26+$0x0] =	vst.idx.msk $0xffff, v44  }
0xe1: {  	[tilespmem:s24], [sflag:$0x8] =	stream.strided.gather [hbm4b:s19+s14], $0x800, s16, s14, $0x38;
	[tilespmem:$0xCD80] =	vst v63  }
0xe2: {  	p0 =	seq.s32 s7, $0x3FF;
	_ =	swait.ge [sflag:s25], $0x800  }
0xe3: {  	(v2sf) =	vpush @!p0 v34, $0x0;
	_ =	sdelay $0x8  }
0xe4: {  	s2 =	sand.u32 $0x7F, s2  }
0xe5: {  	v52 =	vor.u32 s2, v1;
	s20 =	sadd.s32 $0xFFFFFFF9, s7  }
0xe6: {  	v53 =	vmov s20  }
0xe7: {  	v47 =	vshll.u32 v53, $0x3  }
0xe8: {  	v46 =	vand.u32 $0x78, v53;
	v47 =	vand.u32 $0x1C00, v47;
	[sflag:s25] =	ssyncset.done $0x0  }
0xe9: {  	v46 =	vor.u32 v47, v46;
	[sflag:s25] =	ssyncadd.s32 $0xFFFFF800  }
0xea: {  	v46 =	vor.u32 v3, v46;
	v45 =	vld.idx.msk [tilespmem:v52+s17+$0x0], $0xffff;
	s2 =	spop @!p0 (v2sf)  }
0xeb: {  	s2 =	sshll.u32 @!p0 s2, $0x3  }
0xec: {  	s2 =	sand.u32 @!p0 $0x7FFFFC00, s2  }
0xed: {  	s2 =	sadd.s32 @!p0 s8, s2  }
0xee: {  	s21 =	simm.s32 @!p0 $0x480;
	s2 =	sshrl.u32 @!p0 s2, $0x3  }
0xef: {  	s19 =	simm.s32 @!p0 $0x7A1400;
	[tilespmem:v46+s26+$0x0] =	vst.idx.msk $0xffff, v45;
	s20 =	sadd.s32 @!p0 s0, s2;
	s2 =	simm.s32 @!p0 $0x400  }
0xf0: {  	[tilespmem:s21], [sflag:$0x1] =	stream.strided.gather @!p0 [hbm4b:s20+s2], $0x800, s19, s2, $0x38;
	[tilespmem:$0xCD80] =	vst v63  }
0xf1: {  	_ =	swait.ge [sflag:s28], $0x800  }
0xf2: {  	(v2sf) =	vpush @!p0 v34, $0x1;
	_ =	sdelay $0x8  }
0xf3: {  	s15 =	sand.u32 $0x7F, s15  }
0xf4: {  	v54 =	vor.u32 s15, v4;
	s21 =	sadd.s32 $0xFFFFFFFA, s7  }
0xf5: {  	v55 =	vmov s21  }
0xf6: {  	v48 =	vshll.u32 v55, $0x3  }
0xf7: {  	[sflag:s28] =	ssyncset.done $0x0;
	v47 =	vand.u32 $0x79, v55;
	v48 =	vand.u32 $0x1C00, v48  }
0xf8: {  	[sflag:s28] =	ssyncadd.s32 $0xFFFFF800;
	v47 =	vor.u32 v48, v47  }
0xf9: {  	v46 =	vld.idx.msk [tilespmem:v54+s17+$0x0], $0xffff;
	v47 =	vor.u32 v3, v47;
	s15 =	spop @!p0 (v2sf)  }
0xfa: {  	s15 =	sshll.u32 @!p0 s15, $0x3  }
0xfb: {  	s15 =	sand.u32 @!p0 $0x7FFFFC00, s15  }
0xfc: {  	s15 =	sadd.s32 @!p0 s8, s15  }
0xfd: {  	s15 =	sshrl.u32 @!p0 s15, $0x3  }
0xfe: {  	s20 =	simm.s32 @!p0 $0xC80;
	[tilespmem:v47+s26+$0x0] =	vst.idx.msk $0xffff, v46;
	s15 =	sadd.s32 @!p0 s0, s15  }
0xff: {  	[tilespmem:s20], [sflag:$0x2] =	stream.strided.gather @!p0 [hbm4b:s15+s2], $0x800, s19, s2, $0x38;
	[tilespmem:$0xCD80] =	vst v63  }
0x100: {  	_ =	swait.ge [sflag:s29], $0x800  }
0x101: {  	(v2sf) =	vpush @!p0 v34, $0x2;
	_ =	sdelay $0x8  }
0x102: {  	s5 =	sand.u32 $0x7F, s5  }
0x103: {  	v56 =	vor.u32 s5, v5;
	s21 =	sadd.s32 $0xFFFFFFFB, s7  }
0x104: {  	v57 =	vmov s21  }
0x105: {  	v49 =	vshll.u32 v57, $0x3  }
0x106: {  	v48 =	vand.u32 $0x7A, v57;
	v49 =	vand.u32 $0x1C00, v49;
	[sflag:s29] =	ssyncset.done $0x0  }
0x107: {  	v48 =	vor.u32 v49, v48;
	[sflag:s29] =	ssyncadd.s32 $0xFFFFF800  }
0x108: {  	v48 =	vor.u32 v3, v48;
	v47 =	vld.idx.msk [tilespmem:v56+s17+$0x0], $0xffff;
	s5 =	spop @!p0 (v2sf)  }
0x109: {  	s5 =	sshll.u32 @!p0 s5, $0x3  }
0x10a: {  	s5 =	sand.u32 @!p0 $0x7FFFFC00, s5  }
0x10b: {  	s5 =	sadd.s32 @!p0 s8, s5  }
0x10c: {  	s5 =	sshrl.u32 @!p0 s5, $0x3  }
0x10d: {  	s15 =	simm.s32 @!p0 $0x1480;
	[tilespmem:v48+s26+$0x0] =	vst.idx.msk $0xffff, v47;
	s5 =	sadd.s32 @!p0 s0, s5  }
0x10e: {  	[tilespmem:s15], [sflag:$0x3] =	stream.strided.gather @!p0 [hbm4b:s5+s2], $0x800, s19, s2, $0x38;
	[tilespmem:$0xCD80] =	vst v63  }
0x10f: {  	_ =	swait.ge [sflag:s30], $0x800  }
0x110: {  	(v2sf) =	vpush @!p0 v34, $0x3;
	_ =	sdelay $0x8  }
0x111: {  	s20 =	sand.u32 $0x7F, s12  }
0x112: {  	s21 =	sadd.s32 $0xFFFFFFFC, s7;
	v58 =	vor.u32 s20, v6  }
0x113: {  	v59 =	vmov s21  }
0x114: {  	v50 =	vshll.u32 v59, $0x3  }
0x115: {  	v49 =	vand.u32 $0x7B, v59;
	v50 =	vand.u32 $0x1C00, v50;
	[sflag:s30] =	ssyncset.done $0x0  }
0x116: {  	v49 =	vor.u32 v50, v49;
	[sflag:s30] =	ssyncadd.s32 $0xFFFFF800  }
0x117: {  	v49 =	vor.u32 v3, v49;
	v48 =	vld.idx.msk [tilespmem:v58+s17+$0x0], $0xffff;
	s5 =	spop @!p0 (v2sf)  }
0x118: {  	s5 =	sshll.u32 @!p0 s5, $0x3  }
0x119: {  	s5 =	sand.u32 @!p0 $0x7FFFFC00, s5  }
0x11a: {  	s5 =	sadd.s32 @!p0 s8, s5  }
0x11b: {  	s5 =	sshrl.u32 @!p0 s5, $0x3  }
0x11c: {  	s12 =	simm.s32 @!p0 $0x1C80;
	[tilespmem:v49+s26+$0x0] =	vst.idx.msk $0xffff, v48;
	s5 =	sadd.s32 @!p0 s0, s5  }
0x11d: {  	[tilespmem:s12], [sflag:$0x4] =	stream.strided.gather @!p0 [hbm4b:s5+s2], $0x800, s19, s2, $0x38;
	[tilespmem:$0xCD80] =	vst v63  }
0x11e: {  	_ =	swait.ge [sflag:s31], $0x800  }
0x11f: {  	(v2sf) =	vpush @!p0 v34, $0x4;
	_ =	sdelay $0x8  }
0x120: {  	s11 =	sand.u32 $0x7F, s11  }
0x121: {  	v60 =	vor.u32 s11, v7;
	s12 =	sadd.s32 $0xFFFFFFFD, s7  }
0x122: {  	v61 =	vmov s12  }
0x123: {  	v51 =	vshll.u32 v61, $0x3  }
0x124: {  	[sflag:s31] =	ssyncset.done $0x0;
	v50 =	vand.u32 $0x7C, v61;
	v51 =	vand.u32 $0x1C00, v51  }
0x125: {  	[sflag:s31] =	ssyncadd.s32 $0xFFFFF800;
	v50 =	vor.u32 v51, v50  }
0x126: {  	v49 =	vld.idx.msk [tilespmem:v60+s17+$0x0], $0xffff;
	v50 =	vor.u32 v3, v50;
	s5 =	spop @!p0 (v2sf)  }
0x127: {  	s5 =	sshll.u32 @!p0 s5, $0x3  }
0x128: {  	s5 =	sand.u32 @!p0 $0x7FFFFC00, s5  }
0x129: {  	s5 =	sadd.s32 @!p0 s8, s5  }
0x12a: {  	s5 =	sshrl.u32 @!p0 s5, $0x3  }
0x12b: {  	s11 =	simm.s32 @!p0 $0x2480;
	[tilespmem:v50+s26+$0x0] =	vst.idx.msk $0xffff, v49;
	s5 =	sadd.s32 @!p0 s0, s5  }
0x12c: {  	[tilespmem:s11], [sflag:$0x5] =	stream.strided.gather @!p0 [hbm4b:s5+s2], $0x800, s19, s2, $0x38;
	[tilespmem:$0xCD80] =	vst v63  }
0x12d: {  	_ =	swait.ge [sflag:s3], $0x800  }
0x12e: {  	(v2sf) =	vpush @!p0 v34, $0x5;
	_ =	sdelay $0x8  }
0x12f: {  	s15 =	sand.u32 $0x7F, s18  }
0x130: {  	s18 =	sadd.s32 $0xFFFFFFFE, s7;
	v62 =	vor.u32 s15, v8  }
0x131: {  	v63 =	vmov s18  }
0x132: {  	v52 =	vshll.u32 v63, $0x3  }
0x133: {  	v52 =	vand.u32 $0x1C00, v52;
	v51 =	vand.u32 $0x7D, v63;
	[sflag:s3] =	ssyncset.done $0x0  }
0x134: {  	v51 =	vor.u32 v52, v51;
	[sflag:s3] =	ssyncadd.s32 $0xFFFFF800  }
0x135: {  	v51 =	vor.u32 v3, v51;
	v50 =	vld.idx.msk [tilespmem:v62+s17+$0x0], $0xffff;
	s5 =	spop @!p0 (v2sf)  }
0x136: {  	s5 =	sshll.u32 @!p0 s5, $0x3  }
0x137: {  	s5 =	sand.u32 @!p0 $0x7FFFFC00, s5  }
0x138: {  	s5 =	sadd.s32 @!p0 s8, s5  }
0x139: {  	s5 =	sshrl.u32 @!p0 s5, $0x3  }
0x13a: {  	s11 =	simm.s32 @!p0 $0x2C80;
	[tilespmem:v51+s26+$0x0] =	vst.idx.msk $0xffff, v50;
	s5 =	sadd.s32 @!p0 s0, s5  }
0x13b: {  	[tilespmem:s11], [sflag:$0x6] =	stream.strided.gather @!p0 [hbm4b:s5+s2], $0x800, s19, s2, $0x38;
	[tilespmem:$0xCD80] =	vst v63  }
0x13c: {  	_ =	swait.ge [sflag:s6], $0x800  }
0x13d: {  	v55 =	vmul.f32 v37, v37;
	(v2sf) =	vpush @!p0 v34, $0x6  }
0x13e: {  	v36 =	vadd.f32 v37, v36  }
0x13f: {  	v35 =	vadd.f32 v55, v35;
	v56 =	vmul.f32 v38, v38  }
0x140: {  	v36 =	vadd.f32 v38, v36  }
0x141: {  	v57 =	vmul.f32 v39, v39;
	v35 =	vadd.f32 v56, v35  }
0x142: {  	v36 =	vadd.f32 v39, v36  }
0x143: {  	v35 =	vadd.f32 v57, v35;
	v58 =	vmul.f32 v40, v40  }
0x144: {  	v36 =	vadd.f32 v40, v36  }
0x145: {  	v59 =	vmul.f32 v41, v41;
	v35 =	vadd.f32 v58, v35  }
0x146: {  	v36 =	vadd.f32 v41, v36;
	s20 =	sand.u32 $0x7F, s10  }
0x147: {  	s21 =	sadd.s32 $0xFFFFFFFF, s7;
	v35 =	vadd.f32 v59, v35;
	v61 =	vor.u32 s20, v9;
	v60 =	vmul.f32 v42, v42  }
0x148: {  	v36 =	vadd.f32 v42, v36;
	v62 =	vmov s21  }
0x149: {  	v63 =	vmul.f32 v43, v43;
	v35 =	vadd.f32 v60, v35;
	v51 =	vshll.u32 v62, $0x3  }
0x14a: {  	v36 =	vadd.f32 v43, v36;
	v39 =	vand.u32 $0x7E, v62;
	v40 =	vand.u32 $0x1C00, v51;
	[sflag:s6] =	ssyncset.done $0x0  }
0x14b: {  	v52 =	vmul.f32 v44, v44;
	v35 =	vadd.f32 v63, v35;
	v39 =	vor.u32 v40, v39;
	[sflag:s6] =	ssyncadd.s32 $0xFFFFF800  }
0x14c: {  	v36 =	vadd.f32 v44, v36;
	v39 =	vor.u32 v3, v39;
	v38 =	vld.idx.msk [tilespmem:v61+s17+$0x0], $0xffff;
	s5 =	spop @!p0 (v2sf)  }
0x14d: {  	v53 =	vmul.f32 v45, v45;
	v35 =	vadd.f32 v52, v35;
	s5 =	sshll.u32 @!p0 s5, $0x3  }
0x14e: {  	v36 =	vadd.f32 v45, v36;
	s5 =	sand.u32 @!p0 $0x7FFFFC00, s5  }
0x14f: {  	v54 =	vmul.f32 v46, v46;
	v35 =	vadd.f32 v53, v35;
	s5 =	sadd.s32 @!p0 s8, s5  }
0x150: {  	s9 =	sand.u32 $0x7F, s9;
	v36 =	vadd.f32 v46, v36;
	s5 =	sshrl.u32 @!p0 s5, $0x3  }
0x151: {  	v56 =	vor.u32 s9, v10;
	s9 =	simm.s32 @!p0 $0x3480;
	v55 =	vmul.f32 v47, v47;
	v35 =	vadd.f32 v54, v35;
	[tilespmem:v39+s26+$0x0] =	vst.idx.msk $0xffff, v38;
	s5 =	sadd.s32 @!p0 s0, s5  }
0x152: {  	v36 =	vadd.f32 v47, v36;
	[tilespmem:s9], [sflag:$0x7] =	stream.strided.gather @!p0 [hbm4b:s5+s2], $0x800, s19, s2, $0x38;
	[tilespmem:$0xCD80] =	vst v63  }
0x153: {  	v57 =	vmul.f32 v48, v48;
	v35 =	vadd.f32 v55, v35;
	_ =	swait.ge [sflag:s1], $0x800  }
0x154: {  	v58 =	vmov s7;
	v36 =	vadd.f32 v48, v36;
	[sflag:s1] =	ssyncset.done $0x0  }
0x155: {  	v60 =	vshll.u32 v58, $0x3;
	v59 =	vmul.f32 v49, v49;
	v35 =	vadd.f32 v57, v35;
	[sflag:s1] =	ssyncadd.s32 $0xFFFFF800  }
0x156: {  	v41 =	vand.u32 $0x1C00, v60;
	v36 =	vadd.f32 v49, v36;
	v40 =	vand.u32 $0x7F, v58;
	v39 =	vld.idx.msk [tilespmem:v56+s17+$0x0], $0xffff  }
0x157: {  	v35 =	vadd.f32 v59, v35;
	v40 =	vor.u32 v41, v40;
	v61 =	vmul.f32 v50, v50  }
0x158: {  	v40 =	vor.u32 v3, v40  }
.Ltmp0:
0x159: {  	v36 =	vadd.f32 v50, v36;
	v35 =	vadd.f32 v61, v35;
	v62 =	vmul.f32 v38, v38;
	(pc) =	sbr.rel @p0 .LBB2_4-.Ltmp0, $3  }
0x15a: {  	_ = 	snop  }
0x15b: {  	v36 =	vadd.f32 v38, v36;
	v35 =	vadd.f32 v62, v35;
	v63 =	vmul.f32 v39, v39;
	_ =	sdelay $0x1  }
0x15c: {  	v36 =	vadd.f32 v39, v36;
	[tilespmem:v40+s26+$0x0] =	vst.idx.msk $0xffff, v39;
	v35 =	vadd.f32 v63, v35  }
0x15d: {  	(v2sf) =	vpush v34, $0x7;
	_ =	sdelay $0xe  }
0x15e: {  	s2 =	spop (v2sf)  }
0x15f: {  	s2 =	sshll.u32 s2, $0x3  }
.Ltmp1:
0x160: {  	s2 =	sand.u32 $0x7FFFFC00, s2;
	(pc) =	sbr.rel .LBB2_2-.Ltmp1, $4  }
0x161: {  	s2 =	sadd.s32 s8, s2  }
0x162: {  	s2 =	sshrl.u32 s2, $0x3  }
0x163: {  	s7 =	sadd.s32 $0x10, s7;
	s13 =	sadd.s32 $0x10, s13;
	s2 =	sadd.s32 s0, s2  }
0x164: {  	[tilespmem:s24], [sflag:$0x8] =	stream.strided.gather [hbm4b:s2+s14], $0x800, s16, s14, $0x38;
	[tilespmem:$0xCD80] =	vst v63  }
.LBB2_4:
0x165: {  	_ =	sdelay $0x2  }
0x166: {  	s5 =	simm.s32 $0x8480  }
0x167: {  	[tilespmem:v0+s5+$0x0] =	vst.idx.msk $0xffff, v36  }
0x168: {  	s2 =	rddreg [dreg:$0x8];
	s9 =	simm.s32 $0x9;
	[tilespmem:v11+s5+$0x0] =	vst.idx.msk $0xffff, v35  }
0x169: {  	[spmem:s2] =	stream.linear.scatter [tilespmem:s5], [sflag:$0x9], $0x400, $0x38;
	[tilespmem:$0xCD80] =	vst v63  }
0x16a: {  	_ =	swait.ge [sflag:s9], $0x400  }
0x16b: {  	[sflag:s9] =	ssyncset.done $0x0  }
0x16c: {  	[sflag:s9] =	ssyncadd.s32 $0xFFFFFC00  }
0x16d: {  	[bflag:$0x0] =	sbarrier.arrive $0xFFFF  }
0x16e: {  	s21 =	rddreg [dreg:$0x5]  }
0x16f: {  	[tilespmem:s4], [sflag:$0x9] =	stream.linear.gather [spmem:s21], $0x4000, $0x38;
	[tilespmem:$0xCD80] =	vst v63  }
0x170: {  	_ =	swait.ge [sflag:s9], $0x4000  }
0x171: {  	[sflag:s9] =	ssyncset.done $0x0  }
0x172: {  	[sflag:s9] =	ssyncadd.s32 $0xFFFFC000  }
0x173: {  	v34 =	vld.idx.msk [tilespmem:v0+s4+$0x0], $0xffff  }
0x174: {  	v63 =	vld.idx.msk [tilespmem:v11+s4+$0x0], $0xffff  }
0x175: {  	v44 =	vld.idx.msk [tilespmem:v12+s4+$0x0], $0xffff  }
0x176: {  	v37 =	vld.idx.msk [tilespmem:v13+s4+$0x0], $0xffff  }
0x177: {  	v38 =	vld.idx.msk [tilespmem:v14+s4+$0x0], $0xffff  }
0x178: {  	v39 =	vld.idx.msk [tilespmem:v15+s4+$0x0], $0xffff;
	v34 =	vadd.f32 $0.0e+00, v34  }
0x179: {  	v40 =	vld.idx.msk [tilespmem:v16+s4+$0x0], $0xffff  }
0x17a: {  	v45 =	vld.idx.msk [tilespmem:v17+s4+$0x0], $0xffff;
	v35 =	vadd.f32 $0.0e+00, v63;
	v34 =	vadd.f32 v44, v34  }
0x17b: {  	v41 =	vld.idx.msk [tilespmem:v18+s4+$0x0], $0xffff  }
0x17c: {  	v46 =	vld.idx.msk [tilespmem:v19+s4+$0x0], $0xffff;
	v35 =	vadd.f32 v37, v35;
	v34 =	vadd.f32 v38, v34  }
0x17d: {  	v47 =	vld.idx.msk [tilespmem:v20+s4+$0x0], $0xffff  }
0x17e: {  	v48 =	vld.idx.msk [tilespmem:v21+s4+$0x0], $0xffff;
	v35 =	vadd.f32 v39, v35;
	v34 =	vadd.f32 v40, v34  }
0x17f: {  	v49 =	vld.idx.msk [tilespmem:v22+s4+$0x0], $0xffff  }
0x180: {  	v50 =	vld.idx.msk [tilespmem:v23+s4+$0x0], $0xffff;
	v35 =	vadd.f32 v45, v35;
	v34 =	vadd.f32 v41, v34  }
0x181: {  	v51 =	vld.idx.msk [tilespmem:v24+s4+$0x0], $0xffff  }
0x182: {  	v52 =	vld.idx.msk [tilespmem:v25+s4+$0x0], $0xffff;
	v35 =	vadd.f32 v46, v35;
	v34 =	vadd.f32 v47, v34  }
0x183: {  	v53 =	vld.idx.msk [tilespmem:v26+s4+$0x0], $0xffff  }
0x184: {  	v54 =	vld.idx.msk [tilespmem:v27+s4+$0x0], $0xffff;
	v35 =	vadd.f32 v48, v35;
	v34 =	vadd.f32 v49, v34  }
0x185: {  	v55 =	vld.idx.msk [tilespmem:v28+s4+$0x0], $0xffff  }
0x186: {  	v57 =	vor.u32 $0x3000, v0;
	v56 =	vld.idx.msk [tilespmem:v29+s4+$0x0], $0xffff;
	v35 =	vadd.f32 v50, v35;
	v34 =	vadd.f32 v51, v34  }
0x187: {  	v43 =	vor.u32 $0x3080, v0;
	v42 =	vld.idx.msk [tilespmem:v30+s4+$0x0], $0xffff  }
0x188: {  	v59 =	vor.u32 $0x3400, v0;
	v58 =	vld.idx.msk [tilespmem:v31+s4+$0x0], $0xffff;
	v35 =	vadd.f32 v52, v35;
	v34 =	vadd.f32 v53, v34  }
0x189: {  	v61 =	vor.u32 $0x3800, v0;
	v44 =	vld.idx.msk [tilespmem:v32+s4+$0x0], $0xffff  }
0x18a: {  	v60 =	vld.idx.msk [tilespmem:v33+s4+$0x0], $0xffff;
	v45 =	vor.u32 $0x3480, v0;
	v35 =	vadd.f32 v54, v35;
	v34 =	vadd.f32 v55, v34  }
0x18b: {  	v63 =	vor.u32 $0x3C00, v0;
	v41 =	vld.idx.msk [tilespmem:v57+s4+$0x0], $0xffff  }
0x18c: {  	v62 =	vld.idx.msk [tilespmem:v43+s4+$0x0], $0xffff;
	v46 =	vor.u32 $0x3880, v0;
	v35 =	vadd.f32 v56, v35;
	v34 =	vadd.f32 v42, v34  }
0x18d: {  	v38 =	vld.idx.msk [tilespmem:v59+s4+$0x0], $0xffff  }
0x18e: {  	v40 =	vld.idx.msk [tilespmem:v61+s4+$0x0], $0xffff;
	v48 =	vor.u32 $0x3C80, v0;
	v35 =	vadd.f32 v58, v35;
	v34 =	vadd.f32 v44, v34  }
0x18f: {  	v47 =	vld.idx.msk [tilespmem:v45+s4+$0x0], $0xffff  }
0x190: {  	v50 =	vld.idx.msk [tilespmem:v63+s4+$0x0], $0xffff;
	v35 =	vadd.f32 v60, v35;
	v34 =	vadd.f32 v41, v34  }
0x191: {  	v49 =	vld.idx.msk [tilespmem:v46+s4+$0x0], $0xffff  }
0x192: {  	v35 =	vadd.f32 v62, v35;
	v34 =	vadd.f32 v38, v34  }
0x193: {  	v51 =	vld.idx.msk [tilespmem:v48+s4+$0x0], $0xffff  }
0x194: {  	v35 =	vadd.f32 v47, v35;
	v34 =	vadd.f32 v40, v34;
	_ =	sdelay $0x1  }
0x195: {  	v35 =	vadd.f32 v49, v35;
	v34 =	vadd.f32 v50, v34;
	_ =	sdelay $0x1  }
0x196: {  	v35 =	vadd.f32 v51, v35;
	v52 =	vmul.f32 $6.103515630e-05, v34;
	_ =	sdelay $0x1  }
0x197: {  	v53 =	vmul.f32 $6.103515630e-05, v35;
	v54 =	vmul.f32 v52, v52;
	_ =	sdelay $0x1  }
0x198: {  	v34 =	vsub.f32 v53, v54;
	_ =	sdelay $0x1  }
0x199: {  	v34 =	vadd.f32 $9.999999740e-06, v34;
	_ =	sdelay $0x1  }
0x19a: {  	v55 =	vshrl.u32 v34, $0x1;
	v34 =	vmul.f32 $5.000000000e-01, v34  }
0x19b: {  	v35 =	vsub.s32 $0x5F3759DF, v55  }
0x19c: {  	v56 =	vmul.f32 v35, v34;
	_ =	sdelay $0x1  }
0x19d: {  	v37 =	vmul.f32 v35, v56;
	_ =	sdelay $0x1  }
0x19e: {  	v37 =	vsub.f32 $1.500000000e+00, v37;
	_ =	sdelay $0x1  }
0x19f: {  	v35 =	vmul.f32 v35, v37;
	_ =	sdelay $0x1  }
0x1a0: {  	v37 =	vmul.f32 v35, v34;
	_ =	sdelay $0x1  }
0x1a1: {  	v37 =	vmul.f32 v37, v35;
	_ =	sdelay $0x1  }
0x1a2: {  	v37 =	vsub.f32 $1.500000000e+00, v37  }
0x1a3: {  	s5 =	simm.s32 $0x0  }
0x1a4: {  	v57 =	vmov s5;
	v35 =	vmul.f32 v37, v35  }
0x1a5: {  	v58 =	vshll.u32 v57, $0x3  }
0x1a6: {  	v38 =	vand.u32 $0x1C00, v58;
	v37 =	vand.u32 $0x78, v57;
	v34 =	vmul.f32 v35, v34  }
0x1a7: {  	v37 =	vor.u32 v38, v37  }
0x1a8: {  	s10 =	simm.s32 $0xC880;
	v37 =	vor.u32 v3, v37;
	v34 =	vmul.f32 v34, v35  }
0x1a9: {  	v59 =	vld.idx.msk [tilespmem:v2+s10+$0x0], $0xffff  }
0x1aa: {  	v34 =	vsub.f32 $1.500000000e+00, v34  }
0x1ab: {  	s11 =	simm.s32 $0xC900  }
0x1ac: {  	v60 =	vld.idx.msk [tilespmem:v2+s11+$0x0], $0xffff;
	v34 =	vmul.f32 v34, v35  }
0x1ad: {  	v61 =	vld.idx.msk [tilespmem:v37+s26+$0x0], $0xffff  }
0x1ae: {  	s7 =	simm.s32 $0x1;
	v34 =	vmul.f32 v34, v59  }
0x1af: {  	v62 =	vmov s7  }
0x1b0: {  	v63 =	vshll.u32 v62, $0x3;
	v36 =	vmul.f32 v34, v52  }
0x1b1: {  	v40 =	vand.u32 $0x1C00, v63;
	v38 =	vand.u32 $0x79, v62  }
0x1b2: {  	v38 =	vor.u32 v40, v38;
	v44 =	vmul.f32 v61, v34;
	v35 =	vsub.f32 v60, v36  }
0x1b3: {  	v38 =	vor.u32 v3, v38  }
0x1b4: {  	v36 =	vadd.f32 v44, v35;
	_ =	sdelay $0x1  }
0x1b5: {  	v36 =	vmax.f32 v36, $0.0e+00  }
0x1b6: {  	[tilespmem:v37+s26+$0x0] =	vst.idx.msk $0xffff, v36  }
0x1b7: {  	v36 =	vld.idx.msk [tilespmem:v38+s26+$0x0], $0xffff  }
0x1b8: {  	s12 =	simm.s32 $0x2  }
0x1b9: {  	v45 =	vmov s12  }
0x1ba: {  	v46 =	vshll.u32 v45, $0x3  }
0x1bb: {  	v39 =	vand.u32 $0x1C00, v46;
	v37 =	vand.u32 $0x7A, v45  }
0x1bc: {  	v37 =	vor.u32 v39, v37;
	v36 =	vmul.f32 v36, v34  }
0x1bd: {  	v37 =	vor.u32 v3, v37  }
0x1be: {  	v36 =	vadd.f32 v36, v35;
	_ =	sdelay $0x1  }
0x1bf: {  	v36 =	vmax.f32 v36, $0.0e+00  }
0x1c0: {  	[tilespmem:v38+s26+$0x0] =	vst.idx.msk $0xffff, v36  }
0x1c1: {  	v36 =	vld.idx.msk [tilespmem:v37+s26+$0x0], $0xffff  }
0x1c2: {  	s13 =	simm.s32 $0x3  }
0x1c3: {  	v47 =	vmov s13  }
0x1c4: {  	v48 =	vshll.u32 v47, $0x3  }
0x1c5: {  	v39 =	vand.u32 $0x1C00, v48;
	v38 =	vand.u32 $0x7B, v47  }
0x1c6: {  	v38 =	vor.u32 v39, v38;
	v36 =	vmul.f32 v36, v34  }
0x1c7: {  	v38 =	vor.u32 v3, v38  }
0x1c8: {  	v36 =	vadd.f32 v36, v35;
	_ =	sdelay $0x1  }
0x1c9: {  	v36 =	vmax.f32 v36, $0.0e+00  }
0x1ca: {  	[tilespmem:v37+s26+$0x0] =	vst.idx.msk $0xffff, v36  }
0x1cb: {  	v36 =	vld.idx.msk [tilespmem:v38+s26+$0x0], $0xffff  }
0x1cc: {  	s15 =	simm.s32 $0x4  }
0x1cd: {  	v49 =	vmov s15  }
0x1ce: {  	v50 =	vshll.u32 v49, $0x3  }
0x1cf: {  	v39 =	vand.u32 $0x1C00, v50;
	v37 =	vand.u32 $0x7C, v49  }
0x1d0: {  	v37 =	vor.u32 v39, v37;
	v36 =	vmul.f32 v36, v34  }
0x1d1: {  	v37 =	vor.u32 v3, v37  }
0x1d2: {  	v36 =	vadd.f32 v36, v35;
	_ =	sdelay $0x1  }
0x1d3: {  	v36 =	vmax.f32 v36, $0.0e+00  }
0x1d4: {  	[tilespmem:v38+s26+$0x0] =	vst.idx.msk $0xffff, v36  }
0x1d5: {  	v36 =	vld.idx.msk [tilespmem:v37+s26+$0x0], $0xffff  }
0x1d6: {  	s18 =	simm.s32 $0x5  }
0x1d7: {  	v51 =	vmov s18  }
0x1d8: {  	v52 =	vshll.u32 v51, $0x3  }
0x1d9: {  	v39 =	vand.u32 $0x1C00, v52;
	v38 =	vand.u32 $0x7D, v51  }
0x1da: {  	v38 =	vor.u32 v39, v38;
	v36 =	vmul.f32 v36, v34  }
0x1db: {  	v38 =	vor.u32 v3, v38  }
0x1dc: {  	v36 =	vadd.f32 v36, v35;
	_ =	sdelay $0x1  }
0x1dd: {  	v36 =	vmax.f32 v36, $0.0e+00  }
0x1de: {  	[tilespmem:v37+s26+$0x0] =	vst.idx.msk $0xffff, v36  }
0x1df: {  	v36 =	vld.idx.msk [tilespmem:v38+s26+$0x0], $0xffff  }
0x1e0: {  	s19 =	simm.s32 $0x6  }
0x1e1: {  	v53 =	vmov s19  }
0x1e2: {  	v54 =	vshll.u32 v53, $0x3  }
0x1e3: {  	v39 =	vand.u32 $0x1C00, v54;
	v37 =	vand.u32 $0x7E, v53  }
0x1e4: {  	v37 =	vor.u32 v39, v37;
	v36 =	vmul.f32 v36, v34  }
0x1e5: {  	v37 =	vor.u32 v3, v37  }
0x1e6: {  	v36 =	vadd.f32 v36, v35;
	_ =	sdelay $0x1  }
0x1e7: {  	v36 =	vmax.f32 v36, $0.0e+00  }
0x1e8: {  	[tilespmem:v38+s26+$0x0] =	vst.idx.msk $0xffff, v36  }
0x1e9: {  	v36 =	vld.idx.msk [tilespmem:v37+s26+$0x0], $0xffff  }
0x1ea: {  	s20 =	simm.s32 $0x7  }
0x1eb: {  	v55 =	vmov s20  }
0x1ec: {  	v56 =	vshll.u32 v55, $0x3  }
0x1ed: {  	v39 =	vand.u32 $0x1C00, v56;
	v38 =	vand.u32 $0x7F, v55  }
0x1ee: {  	v58 =	vor.u32 v39, v38;
	v57 =	vmul.f32 v36, v34  }
0x1ef: {  	v36 =	vor.u32 v3, v58  }
0x1f0: {  	v59 =	vadd.f32 v57, v35;
	_ =	sdelay $0x1  }
0x1f1: {  	v38 =	vmax.f32 v59, $0.0e+00  }
0x1f2: {  	[tilespmem:v37+s26+$0x0] =	vst.idx.msk $0xffff, v38  }
0x1f3: {  	v37 =	vld.idx.msk [tilespmem:v36+s26+$0x0], $0xffff;
	_ =	sdelay $0x1  }
0x1f4: {  	s21 =	simm.s32 $0x8  }
0x1f5: {  	v60 =	vmov s21  }
0x1f6: {  	v61 =	vshll.u32 v60, $0x3  }
0x1f7: {  	v39 =	vand.u32 $0x1C00, v61;
	v38 =	vand.u32 $0x78, v60;
	v37 =	vmul.f32 v37, v34  }
0x1f8: {  	v63 =	vor.u32 v39, v38  }
0x1f9: {  	v62 =	vadd.f32 v37, v35;
	v37 =	vor.u32 v3, v63;
	_ =	sdelay $0x2  }
0x1fa: {  	s7 =	simm.s32 $0xF;
	s13 =	simm.s32 $0x17;
	v38 =	vmax.f32 v62, $0.0e+00  }
.LBB2_5:
0x1fb: {  	p0 =	sne.s32 s13, $0x3FF;
	[tilespmem:v36+s26+$0x0] =	vst.idx.msk $0xffff, v38;
	s2 =	smov.u32 s13;
	s13 =	sadd.s32 $0x8, s13  }
0x1fc: {  	v36 =	vld.idx.msk [tilespmem:v37+s26+$0x0], $0xffff;
	_ =	sdelay $0x1  }
0x1fd: {  	s5 =	sadd.s32 $0xFFFFFFFA, s7  }
0x1fe: {  	v38 =	vmov s5  }
0x1ff: {  	v39 =	vshll.u32 v38, $0x3  }
0x200: {  	v38 =	vand.u32 $0x79, v38;
	v39 =	vand.u32 $0x1C00, v39  }
0x201: {  	v38 =	vor.u32 v39, v38;
	v36 =	vmul.f32 v36, v34  }
0x202: {  	v38 =	vor.u32 v3, v38  }
0x203: {  	v36 =	vadd.f32 v36, v35;
	_ =	sdelay $0x1  }
0x204: {  	v36 =	vmax.f32 v36, $0.0e+00  }
0x205: {  	[tilespmem:v37+s26+$0x0] =	vst.idx.msk $0xffff, v36  }
0x206: {  	v36 =	vld.idx.msk [tilespmem:v38+s26+$0x0], $0xffff;
	_ =	sdelay $0x1  }
0x207: {  	s5 =	sadd.s32 $0xFFFFFFFB, s7  }
0x208: {  	v37 =	vmov s5  }
0x209: {  	v39 =	vshll.u32 v37, $0x3  }
0x20a: {  	v37 =	vand.u32 $0x7A, v37;
	v39 =	vand.u32 $0x1C00, v39  }
0x20b: {  	v37 =	vor.u32 v39, v37;
	v36 =	vmul.f32 v36, v34  }
0x20c: {  	v37 =	vor.u32 v3, v37  }
0x20d: {  	v36 =	vadd.f32 v36, v35;
	_ =	sdelay $0x1  }
0x20e: {  	v36 =	vmax.f32 v36, $0.0e+00  }
0x20f: {  	[tilespmem:v38+s26+$0x0] =	vst.idx.msk $0xffff, v36  }
0x210: {  	v36 =	vld.idx.msk [tilespmem:v37+s26+$0x0], $0xffff;
	_ =	sdelay $0x1  }
0x211: {  	s5 =	sadd.s32 $0xFFFFFFFC, s7  }
0x212: {  	v38 =	vmov s5  }
0x213: {  	v39 =	vshll.u32 v38, $0x3  }
0x214: {  	v38 =	vand.u32 $0x7B, v38;
	v39 =	vand.u32 $0x1C00, v39  }
0x215: {  	v38 =	vor.u32 v39, v38;
	v36 =	vmul.f32 v36, v34  }
0x216: {  	v38 =	vor.u32 v3, v38  }
0x217: {  	v36 =	vadd.f32 v36, v35;
	_ =	sdelay $0x1  }
0x218: {  	v36 =	vmax.f32 v36, $0.0e+00  }
0x219: {  	[tilespmem:v37+s26+$0x0] =	vst.idx.msk $0xffff, v36  }
0x21a: {  	v36 =	vld.idx.msk [tilespmem:v38+s26+$0x0], $0xffff;
	_ =	sdelay $0x1  }
0x21b: {  	s5 =	sadd.s32 $0xFFFFFFFD, s7  }
0x21c: {  	v37 =	vmov s5  }
0x21d: {  	v39 =	vshll.u32 v37, $0x3  }
0x21e: {  	v37 =	vand.u32 $0x7C, v37;
	v39 =	vand.u32 $0x1C00, v39  }
0x21f: {  	v37 =	vor.u32 v39, v37;
	v36 =	vmul.f32 v36, v34  }
0x220: {  	v37 =	vor.u32 v3, v37  }
0x221: {  	v36 =	vadd.f32 v36, v35;
	_ =	sdelay $0x1  }
0x222: {  	v36 =	vmax.f32 v36, $0.0e+00  }
0x223: {  	[tilespmem:v38+s26+$0x0] =	vst.idx.msk $0xffff, v36  }
0x224: {  	v36 =	vld.idx.msk [tilespmem:v37+s26+$0x0], $0xffff;
	_ =	sdelay $0x1  }
0x225: {  	s5 =	sadd.s32 $0xFFFFFFFE, s7  }
0x226: {  	v38 =	vmov s5  }
0x227: {  	v39 =	vshll.u32 v38, $0x3  }
0x228: {  	v38 =	vand.u32 $0x7D, v38;
	v39 =	vand.u32 $0x1C00, v39  }
0x229: {  	v38 =	vor.u32 v39, v38;
	v36 =	vmul.f32 v36, v34  }
0x22a: {  	v38 =	vor.u32 v3, v38  }
0x22b: {  	v36 =	vadd.f32 v36, v35;
	_ =	sdelay $0x1  }
0x22c: {  	v36 =	vmax.f32 v36, $0.0e+00  }
0x22d: {  	[tilespmem:v37+s26+$0x0] =	vst.idx.msk $0xffff, v36  }
0x22e: {  	v36 =	vld.idx.msk [tilespmem:v38+s26+$0x0], $0xffff;
	_ =	sdelay $0x1  }
0x22f: {  	s5 =	sadd.s32 $0xFFFFFFFF, s7  }
0x230: {  	v37 =	vmov s5  }
0x231: {  	v39 =	vshll.u32 v37, $0x3  }
0x232: {  	v37 =	vand.u32 $0x7E, v37;
	v39 =	vand.u32 $0x1C00, v39  }
0x233: {  	v37 =	vor.u32 v39, v37;
	v36 =	vmul.f32 v36, v34  }
0x234: {  	v37 =	vor.u32 v3, v37  }
0x235: {  	v36 =	vadd.f32 v36, v35;
	_ =	sdelay $0x1  }
0x236: {  	v36 =	vmax.f32 v36, $0.0e+00  }
0x237: {  	[tilespmem:v38+s26+$0x0] =	vst.idx.msk $0xffff, v36  }
0x238: {  	v36 =	vld.idx.msk [tilespmem:v37+s26+$0x0], $0xffff;
	_ =	sdelay $0x2  }
0x239: {  	v38 =	vmov s7;
	s7 =	smov.u32 s2  }
0x23a: {  	v39 =	vshll.u32 v38, $0x3  }
0x23b: {  	v38 =	vand.u32 $0x7F, v38;
	v39 =	vand.u32 $0x1C00, v39  }
0x23c: {  	v40 =	vmul.f32 v36, v34;
	v36 =	vor.u32 v39, v38  }
0x23d: {  	v36 =	vor.u32 v3, v36  }
0x23e: {  	v38 =	vadd.f32 v40, v35;
	_ =	sdelay $0x1  }
0x23f: {  	v38 =	vmax.f32 v38, $0.0e+00  }
0x240: {  	[tilespmem:v37+s26+$0x0] =	vst.idx.msk $0xffff, v38  }
0x241: {  	v37 =	vld.idx.msk [tilespmem:v36+s26+$0x0], $0xffff;
	_ =	sdelay $0x1  }
0x242: {  	s2 =	sadd.s32 $0xFFFFFFF9, s7  }
0x243: {  	v38 =	vmov s2  }
0x244: {  	v39 =	vshll.u32 v38, $0x3  }
0x245: {  	v38 =	vand.u32 $0x78, v38;
	v39 =	vand.u32 $0x1C00, v39  }
.Ltmp2:
0x246: {  	v38 =	vor.u32 v39, v38;
	v39 =	vmul.f32 v37, v34;
	(pc) =	sbr.rel @p0 .LBB2_5-.Ltmp2, $3  }
0x247: {  	v37 =	vor.u32 v3, v38  }
0x248: {  	v38 =	vadd.f32 v39, v35;
	_ =	sdelay $0x1  }
0x249: {  	v38 =	vmax.f32 v38, $0.0e+00  }
0x24a: {  	_ =	sdelay $0x3  }
0x24b: {  	[tilespmem:v36+s26+$0x0] =	vst.idx.msk $0xffff, v38  }
0x24c: {  	v36 =	vld.idx.msk [tilespmem:v37+s26+$0x0], $0xffff  }
0x24d: {  	s2 =	sadd.s32 $0xFFFFFFFA, s7  }
0x24e: {  	v50 =	vmov s2  }
0x24f: {  	v39 =	vshll.u32 v50, $0x3  }
0x250: {  	v38 =	vand.u32 $0x79, v50;
	v39 =	vand.u32 $0x1C00, v39  }
0x251: {  	v38 =	vor.u32 v39, v38;
	v36 =	vmul.f32 v36, v34  }
0x252: {  	v38 =	vor.u32 v3, v38  }
0x253: {  	v36 =	vadd.f32 v36, v35;
	_ =	sdelay $0x1  }
0x254: {  	v36 =	vmax.f32 v36, $0.0e+00  }
0x255: {  	[tilespmem:v37+s26+$0x0] =	vst.idx.msk $0xffff, v36  }
0x256: {  	v36 =	vld.idx.msk [tilespmem:v38+s26+$0x0], $0xffff  }
0x257: {  	s21 =	sadd.s32 $0xFFFFFFFB, s7  }
0x258: {  	v51 =	vmov s21  }
0x259: {  	v52 =	vshll.u32 v51, $0x3  }
0x25a: {  	v39 =	vand.u32 $0x1C00, v52;
	v37 =	vand.u32 $0x7A, v51  }
0x25b: {  	v37 =	vor.u32 v39, v37;
	v36 =	vmul.f32 v36, v34  }
0x25c: {  	v37 =	vor.u32 v3, v37  }
0x25d: {  	v36 =	vadd.f32 v36, v35;
	_ =	sdelay $0x1  }
0x25e: {  	v36 =	vmax.f32 v36, $0.0e+00  }
0x25f: {  	[tilespmem:v38+s26+$0x0] =	vst.idx.msk $0xffff, v36  }
0x260: {  	v36 =	vld.idx.msk [tilespmem:v37+s26+$0x0], $0xffff  }
0x261: {  	s5 =	sadd.s32 $0xFFFFFFFC, s7  }
0x262: {  	v53 =	vmov s5  }
0x263: {  	v54 =	vshll.u32 v53, $0x3  }
0x264: {  	v39 =	vand.u32 $0x1C00, v54;
	v38 =	vand.u32 $0x7B, v53  }
0x265: {  	v38 =	vor.u32 v39, v38;
	v36 =	vmul.f32 v36, v34  }
0x266: {  	v38 =	vor.u32 v3, v38  }
0x267: {  	v36 =	vadd.f32 v36, v35;
	_ =	sdelay $0x1  }
0x268: {  	v36 =	vmax.f32 v36, $0.0e+00  }
0x269: {  	[tilespmem:v37+s26+$0x0] =	vst.idx.msk $0xffff, v36  }
0x26a: {  	v36 =	vld.idx.msk [tilespmem:v38+s26+$0x0], $0xffff  }
0x26b: {  	s12 =	sadd.s32 $0xFFFFFFFD, s7  }
0x26c: {  	v55 =	vmov s12  }
0x26d: {  	v56 =	vshll.u32 v55, $0x3  }
0x26e: {  	v39 =	vand.u32 $0x1C00, v56;
	v37 =	vand.u32 $0x7C, v55  }
0x26f: {  	v37 =	vor.u32 v39, v37;
	v36 =	vmul.f32 v36, v34  }
0x270: {  	v37 =	vor.u32 v3, v37  }
0x271: {  	v36 =	vadd.f32 v36, v35;
	_ =	sdelay $0x1  }
0x272: {  	v36 =	vmax.f32 v36, $0.0e+00  }
0x273: {  	[tilespmem:v38+s26+$0x0] =	vst.idx.msk $0xffff, v36  }
0x274: {  	v36 =	vld.idx.msk [tilespmem:v37+s26+$0x0], $0xffff  }
0x275: {  	s13 =	sadd.s32 $0xFFFFFFFE, s7  }
0x276: {  	v57 =	vmov s13  }
0x277: {  	v58 =	vshll.u32 v57, $0x3  }
0x278: {  	v39 =	vand.u32 $0x1C00, v58;
	v38 =	vand.u32 $0x7D, v57  }
0x279: {  	v38 =	vor.u32 v39, v38;
	v36 =	vmul.f32 v36, v34  }
0x27a: {  	v38 =	vor.u32 v3, v38  }
0x27b: {  	v36 =	vadd.f32 v36, v35;
	_ =	sdelay $0x1  }
0x27c: {  	v36 =	vmax.f32 v36, $0.0e+00  }
0x27d: {  	[tilespmem:v37+s26+$0x0] =	vst.idx.msk $0xffff, v36  }
0x27e: {  	v36 =	vld.idx.msk [tilespmem:v38+s26+$0x0], $0xffff  }
0x27f: {  	s15 =	sadd.s32 $0xFFFFFFFF, s7  }
0x280: {  	v59 =	vmov s15  }
0x281: {  	v60 =	vshll.u32 v59, $0x3  }
0x282: {  	v39 =	vand.u32 $0x1C00, v60;
	v37 =	vand.u32 $0x7E, v59  }
0x283: {  	v37 =	vor.u32 v39, v37;
	v36 =	vmul.f32 v36, v34  }
0x284: {  	v37 =	vor.u32 v3, v37  }
0x285: {  	v36 =	vadd.f32 v36, v35;
	_ =	sdelay $0x1  }
0x286: {  	v36 =	vmax.f32 v36, $0.0e+00  }
0x287: {  	[tilespmem:v38+s26+$0x0] =	vst.idx.msk $0xffff, v36  }
0x288: {  	v36 =	vld.idx.msk [tilespmem:v37+s26+$0x0], $0xffff;
	_ =	sdelay $0x1  }
0x289: {  	v61 =	vmov s7  }
0x28a: {  	v62 =	vshll.u32 v61, $0x3  }
0x28b: {  	v39 =	vand.u32 $0x1C00, v62;
	v38 =	vand.u32 $0x7F, v61  }
0x28c: {  	v38 =	vor.u32 v39, v38;
	v36 =	vmul.f32 v36, v34  }
0x28d: {  	v38 =	vor.u32 v3, v38  }
0x28e: {  	v36 =	vadd.f32 v36, v35;
	_ =	sdelay $0x1  }
0x28f: {  	v36 =	vmax.f32 v36, $0.0e+00  }
0x290: {  	[tilespmem:v37+s26+$0x0] =	vst.idx.msk $0xffff, v36  }
0x291: {  	v36 =	vld.idx.msk [tilespmem:v38+s26+$0x0], $0xffff;
	_ =	sdelay $0x4  }
0x292: {  	v63 =	vmul.f32 v36, v34;
	_ =	sdelay $0x1  }
0x293: {  	v34 =	vadd.f32 v63, v35;
	_ =	sdelay $0x1  }
0x294: {  	v34 =	vmax.f32 v34, $0.0e+00  }
0x295: {  	s18 =	rddreg [dreg:$0x9];
	s19 =	simm.s32 $0x20000;
	s5 =	simm.s32 $0x2000;
	[tilespmem:v38+s26+$0x0] =	vst.idx.msk $0xffff, v34  }
0x296: {  	[hbm4b:s18+s5] =	stream.strided.scatter [tilespmem:s26], [sflag:$0x9], $0x4000, s19, s5, $0x38;
	[tilespmem:$0xCD80] =	vst v63  }
0x297: {  	_ =	swait.ge [sflag:s9], $0x4000  }
0x298: {  	s20 =	rddreg [dreg:$0xb]  }
0x299: {  	s21 =	rddreg [dreg:$0xa];
	s5 =	sadd.s32 $0x1, s20  }
0x29a: {  	p0 =	sne.s32 s5, s21  }
.Ltmp3:
0x29b: {  	_ = 	snop;
	(pc) =	sbr.rel @p0 .LBB2_1-.Ltmp3, $3  }
0x29c: {  	_ =	sdelay $0x1  }
0x29d: {  	[sflag:s9] =	ssyncset.done $0x0  }
0x29e: {  	[sflag:s9] =	ssyncadd.s32 $0xFFFFC000  }
0x29f: {  	_ =	sfence.sel $0x180000  }
0x2a0: {  	[bflag:$0x0] =	sbarrier.arrive $0xFFFF  }
0x2a1: {  	_ =	strace $0x90000047  }
0x2a2: {  	s0 =	stileid.u32;
	[bflag:$0x2] =	sbarrier.arrive $0xFFFF  }
0x2a3: {  	p0 =	sne.s32 s0, $0x0;
	s0 =	rddreg [dreg:$0x6]  }
0x2a4: {  	s0 =	sadd.s32 @!p0 $0x100000, s0  }
0x2a5: {  	[sflag:s0] =	ssyncadd.tile.s32 @!p0 $0x1;
	_ =	shalt  }
.Lfunc_end2:
_tile_overlayer_lowered:
.L_overlay_start_2:
0x2a6: {  	(tag) =	ssettag $0x2  }
0x2a7: {  	s0 =	rddreg [dreg:$0x0];
	s2 =	stileid.u32  }
0x2a8: {  	s1 =	rddreg [dreg:$0x1];
	p0 =	sne.s32 s2, $0x0  }
0x2a9: {  	s3 =	rddreg [dreg:$0x2];
	[bflag:$0x3] =	sbarrier.arrive $0xFFFF;
	s2 =	simm.s32 @!p0 $0x1C09  }
0x2aa: {  	[timem:s3], [sflag:s2] =	dma.local @!p0 [hbm:s0], s1  }
0x2ab: {  	s0 =	simm.s32 @!p0 $0x9  }
0x2ac: {  	_ =	swait.ge @!p0 [sflag:s0], s1  }
0x2ad: {  	s1 =	ssub.s32 @!p0 $0x0, s1;
	[sflag:s0] =	ssyncset.done @!p0 $0x0  }
0x2ae: {  	[sflag:s0] =	ssyncadd.s32 @!p0 s1  }
0x2af: {  	[bflag:$0x3] =	sbarrier.arrive $0xFFFF  }
0x2b0: {  	_ =	shalt  }

</sc_bundles>
